<compile_context>
chip_gen: v7x
topology: tpu7x:2x2x1
jax: 0.10.2.dev20260603
libtpu: 0.0.44.dev20260713+nightly
codegen_flags: <defaults>
</compile_context>

<pallas_src>
import functools

import jax
import jax.numpy as jnp
from jax import lax
from jax.experimental import pallas as pl
from jax.experimental.pallas import tpu as pltpu
import jax.experimental.pallas.tpu_sc as plsc

N = 50000
E = 800000
G = 512
EPS = 1e-5

NPAD = 51200
EPAD = 819200
GP = 640
NC = 2
NS = 16
NT = NPAD // NS
ET = EPAD // NS
CHE1 = 512
NCH1 = ET // CHE1
CHE2 = 256
NB2 = 2
NCH2 = ET // CHE2
CHN = 640
NPCH = NT // CHN
RB = 2048
NBLK = NPAD // RB


def _mesh():
    return plsc.VectorSubcoreMesh(
        core_axis_name="c", subcore_axis_name="s", num_cores=NC, num_subcores=NS)


def _sc1_body(sid, cid, pid, srcr, dstr, batr, semb, cemb, pemb, z16, z8, z1,
              ones_h,
              xs, xc, xp, aggs, aggc, aggp, cnt, gcnt,
              acc16, acc8, cnt_sp, gcnt_sp,
              ei0, ei1, ed0, ed1, er16_0, er16_1, er8_0, er8_1,
              pi_v, pd_v, pr16, pr8, ones_e, ones_p,
              sem0, sem1, semp):
    c = lax.axis_index("c")
    s = lax.axis_index("s")
    nb = s * NT
    eb = s * ET
    ei = (ei0, ei1)
    ed = (ed0, ed1)
    er16 = (er16_0, er16_1)
    er8 = (er8_0, er8_1)
    sems = (sem0, sem1)
    pltpu.sync_copy(ones_h.at[pl.ds(0, CHE1)], ones_e)
    pltpu.sync_copy(ones_h, ones_p)

    pltpu.sync_copy(z16, acc16.at[pl.ds(nb, NT)])

    @pl.when(c == 0)
    def _():
        pltpu.sync_copy(z8, acc8.at[pl.ds(nb, NT)])

    @pl.when(c == 1)
    def _():
        pltpu.sync_copy(z1, cnt_sp.at[pl.ds(nb, NT)])

        @pl.when(s == 0)
        def _():
            pltpu.sync_copy(z1.at[pl.ds(0, GP)], gcnt_sp)

    plsc.subcore_barrier()

    @pl.when(c == 0)
    def _():
        @pl.loop(0, NPCH)
        def _(k):
            o = nb + k * CHN
            pltpu.sync_copy(sid.at[pl.ds(o, CHN)], pi_v)
            pltpu.sync_copy(pid.at[pl.ds(o, CHN)], pd_v)
            pltpu.async_copy(semb.at[pi_v], pr16, semp)
            pltpu.async_copy(pemb.at[pd_v], pr8, semp)
            pltpu.make_async_copy(xs.at[pl.ds(0, CHN)], pr16, semp).wait()
            pltpu.make_async_copy(xp.at[pl.ds(0, CHN)], pr8, semp).wait()
            pltpu.sync_copy(pr16, xs.at[pl.ds(o, CHN)])
            pltpu.sync_copy(pr8, xp.at[pl.ds(o, CHN)])

    @pl.when(c == 1)
    def _():
        @pl.loop(0, NPCH)
        def _(k):
            o = nb + k * CHN
            pltpu.sync_copy(cid.at[pl.ds(o, CHN)], pi_v)
            pltpu.sync_copy(batr.at[pl.ds(o, CHN)], pd_v)
            pltpu.async_copy(cemb.at[pi_v], pr16, semp).wait()
            pltpu.sync_copy(pr16, xc.at[pl.ds(o, CHN)])
            pltpu.sync_copy(ones_p, gcnt_sp.at[pd_v], add=True)

    plsc.subcore_barrier()

    @pl.when(c == 0)
    def _():
        for b in range(2):
            pltpu.sync_copy(srcr.at[pl.ds(eb + b * CHE1, CHE1)], ei[b])
            pltpu.sync_copy(dstr.at[pl.ds(eb + b * CHE1, CHE1)], ed[b])
            pltpu.async_copy(xs.at[ei[b]], er16[b], sems[b])
            pltpu.async_copy(xp.at[ei[b]], er8[b], sems[b])

        @pl.loop(0, NCH1, step=2)
        def _(k):
            for b in range(2):
                pltpu.make_async_copy(
                    xs.at[pl.ds(0, CHE1)], er16[b], sems[b]).wait()
                pltpu.make_async_copy(
                    xp.at[pl.ds(0, CHE1)], er8[b], sems[b]).wait()
                pltpu.sync_copy(er16[b], acc16.at[ed[b]], add=True)
                pltpu.sync_copy(er8[b], acc8.at[ed[b]], add=True)

                @pl.when(k + (b + 2) < NCH1)
                def _():
                    o = eb + (k + (b + 2)) * CHE1
                    pltpu.sync_copy(srcr.at[pl.ds(o, CHE1)], ei[b])
                    pltpu.sync_copy(dstr.at[pl.ds(o, CHE1)], ed[b])
                    pltpu.async_copy(xs.at[ei[b]], er16[b], sems[b])
                    pltpu.async_copy(xp.at[ei[b]], er8[b], sems[b])

    @pl.when(c == 1)
    def _():
        for b in range(2):
            pltpu.sync_copy(srcr.at[pl.ds(eb + b * CHE1, CHE1)], ei[b])
            pltpu.sync_copy(dstr.at[pl.ds(eb + b * CHE1, CHE1)], ed[b])
            pltpu.async_copy(xc.at[ei[b]], er16[b], sems[b])

        @pl.loop(0, NCH1, step=2)
        def _(k):
            for b in range(2):
                pltpu.make_async_copy(
                    xc.at[pl.ds(0, CHE1)], er16[b], sems[b]).wait()
                pltpu.sync_copy(er16[b], acc16.at[ed[b]], add=True)
                pltpu.sync_copy(ones_e, cnt_sp.at[ed[b]], add=True)

                @pl.when(k + (b + 2) < NCH1)
                def _():
                    o = eb + (k + (b + 2)) * CHE1
                    pltpu.sync_copy(srcr.at[pl.ds(o, CHE1)], ei[b])
                    pltpu.sync_copy(dstr.at[pl.ds(o, CHE1)], ed[b])
                    pltpu.async_copy(xc.at[ei[b]], er16[b], sems[b])

    plsc.subcore_barrier()

    @pl.when(c == 0)
    def _():
        pltpu.sync_copy(acc16.at[pl.ds(nb, NT)], aggs.at[pl.ds(nb, NT)])
        pltpu.sync_copy(acc8.at[pl.ds(nb, NT)], aggp.at[pl.ds(nb, NT)])

    @pl.when(c == 1)
    def _():
        pltpu.sync_copy(acc16.at[pl.ds(nb, NT)], aggc.at[pl.ds(nb, NT)])
        pltpu.sync_copy(cnt_sp.at[pl.ds(nb, NT)], cnt.at[pl.ds(nb, NT)])

        @pl.when(s == 0)
        def _():
            pltpu.sync_copy(gcnt_sp, gcnt)


def _sc1(sid, cid, pid, srcr, dstr, batr, semb, cemb, pemb, z16, z8, z1,
         ones_h):
    f32 = jnp.float32
    i32 = jnp.int32
    out_type = [
        jax.ShapeDtypeStruct((NPAD, 16), f32),
        jax.ShapeDtypeStruct((NPAD, 16), f32),
        jax.ShapeDtypeStruct((NPAD, 8), f32),
        jax.ShapeDtypeStruct((NPAD, 16), f32),
        jax.ShapeDtypeStruct((NPAD, 16), f32),
        jax.ShapeDtypeStruct((NPAD, 8), f32),
        jax.ShapeDtypeStruct((NPAD,), f32),
        jax.ShapeDtypeStruct((GP,), f32),
    ]
    scratch = [
        pltpu.VMEM_SHARED((NPAD, 16), f32),
        pltpu.VMEM_SHARED((NPAD, 8), f32),
        pltpu.VMEM_SHARED((NPAD,), f32),
        pltpu.VMEM_SHARED((GP,), f32),
        pltpu.VMEM((CHE1,), i32),
        pltpu.VMEM((CHE1,), i32),
        pltpu.VMEM((CHE1,), i32),
        pltpu.VMEM((CHE1,), i32),
        pltpu.VMEM((CHE1, 16), f32),
        pltpu.VMEM((CHE1, 16), f32),
        pltpu.VMEM((CHE1, 8), f32),
        pltpu.VMEM((CHE1, 8), f32),
        pltpu.VMEM((CHN,), i32),
        pltpu.VMEM((CHN,), i32),
        pltpu.VMEM((CHN, 16), f32),
        pltpu.VMEM((CHN, 8), f32),
        pltpu.VMEM((CHE1,), f32),
        pltpu.VMEM((CHN,), f32),
        pltpu.SemaphoreType.DMA,
        pltpu.SemaphoreType.DMA,
        pltpu.SemaphoreType.DMA,
    ]
    return pl.kernel(_sc1_body, out_type=out_type, mesh=_mesh(),
                     scratch_types=scratch,
                     compiler_params=pltpu.CompilerParams(
                         use_tc_tiling_on_sc=False))(
        sid, cid, pid, srcr, dstr, batr, semb, cemb, pemb, z16, z8, z1,
        ones_h)


def _sc2_body(srcr, dstr, y1a, y1b, z32, agg2a, agg2b, acc32, *rest):
    c = lax.axis_index("c")
    s = lax.axis_index("s")
    nb = s * NT
    eb = s * ET
    ei = rest[0:NB2]
    ed = rest[NB2:2 * NB2]
    er32 = rest[2 * NB2:3 * NB2]
    sems = rest[3 * NB2:4 * NB2]

    pltpu.sync_copy(z32, acc32.at[pl.ds(nb, NT)])
    plsc.subcore_barrier()

    def edge_loop(table):
        for b in range(NB2):
            pltpu.sync_copy(srcr.at[pl.ds(eb + b * CHE2, CHE2)], ei[b])
            pltpu.sync_copy(dstr.at[pl.ds(eb + b * CHE2, CHE2)], ed[b])
            pltpu.async_copy(table.at[ei[b]], er32[b], sems[b])

        @pl.loop(0, NCH2, step=NB2)
        def _(k):
            for b in range(NB2):
                pltpu.make_async_copy(
                    table.at[pl.ds(0, CHE2)], er32[b], sems[b]).wait()
                pltpu.sync_copy(er32[b], acc32.at[ed[b]], add=True)

                @pl.when(k + (b + NB2) < NCH2)
                def _():
                    o = eb + (k + (b + NB2)) * CHE2
                    pltpu.sync_copy(srcr.at[pl.ds(o, CHE2)], ei[b])
                    pltpu.sync_copy(dstr.at[pl.ds(o, CHE2)], ed[b])
                    pltpu.async_copy(table.at[ei[b]], er32[b], sems[b])

    @pl.when(c == 0)
    def _():
        edge_loop(y1a)

    @pl.when(c == 1)
    def _():
        edge_loop(y1b)

    plsc.subcore_barrier()

    @pl.when(c == 0)
    def _():
        pltpu.sync_copy(acc32.at[pl.ds(nb, NT)], agg2a.at[pl.ds(nb, NT)])

    @pl.when(c == 1)
    def _():
        pltpu.sync_copy(acc32.at[pl.ds(nb, NT)], agg2b.at[pl.ds(nb, NT)])


def _sc2(srcr, dstr, y1a, y1b, z32):
    f32 = jnp.float32
    i32 = jnp.int32
    out_type = [
        jax.ShapeDtypeStruct((NPAD, 32), f32),
        jax.ShapeDtypeStruct((NPAD, 32), f32),
    ]
    scratch = (
        [pltpu.VMEM_SHARED((NPAD, 32), f32)]
        + [pltpu.VMEM((CHE2,), i32)] * (2 * NB2)
        + [pltpu.VMEM((CHE2, 32), f32)] * NB2
        + [pltpu.SemaphoreType.DMA] * NB2
    )
    return pl.kernel(_sc2_body, out_type=out_type, mesh=_mesh(),
                     scratch_types=scratch,
                     compiler_params=pltpu.CompilerParams(
                         use_tc_tiling_on_sc=False))(srcr, dstr, y1a, y1b, z32)


def _dot(a, b):
    return jnp.dot(a, b, preferred_element_type=jnp.float32)


NF = NPAD // 8
RBF = NF // NBLK
NRF = N // 8


def _sage_dense_folded_body(x16w, xw, a16w, aw, rc_ref, w_ref, bl_ref,
                            h_ref, sums_ref):
    i = pl.program_id(0)
    cats = []
    for k in range(8):
        rc = rc_ref[:, 16 * k:16 * k + 1]
        xp = [r[:, (r.shape[1] // 8) * k:(r.shape[1] // 8) * (k + 1)]
              for r in x16w + xw]
        ap = [r[:, (r.shape[1] // 8) * k:(r.shape[1] // 8) * (k + 1)]
              for r in a16w + aw]
        cats.append(jnp.concatenate(xp + [a * rc for a in ap], axis=1))
    big = _dot(jnp.concatenate(cats, axis=0), w_ref[...]) + bl_ref[...]
    h = jnp.concatenate(
        [big[RBF * k:RBF * (k + 1)] for k in range(8)], axis=1)
    h_ref[...] = h
    rid = i * RBF + lax.broadcasted_iota(jnp.int32, (RBF, 1), 0)
    hm = jnp.where(rid < NRF, h, 0.0)
    ssum = jnp.concatenate(
        [jnp.sum(hm, axis=0, keepdims=True),
         jnp.sum(hm * hm, axis=0, keepdims=True)], axis=0)

    @pl.when(i == 0)
    def _():
        sums_ref[...] = ssum

    @pl.when(i > 0)
    def _():
        sums_ref[...] += ssum


def _sage_dense_folded(x16, xodd, a16, aodd, rcf, wcat, blf):
    n16 = len(x16)
    nod = len(xodd)

    def body(*refs):
        p = 0
        x16r = list(refs[p:p + n16]); p += n16
        xor_ = list(refs[p:p + nod]); p += nod
        a16r = list(refs[p:p + n16]); p += n16
        aor = list(refs[p:p + nod]); p += nod
        rc_ref, w_ref, bl_ref = refs[p], refs[p + 1], refs[p + 2]
        h_ref, sums_ref = refs[p + 3], refs[p + 4]
        _sage_dense_folded_body(x16r, xor_, a16r, aor, rc_ref, w_ref, bl_ref,
                                h_ref, sums_ref)

    row_spec = lambda a: pl.BlockSpec((RBF, a.shape[1]), lambda i: (i, 0))
    full_spec = lambda a: pl.BlockSpec(a.shape, lambda i: (0, 0))
    arrs = x16 + xodd + a16 + aodd
    in_specs = ([row_spec(a) for a in arrs]
                + [row_spec(rcf), full_spec(wcat), full_spec(blf)])
    return pl.pallas_call(
        body,
        grid=(NBLK,),
        in_specs=in_specs,
        out_specs=[pl.BlockSpec((RBF, 512), lambda i: (i, 0)),
                   pl.BlockSpec((2, 512), lambda i: (0, 0))],
        out_shape=[jax.ShapeDtypeStruct((NF, 512), jnp.float32),
                   jax.ShapeDtypeStruct((2, 512), jnp.float32)],
    )(*arrs, rcf, wcat, blf)


def _bn_relu_split_folded_body(h_ref, sc_ref, sh_ref, ya_ref, yb_ref):
    y = jnp.maximum(h_ref[...] * sc_ref[...] + sh_ref[...], 0.0)
    for j in range(2):
        ya_ref[j] = jnp.concatenate(
            [y[:, (4 * j + m) * 64:(4 * j + m) * 64 + 32] for m in range(4)],
            axis=1)
        yb_ref[j] = jnp.concatenate(
            [y[:, (4 * j + m) * 64 + 32:(4 * j + m + 1) * 64]
             for m in range(4)], axis=1)


def _bn_relu_split_folded(hf, scf, shf):
    return pl.pallas_call(
        _bn_relu_split_folded_body,
        grid=(NBLK,),
        in_specs=[pl.BlockSpec((RBF, 512), lambda i: (i, 0)),
                  pl.BlockSpec((1, 512), lambda i: (0, 0)),
                  pl.BlockSpec((1, 512), lambda i: (0, 0))],
        out_specs=[pl.BlockSpec((2, RBF, 128), lambda i: (0, i, 0)),
                   pl.BlockSpec((2, RBF, 128), lambda i: (0, i, 0))],
        out_shape=[jax.ShapeDtypeStruct((2, NF, 128), jnp.float32),
                   jax.ShapeDtypeStruct((2, NF, 128), jnp.float32)],
    )(hf, scf, shf)


def _sage2_folded_body(ya_ref, yb_ref, a2a_ref, a2b_ref, rc_ref, w_ref,
                       bl_ref, h_ref, sums_ref):
    i = pl.program_id(0)
    cats = []
    for k in range(8):
        j, m = divmod(k, 4)
        rc = rc_ref[:, 16 * k:16 * k + 1]
        y_k = jnp.concatenate(
            [ya_ref[j][:, 32 * m:32 * m + 32],
             yb_ref[j][:, 32 * m:32 * m + 32]], axis=1)
        a_k = jnp.concatenate(
            [a2a_ref[:, 32 * k:32 * k + 32],
             a2b_ref[:, 32 * k:32 * k + 32]], axis=1) * rc
        cats.append(jnp.concatenate([y_k, a_k], axis=1))
    big = _dot(jnp.concatenate(cats, axis=0), w_ref[...]) + bl_ref[...]
    h = jnp.concatenate(
        [big[RBF * k:RBF * (k + 1)] for k in range(8)], axis=1)
    h_ref[...] = h
    rid = i * RBF + lax.broadcasted_iota(jnp.int32, (RBF, 1), 0)
    hm = jnp.where(rid < NRF, h, 0.0)
    ssum = jnp.concatenate(
        [jnp.sum(hm, axis=0, keepdims=True),
         jnp.sum(hm * hm, axis=0, keepdims=True)], axis=0)

    @pl.when(i == 0)
    def _():
        sums_ref[...] = ssum

    @pl.when(i > 0)
    def _():
        sums_ref[...] += ssum


def _sage2_folded(ya, yb, a2af, a2bf, rcf, wcat, blf):
    full_spec = lambda a: pl.BlockSpec(a.shape, lambda i: (0, 0))
    return pl.pallas_call(
        _sage2_folded_body,
        grid=(NBLK,),
        in_specs=[pl.BlockSpec((2, RBF, 128), lambda i: (0, i, 0)),
                  pl.BlockSpec((2, RBF, 128), lambda i: (0, i, 0)),
                  pl.BlockSpec((RBF, 256), lambda i: (i, 0)),
                  pl.BlockSpec((RBF, 256), lambda i: (i, 0)),
                  pl.BlockSpec((RBF, 128), lambda i: (i, 0)),
                  full_spec(wcat), full_spec(blf)],
        out_specs=[pl.BlockSpec((RBF, 512), lambda i: (i, 0)),
                   pl.BlockSpec((2, 512), lambda i: (0, 0))],
        out_shape=[jax.ShapeDtypeStruct((NF, 512), jnp.float32),
                   jax.ShapeDtypeStruct((2, 512), jnp.float32)],
    )(ya, yb, a2af, a2bf, rcf, wcat, blf)


def _pool_head_folded_body(h_ref, sc_ref, sh_ref, bat_ref, gcnt_ref,
                           wout_ref, bout_ref, out_ref, gsum_ref):
    i = pl.program_id(0)
    y = jnp.maximum(h_ref[...] * sc_ref[...] + sh_ref[...], 0.0)
    p = jnp.zeros((G, 64), jnp.float32)
    gid = lax.broadcasted_iota(jnp.int32, (G, RBF), 0)
    for k in range(8):
        seg = bat_ref[0, k:k + 1, :]
        oh = jnp.where(gid == seg, 1.0, 0.0)
        p = p + _dot(oh, y[:, 64 * k:64 * (k + 1)])

    @pl.when(i == 0)
    def _():
        gsum_ref[...] = p

    @pl.when(i > 0)
    def _():
        gsum_ref[...] += p

    @pl.when(i == NBLK - 1)
    def _():
        pooled = gsum_ref[...] / jnp.maximum(gcnt_ref[...], 1.0)
        out_ref[...] = _dot(pooled, wout_ref[...]) + bout_ref[...]


def _pool_head_folded(hf, scf, shf, batf, gcnt2d, wout, bout2d):
    return pl.pallas_call(
        _pool_head_folded_body,
        grid=(NBLK,),
        in_specs=[pl.BlockSpec((RBF, 512), lambda i: (i, 0)),
                  pl.BlockSpec((1, 512), lambda i: (0, 0)),
                  pl.BlockSpec((1, 512), lambda i: (0, 0)),
                  pl.BlockSpec((1, 8, RBF), lambda i: (i, 0, 0)),
                  pl.BlockSpec((G, 1), lambda i: (0, 0)),
                  pl.BlockSpec((64, 2), lambda i: (0, 0)),
                  pl.BlockSpec((1, 2), lambda i: (0, 0))],
        out_specs=pl.BlockSpec((G, 2), lambda i: (0, 0)),
        out_shape=jax.ShapeDtypeStruct((G, 2), jnp.float32),
        scratch_shapes=[pltpu.VMEM((G, 64), jnp.float32)],
    )(hf, scf, shf, batf, gcnt2d, wout, bout2d)


def _bn_scale_shift_host(sums512, g, b):
    s = sums512.reshape(2, 8, 64).sum(axis=1)
    m = s[0] / float(N)
    v = s[1] / float(N) - m * m
    sc = g / jnp.sqrt(v + EPS)
    sh = b - m * sc
    return jnp.tile(sc, 8).reshape(1, 512), jnp.tile(sh, 8).reshape(1, 512)


def kernel(shape_id, color_id, pos_id, edge_index, batch, shape_emb,
           color_emb, pos_emb, W1l, b1l, W1r, g1, be1, W2l, b2l, W2r, g2,
           be2, Wout, bout):
    i32 = jnp.int32
    f32 = jnp.float32

    src = edge_index[0].astype(i32)
    dst = edge_index[1].astype(i32)
    srcr = jnp.concatenate([src, jnp.zeros((EPAD - E,), i32)])
    dstr = jnp.concatenate([dst, jnp.full((EPAD - E,), N, i32)])
    pad_n = jnp.zeros((NPAD - N,), i32)
    sid = jnp.concatenate([shape_id.astype(i32), pad_n])
    cid = jnp.concatenate([color_id.astype(i32), pad_n])
    pid = jnp.concatenate([pos_id.astype(i32), pad_n])
    batr = jnp.concatenate(
        [batch.astype(i32), jnp.full((NPAD - N,), 520, i32)])

    z16 = jnp.zeros((NT, 16), f32)
    z8 = jnp.zeros((NT, 8), f32)
    z32 = jnp.zeros((NT, 32), f32)
    z1 = jnp.zeros((NT,), f32)
    ones_h = jnp.ones((CHN,), f32)

    xs, xc, xp, aggs, aggc, aggp, cnt, gcnt = _sc1(
        sid, cid, pid, srcr, dstr, batr, shape_emb, color_emb, pos_emb,
        z16, z8, z1, ones_h)

    rcf = jnp.broadcast_to(
        (1.0 / jnp.maximum(cnt, 1.0)).reshape(NPAD, 1), (NPAD, 16)
    ).reshape(NF, 128)
    h1f, sums1 = _sage_dense_folded(
        [xs.reshape(NF, 128), xc.reshape(NF, 128)], [xp.reshape(NF, 64)],
        [aggs.reshape(NF, 128), aggc.reshape(NF, 128)], [aggp.reshape(NF, 64)],
        rcf, jnp.concatenate([W1r, W1l], axis=0), b1l.reshape(1, 64))

    sc1v, sh1v = _bn_scale_shift_host(sums1, g1, be1)
    ya, yb = _bn_relu_split_folded(h1f, sc1v, sh1v)

    srcp = 25600 * ((srcr % 8) // 4) + 4 * (srcr // 8) + (srcr % 4)
    agg2a, agg2b = _sc2(srcp, dstr, ya.reshape(NPAD, 32),
                        yb.reshape(NPAD, 32), z32)

    h2f, sums2 = _sage2_folded(
        ya, yb, agg2a.reshape(NF, 256), agg2b.reshape(NF, 256),
        rcf, jnp.concatenate([W2r, W2l], axis=0), b2l.reshape(1, 64))

    sc2v, sh2v = _bn_scale_shift_host(sums2, g2, be2)
    batf = batr.reshape(NBLK, RBF, 8).transpose(0, 2, 1)
    out = _pool_head_folded(
        h2f, sc2v, sh2v, batf,
        gcnt[:G].reshape(G, 1), Wout, bout.reshape(1, 2))

    return out

# --- scband reference (transcript-rebuilt; emitter-appended) ---
"""Pipeline reference for scband-gnnclassifier-88648124990589 (READ-ONLY COPY).

The authoritative reference and input builder live on the scoring server;
editing this copy changes nothing except your own understanding.
"""

import jax, jax.numpy as jnp
import numpy as np

N_NODES = 50000
N_EDGES = 800000
N_GRAPHS = 512
EPS = 1e-5

def setup_inputs(seed: int = 0) -> dict:
    key = jax.random.key(seed)
    ks = jax.random.split(key, 24)
    inp = {}
    inp['shape_id'] = jax.random.randint(ks[0], (N_NODES,), 0, 100)
    inp['color_id'] = jax.random.randint(ks[1], (N_NODES,), 0, 64)
    inp['pos_id'] = jax.random.randint(ks[2], (N_NODES,), 0, 4096)
    inp['edge_index'] = jax.random.randint(ks[3], (2, N_EDGES), 0, N_NODES)
    inp['batch'] = jnp.sort(jax.random.randint(ks[4], (N_NODES,), 0, N_GRAPHS))
    s = 0.02
    inp['shape_emb'] = jax.random.normal(ks[5], (100, 16), dtype=jnp.float32) * s
    inp['color_emb'] = jax.random.normal(ks[6], (64, 16), dtype=jnp.float32) * s
    inp['pos_emb'] = jax.random.normal(ks[7], (4096, 8), dtype=jnp.float32) * s
    inp['W1l'] = jax.random.normal(ks[8], (40, 64), dtype=jnp.float32) * s
    inp['b1l'] = jnp.zeros((64,), dtype=jnp.float32)
    inp['W1r'] = jax.random.normal(ks[9], (40, 64), dtype=jnp.float32) * s
    inp['g1'] = jnp.ones((64,), dtype=jnp.float32)
    inp['be1'] = jnp.zeros((64,), dtype=jnp.float32)
    inp['W2l'] = jax.random.normal(ks[10], (64, 64), dtype=jnp.float32) * s
    inp['b2l'] = jnp.zeros((64,), dtype=jnp.float32)
    inp['W2r'] = jax.random.normal(ks[11], (64, 64), dtype=jnp.float32) * s
    inp['g2'] = jnp.ones((64,), dtype=jnp.float32)
    inp['be2'] = jnp.zeros((64,), dtype=jnp.float32)
    inp['Wout'] = jax.random.normal(ks[12], (64, 2), dtype=jnp.float32) * s
    inp['bout'] = jnp.zeros((2,), dtype=jnp.float32)
    return inp

def _sage(x, edge_index, Wl, bl, Wr):
    src = edge_index[0]
    dst = edge_index[1]
    msg = jnp.take(x, src, axis=0)
    agg = jax.ops.segment_sum(msg, dst, num_segments=N_NODES)
    cnt = jax.ops.segment_sum(jnp.ones((msg.shape[0],), dtype=x.dtype), dst, num_segments=N_NODES)
    mean = agg / jnp.clip(cnt, 1.0)[:, None]
    return mean @ Wl + bl + x @ Wr

def _bn(x, g, b):
    m = jnp.mean(x, axis=0)
    v = jnp.var(x, axis=0)
    return (x - m) / jnp.sqrt(v + EPS) * g + b

def reference(shape_id, color_id, pos_id, edge_index, batch, shape_emb, color_emb, pos_emb, W1l, b1l, W1r, g1, be1, W2l, b2l, W2r, g2, be2, Wout, bout):
    x = jnp.concatenate([jnp.take(shape_emb, shape_id, axis=0), jnp.take(color_emb, color_id, axis=0), jnp.take(pos_emb, pos_id, axis=0)], axis=-1)
    x = jax.nn.relu(_bn(_sage(x, edge_index, W1l, b1l, W1r), g1, be1))
    # dropout is identity in eval mode
    x = jax.nn.relu(_bn(_sage(x, edge_index, W2l, b2l, W2r), g2, be2))
    gsum = jax.ops.segment_sum(x, batch, num_segments=N_GRAPHS)
    gcnt = jax.ops.segment_sum(jnp.ones((x.shape[0],), dtype=x.dtype), batch, num_segments=N_GRAPHS)
    pooled = gsum / jnp.clip(gcnt, 1.0)[:, None]
    return pooled @ Wout + bout

if __name__ == "__main__":
    import jax
    _d = setup_inputs()
    print(jax.jit(kernel)(*tuple(_d.values())))

</pallas_src>

<mosaic_0001>
#map = affine_map<(d0, d1) -> (0)>
#map1 = affine_map<(d0, d1) -> (0, 0)>
module attributes {stable_mosaic.version = 14 : i64} {
  func.func @_sc1_body(%arg0: i32, %arg1: i32, %arg2: memref<51200xi32, #tpu.memory_space<hbm>>, %arg3: memref<51200xi32, #tpu.memory_space<hbm>>, %arg4: memref<51200xi32, #tpu.memory_space<hbm>>, %arg5: memref<819200xi32, #tpu.memory_space<hbm>>, %arg6: memref<819200xi32, #tpu.memory_space<hbm>>, %arg7: memref<51200xi32, #tpu.memory_space<hbm>>, %arg8: memref<100x16xf32, #tpu.memory_space<hbm>>, %arg9: memref<64x16xf32, #tpu.memory_space<hbm>>, %arg10: memref<4096x8xf32, #tpu.memory_space<hbm>>, %arg11: memref<3200x16xf32, #tpu.memory_space<hbm>>, %arg12: memref<3200x8xf32, #tpu.memory_space<hbm>>, %arg13: memref<3200xf32, #tpu.memory_space<hbm>>, %arg14: memref<640xf32, #tpu.memory_space<hbm>>, %arg15: memref<51200x16xf32, #tpu.memory_space<hbm>>, %arg16: memref<51200x16xf32, #tpu.memory_space<hbm>>, %arg17: memref<51200x8xf32, #tpu.memory_space<hbm>>, %arg18: memref<51200x16xf32, #tpu.memory_space<hbm>>, %arg19: memref<51200x16xf32, #tpu.memory_space<hbm>>, %arg20: memref<51200x8xf32, #tpu.memory_space<hbm>>, %arg21: memref<51200xf32, #tpu.memory_space<hbm>>, %arg22: memref<640xf32, #tpu.memory_space<hbm>>, %arg23: memref<51200x16xf32, #tpu.memory_space<vmem_shared>>, %arg24: memref<51200x8xf32, #tpu.memory_space<vmem_shared>>, %arg25: memref<51200xf32, #tpu.memory_space<vmem_shared>>, %arg26: memref<640xf32, #tpu.memory_space<vmem_shared>>, %arg27: memref<512xi32, #tpu.memory_space<vmem>>, %arg28: memref<512xi32, #tpu.memory_space<vmem>>, %arg29: memref<512xi32, #tpu.memory_space<vmem>>, %arg30: memref<512xi32, #tpu.memory_space<vmem>>, %arg31: memref<512x16xf32, #tpu.memory_space<vmem>>, %arg32: memref<512x16xf32, #tpu.memory_space<vmem>>, %arg33: memref<512x8xf32, #tpu.memory_space<vmem>>, %arg34: memref<512x8xf32, #tpu.memory_space<vmem>>, %arg35: memref<640xi32, #tpu.memory_space<vmem>>, %arg36: memref<640xi32, #tpu.memory_space<vmem>>, %arg37: memref<640x16xf32, #tpu.memory_space<vmem>>, %arg38: memref<640x8xf32, #tpu.memory_space<vmem>>, %arg39: memref<512xf32, #tpu.memory_space<vmem>>, %arg40: memref<640xf32, #tpu.memory_space<vmem>>, %arg41: memref<!tpu.dma_semaphore, #tpu.memory_space<semaphore_mem>>, %arg42: memref<!tpu.dma_semaphore, #tpu.memory_space<semaphore_mem>>, %arg43: memref<!tpu.dma_semaphore, #tpu.memory_space<semaphore_mem>>) attributes {dimension_semantics = [#tpu.dimension_semantics<core_parallel>, #tpu.dimension_semantics<subcore_parallel>], iteration_bounds = array<i64: 2, 16>, scalar_prefetch = 0 : i64, scratch_operands = 21 : i64, tpu.core_type = #tpu.core_type<sc_vector_subcore>, window_params = [{transform_indices = #map}, {transform_indices = #map}, {transform_indices = #map}, {transform_indices = #map}, {transform_indices = #map}, {transform_indices = #map}, {transform_indices = #map1}, {transform_indices = #map1}, {transform_indices = #map1}, {transform_indices = #map1}, {transform_indices = #map1}, {transform_indices = #map}, {transform_indices = #map}, {transform_indices = #map1}, {transform_indices = #map1}, {transform_indices = #map1}, {transform_indices = #map1}, {transform_indices = #map1}, {transform_indices = #map1}, {transform_indices = #map}, {transform_indices = #map}]} {
    %mul3A = arith.constant 3200 : i32
    %mul3A_0 = arith.muli %arg1, %mul3A : i32
    %mul3A_1 = arith.constant 51200 : i32
    %mul3A_2 = arith.muli %arg1, %mul3A_1 : i32
    "tpu.region"() ({
      %run_scoped3A = tpu.sem_alloc : memref<!tpu.dma_semaphore, #tpu.memory_space<semaphore_mem>>
      %dma_start3A = arith.constant 0 : i32
      %dma_start3A_42 = tpu.memref_slice %arg14[%dma_start3A] : memref<640xf32, #tpu.memory_space<hbm>> -> memref<512xf32, #tpu.memory_space<hbm>>
      %dma_start3A_43 = arith.constant 0 : i32
      %dma_start3A_44 = tpu.memref_slice %arg14[%dma_start3A_43] : memref<640xf32, #tpu.memory_space<hbm>> -> memref<512xf32, #tpu.memory_space<hbm>>
      tpu.enqueue_dma source(%dma_start3A_44 : memref<512xf32, #tpu.memory_space<hbm>>) target(%arg39 : memref<512xf32, #tpu.memory_space<vmem>>) target_semaphore(%run_scoped3A : memref<!tpu.dma_semaphore, #tpu.memory_space<semaphore_mem>>)
      %dma_wait3A = arith.constant 0 : i32
      %dma_wait3A_45 = tpu.memref_slice %arg14[%dma_wait3A] : memref<640xf32, #tpu.memory_space<hbm>> -> memref<512xf32, #tpu.memory_space<hbm>>
      %dma_wait3A_46 = arith.constant 0 : i32
      %dma_wait3A_47 = tpu.memref_slice %arg14[%dma_wait3A_46] : memref<640xf32, #tpu.memory_space<hbm>> -> memref<512xf32, #tpu.memory_space<hbm>>
      tpu.wait_dma2 semaphore(%run_scoped3A : memref<!tpu.dma_semaphore, #tpu.memory_space<semaphore_mem>>) src(%dma_wait3A_47 : memref<512xf32, #tpu.memory_space<hbm>>) dst(%arg39 : memref<512xf32, #tpu.memory_space<vmem>>)
      tpu.yield
    }) : () -> ()
    "tpu.region"() ({
      %run_scoped3A = tpu.sem_alloc : memref<!tpu.dma_semaphore, #tpu.memory_space<semaphore_mem>>
      tpu.enqueue_dma source(%arg14 : memref<640xf32, #tpu.memory_space<hbm>>) target(%arg40 : memref<640xf32, #tpu.memory_space<vmem>>) target_semaphore(%run_scoped3A : memref<!tpu.dma_semaphore, #tpu.memory_space<semaphore_mem>>)
      tpu.wait_dma2 semaphore(%run_scoped3A : memref<!tpu.dma_semaphore, #tpu.memory_space<semaphore_mem>>) src(%arg14 : memref<640xf32, #tpu.memory_space<hbm>>) dst(%arg40 : memref<640xf32, #tpu.memory_space<vmem>>)
      tpu.yield
    }) : () -> ()
    "tpu.region"() ({
      %run_scoped3A = tpu.sem_alloc : memref<!tpu.dma_semaphore, #tpu.memory_space<semaphore_mem>>
      %dma_start3A = arith.constant 0 : i32
      %dma_start3A_42 = tpu.memref_slice %arg23[%mul3A_0, %dma_start3A] : memref<51200x16xf32, #tpu.memory_space<vmem_shared>> -> memref<3200x16xf32, #tpu.memory_space<vmem_shared>>
      tpu.enqueue_dma source(%arg11 : memref<3200x16xf32, #tpu.memory_space<hbm>>) target(%dma_start3A_42 : memref<3200x16xf32, #tpu.memory_space<vmem_shared>>) target_semaphore(%run_scoped3A : memref<!tpu.dma_semaphore, #tpu.memory_space<semaphore_mem>>)
      %dma_wait3A = arith.constant 0 : i32
      %dma_wait3A_43 = tpu.memref_slice %arg23[%mul3A_0, %dma_wait3A] : memref<51200x16xf32, #tpu.memory_space<vmem_shared>> -> memref<3200x16xf32, #tpu.memory_space<vmem_shared>>
      tpu.wait_dma2 semaphore(%run_scoped3A : memref<!tpu.dma_semaphore, #tpu.memory_space<semaphore_mem>>) src(%arg11 : memref<3200x16xf32, #tpu.memory_space<hbm>>) dst(%dma_wait3A_43 : memref<3200x16xf32, #tpu.memory_space<vmem_shared>>)
      tpu.yield
    }) : () -> ()
    %eq3A = arith.constant 0 : i32
    %eq3A_3 = arith.cmpi eq, %arg0, %eq3A : i32
    %convert_element_type3A = arith.extui %eq3A_3 : i1 to i32
    %cond3A = arith.constant 0 : i32
    %cond3A_4 = arith.cmpi ne, %convert_element_type3A, %cond3A : i32
    scf.if %cond3A_4 {
      "tpu.region"() ({
        %run_scoped3A = tpu.sem_alloc : memref<!tpu.dma_semaphore, #tpu.memory_space<semaphore_mem>>
        %dma_start3A = arith.constant 0 : i32
        %dma_start3A_42 = tpu.memref_slice %arg24[%mul3A_0, %dma_start3A] : memref<51200x8xf32, #tpu.memory_space<vmem_shared>> -> memref<3200x8xf32, #tpu.memory_space<vmem_shared>>
        tpu.enqueue_dma source(%arg12 : memref<3200x8xf32, #tpu.memory_space<hbm>>) target(%dma_start3A_42 : memref<3200x8xf32, #tpu.memory_space<vmem_shared>>) target_semaphore(%run_scoped3A : memref<!tpu.dma_semaphore, #tpu.memory_space<semaphore_mem>>)
        %dma_wait3A = arith.constant 0 : i32
        %dma_wait3A_43 = tpu.memref_slice %arg24[%mul3A_0, %dma_wait3A] : memref<51200x8xf32, #tpu.memory_space<vmem_shared>> -> memref<3200x8xf32, #tpu.memory_space<vmem_shared>>
        tpu.wait_dma2 semaphore(%run_scoped3A : memref<!tpu.dma_semaphore, #tpu.memory_space<semaphore_mem>>) src(%arg12 : memref<3200x8xf32, #tpu.memory_space<hbm>>) dst(%dma_wait3A_43 : memref<3200x8xf32, #tpu.memory_space<vmem_shared>>)
        tpu.yield
      }) : () -> ()
    } else {
    }
    %eq3A_5 = arith.constant 1 : i32
    %eq3A_6 = arith.cmpi eq, %arg0, %eq3A_5 : i32
    %convert_element_type3A_7 = arith.extui %eq3A_6 : i1 to i32
    %cond3A_8 = arith.constant 0 : i32
    %cond3A_9 = arith.cmpi ne, %convert_element_type3A_7, %cond3A_8 : i32
    scf.if %cond3A_9 {
      "tpu.region"() ({
        %run_scoped3A = tpu.sem_alloc : memref<!tpu.dma_semaphore, #tpu.memory_space<semaphore_mem>>
        %dma_start3A = tpu.memref_slice %arg25[%mul3A_0] : memref<51200xf32, #tpu.memory_space<vmem_shared>> -> memref<3200xf32, #tpu.memory_space<vmem_shared>>
        tpu.enqueue_dma source(%arg13 : memref<3200xf32, #tpu.memory_space<hbm>>) target(%dma_start3A : memref<3200xf32, #tpu.memory_space<vmem_shared>>) target_semaphore(%run_scoped3A : memref<!tpu.dma_semaphore, #tpu.memory_space<semaphore_mem>>)
        %dma_wait3A = tpu.memref_slice %arg25[%mul3A_0] : memref<51200xf32, #tpu.memory_space<vmem_shared>> -> memref<3200xf32, #tpu.memory_space<vmem_shared>>
        tpu.wait_dma2 semaphore(%run_scoped3A : memref<!tpu.dma_semaphore, #tpu.memory_space<semaphore_mem>>) src(%arg13 : memref<3200xf32, #tpu.memory_space<hbm>>) dst(%dma_wait3A : memref<3200xf32, #tpu.memory_space<vmem_shared>>)
        tpu.yield
      }) : () -> ()
      %eq3A_42 = arith.constant 0 : i32
      %eq3A_43 = arith.cmpi eq, %arg1, %eq3A_42 : i32
      %convert_element_type3A_44 = arith.extui %eq3A_43 : i1 to i32
      %cond3A_45 = arith.constant 0 : i32
      %cond3A_46 = arith.cmpi ne, %convert_element_type3A_44, %cond3A_45 : i32
      scf.if %cond3A_46 {
        "tpu.region"() ({
          %run_scoped3A = tpu.sem_alloc : memref<!tpu.dma_semaphore, #tpu.memory_space<semaphore_mem>>
          %dma_start3A = arith.constant 0 : i32
          %dma_start3A_47 = tpu.memref_slice %arg13[%dma_start3A] : memref<3200xf32, #tpu.memory_space<hbm>> -> memref<640xf32, #tpu.memory_space<hbm>>
          tpu.enqueue_dma source(%dma_start3A_47 : memref<640xf32, #tpu.memory_space<hbm>>) target(%arg26 : memref<640xf32, #tpu.memory_space<vmem_shared>>) target_semaphore(%run_scoped3A : memref<!tpu.dma_semaphore, #tpu.memory_space<semaphore_mem>>)
          %dma_wait3A = arith.constant 0 : i32
          %dma_wait3A_48 = tpu.memref_slice %arg13[%dma_wait3A] : memref<3200xf32, #tpu.memory_space<hbm>> -> memref<640xf32, #tpu.memory_space<hbm>>
          tpu.wait_dma2 semaphore(%run_scoped3A : memref<!tpu.dma_semaphore, #tpu.memory_space<semaphore_mem>>) src(%dma_wait3A_48 : memref<640xf32, #tpu.memory_space<hbm>>) dst(%arg26 : memref<640xf32, #tpu.memory_space<vmem_shared>>)
          tpu.yield
        }) : () -> ()
      } else {
      }
    } else {
    }
    %barrier3A = arith.constant 0 : index
    tpu.barrier barrier_id(%barrier3A)
    %eq3A_10 = arith.constant 0 : i32
    %eq3A_11 = arith.cmpi eq, %arg0, %eq3A_10 : i32
    %convert_element_type3A_12 = arith.extui %eq3A_11 : i1 to i32
    %cond3A_13 = arith.constant 0 : i32
    %cond3A_14 = arith.cmpi ne, %convert_element_type3A_12, %cond3A_13 : i32
    scf.if %cond3A_14 {
      %scan3A = arith.constant 0 : i32
      %scan3A_42 = arith.constant 5 : i32
      %scan3A_43 = arith.addi %scan3A, %scan3A_42 : i32
      %scan3A_44 = arith.constant 1 : i32
      scf.for %scan3A_46 = %scan3A to %scan3A_43 step %scan3A_44  : i32 {
        %mul3A_47 = arith.constant 1 : i32
        %mul3A_48 = arith.muli %scan3A_46, %mul3A_47 : i32
        %add3A = arith.constant 0 : i32
        %add3A_49 = arith.addi %add3A, %mul3A_48 : i32
        %mul3A_50 = arith.constant 640 : i32
        %mul3A_51 = arith.muli %add3A_49, %mul3A_50 : i32
        %add3A_52 = arith.addi %mul3A_0, %mul3A_51 : i32
        "tpu.region"() ({
          %run_scoped3A = tpu.sem_alloc : memref<!tpu.dma_semaphore, #tpu.memory_space<semaphore_mem>>
          %dma_start3A_69 = tpu.memref_slice %arg2[%add3A_52] : memref<51200xi32, #tpu.memory_space<hbm>> -> memref<640xi32, #tpu.memory_space<hbm>>
          %dma_start3A_70 = tpu.memref_slice %arg2[%add3A_52] : memref<51200xi32, #tpu.memory_space<hbm>> -> memref<640xi32, #tpu.memory_space<hbm>>
          tpu.enqueue_dma source(%dma_start3A_70 : memref<640xi32, #tpu.memory_space<hbm>>) target(%arg35 : memref<640xi32, #tpu.memory_space<vmem>>) target_semaphore(%run_scoped3A : memref<!tpu.dma_semaphore, #tpu.memory_space<semaphore_mem>>)
          %dma_wait3A_71 = tpu.memref_slice %arg2[%add3A_52] : memref<51200xi32, #tpu.memory_space<hbm>> -> memref<640xi32, #tpu.memory_space<hbm>>
          %dma_wait3A_72 = tpu.memref_slice %arg2[%add3A_52] : memref<51200xi32, #tpu.memory_space<hbm>> -> memref<640xi32, #tpu.memory_space<hbm>>
          tpu.wait_dma2 semaphore(%run_scoped3A : memref<!tpu.dma_semaphore, #tpu.memory_space<semaphore_mem>>) src(%dma_wait3A_72 : memref<640xi32, #tpu.memory_space<hbm>>) dst(%arg35 : memref<640xi32, #tpu.memory_space<vmem>>)
          tpu.yield
        }) : () -> ()
        "tpu.region"() ({
          %run_scoped3A = tpu.sem_alloc : memref<!tpu.dma_semaphore, #tpu.memory_space<semaphore_mem>>
          %dma_start3A_69 = tpu.memref_slice %arg4[%add3A_52] : memref<51200xi32, #tpu.memory_space<hbm>> -> memref<640xi32, #tpu.memory_space<hbm>>
          %dma_start3A_70 = tpu.memref_slice %arg4[%add3A_52] : memref<51200xi32, #tpu.memory_space<hbm>> -> memref<640xi32, #tpu.memory_space<hbm>>
          tpu.enqueue_dma source(%dma_start3A_70 : memref<640xi32, #tpu.memory_space<hbm>>) target(%arg36 : memref<640xi32, #tpu.memory_space<vmem>>) target_semaphore(%run_scoped3A : memref<!tpu.dma_semaphore, #tpu.memory_space<semaphore_mem>>)
          %dma_wait3A_71 = tpu.memref_slice %arg4[%add3A_52] : memref<51200xi32, #tpu.memory_space<hbm>> -> memref<640xi32, #tpu.memory_space<hbm>>
          %dma_wait3A_72 = tpu.memref_slice %arg4[%add3A_52] : memref<51200xi32, #tpu.memory_space<hbm>> -> memref<640xi32, #tpu.memory_space<hbm>>
          tpu.wait_dma2 semaphore(%run_scoped3A : memref<!tpu.dma_semaphore, #tpu.memory_space<semaphore_mem>>) src(%dma_wait3A_72 : memref<640xi32, #tpu.memory_space<hbm>>) dst(%arg36 : memref<640xi32, #tpu.memory_space<vmem>>)
          tpu.yield
        }) : () -> ()
        %dma_start3A = arith.constant 0 : i32
        %dma_start3A_53 = arith.constant 0 : i32
        %dma_start3A_54 = tpu.memref_slice %arg8[%dma_start3A, %dma_start3A_53] : memref<100x16xf32, #tpu.memory_space<hbm>> -> memref<100x16xf32, #tpu.memory_space<hbm>>
        tpu.enqueue_indirect_dma source(%dma_start3A_54 : memref<100x16xf32, #tpu.memory_space<hbm>>) target(%arg37 : memref<640x16xf32, #tpu.memory_space<vmem>>) offsets(%arg35 : memref<640xi32, #tpu.memory_space<vmem>>) semaphore(%arg43 : memref<!tpu.dma_semaphore, #tpu.memory_space<semaphore_mem>>)
        %dma_start3A_55 = arith.constant 0 : i32
        %dma_start3A_56 = arith.constant 0 : i32
        %dma_start3A_57 = tpu.memref_slice %arg10[%dma_start3A_55, %dma_start3A_56] : memref<4096x8xf32, #tpu.memory_space<hbm>> -> memref<4096x8xf32, #tpu.memory_space<hbm>>
        tpu.enqueue_indirect_dma source(%dma_start3A_57 : memref<4096x8xf32, #tpu.memory_space<hbm>>) target(%arg38 : memref<640x8xf32, #tpu.memory_space<vmem>>) offsets(%arg36 : memref<640xi32, #tpu.memory_space<vmem>>) semaphore(%arg43 : memref<!tpu.dma_semaphore, #tpu.memory_space<semaphore_mem>>)
        %dma_wait3A = arith.constant 0 : i32
        %dma_wait3A_58 = arith.constant 0 : i32
        %dma_wait3A_59 = tpu.memref_slice %arg15[%dma_wait3A, %dma_wait3A_58] : memref<51200x16xf32, #tpu.memory_space<hbm>> -> memref<640x16xf32, #tpu.memory_space<hbm>>
        %dma_wait3A_60 = arith.constant 0 : i32
        %dma_wait3A_61 = arith.constant 0 : i32
        %dma_wait3A_62 = tpu.memref_slice %arg15[%dma_wait3A_60, %dma_wait3A_61] : memref<51200x16xf32, #tpu.memory_space<hbm>> -> memref<640x16xf32, #tpu.memory_space<hbm>>
        tpu.wait_dma2 semaphore(%arg43 : memref<!tpu.dma_semaphore, #tpu.memory_space<semaphore_mem>>) src(%dma_wait3A_62 : memref<640x16xf32, #tpu.memory_space<hbm>>) dst(%arg37 : memref<640x16xf32, #tpu.memory_space<vmem>>)
        %dma_wait3A_63 = arith.constant 0 : i32
        %dma_wait3A_64 = arith.constant 0 : i32
        %dma_wait3A_65 = tpu.memref_slice %arg17[%dma_wait3A_63, %dma_wait3A_64] : memref<51200x8xf32, #tpu.memory_space<hbm>> -> memref<640x8xf32, #tpu.memory_space<hbm>>
        %dma_wait3A_66 = arith.constant 0 : i32
        %dma_wait3A_67 = arith.constant 0 : i32
        %dma_wait3A_68 = tpu.memref_slice %arg17[%dma_wait3A_66, %dma_wait3A_67] : memref<51200x8xf32, #tpu.memory_space<hbm>> -> memref<640x8xf32, #tpu.memory_space<hbm>>
        tpu.wait_dma2 semaphore(%arg43 : memref<!tpu.dma_semaphore, #tpu.memory_space<semaphore_mem>>) src(%dma_wait3A_68 : memref<640x8xf32, #tpu.memory_space<hbm>>) dst(%arg38 : memref<640x8xf32, #tpu.memory_space<vmem>>)
        "tpu.region"() ({
          %run_scoped3A = tpu.sem_alloc : memref<!tpu.dma_semaphore, #tpu.memory_space<semaphore_mem>>
          %dma_start3A_69 = arith.constant 0 : i32
          %dma_start3A_70 = tpu.memref_slice %arg15[%add3A_52, %dma_start3A_69] : memref<51200x16xf32, #tpu.memory_space<hbm>> -> memref<640x16xf32, #tpu.memory_space<hbm>>
          %dma_start3A_71 = arith.constant 0 : i32
          %dma_start3A_72 = tpu.memref_slice %arg15[%add3A_52, %dma_start3A_71] : memref<51200x16xf32, #tpu.memory_space<hbm>> -> memref<640x16xf32, #tpu.memory_space<hbm>>
          tpu.enqueue_dma source(%arg37 : memref<640x16xf32, #tpu.memory_space<vmem>>) target(%dma_start3A_72 : memref<640x16xf32, #tpu.memory_space<hbm>>) target_semaphore(%run_scoped3A : memref<!tpu.dma_semaphore, #tpu.memory_space<semaphore_mem>>)
          %dma_wait3A_73 = arith.constant 0 : i32
          %dma_wait3A_74 = tpu.memref_slice %arg15[%add3A_52, %dma_wait3A_73] : memref<51200x16xf32, #tpu.memory_space<hbm>> -> memref<640x16xf32, #tpu.memory_space<hbm>>
          %dma_wait3A_75 = arith.constant 0 : i32
          %dma_wait3A_76 = tpu.memref_slice %arg15[%add3A_52, %dma_wait3A_75] : memref<51200x16xf32, #tpu.memory_space<hbm>> -> memref<640x16xf32, #tpu.memory_space<hbm>>
          tpu.wait_dma2 semaphore(%run_scoped3A : memref<!tpu.dma_semaphore, #tpu.memory_space<semaphore_mem>>) src(%arg37 : memref<640x16xf32, #tpu.memory_space<vmem>>) dst(%dma_wait3A_76 : memref<640x16xf32, #tpu.memory_space<hbm>>)
          tpu.yield
        }) : () -> ()
        "tpu.region"() ({
          %run_scoped3A = tpu.sem_alloc : memref<!tpu.dma_semaphore, #tpu.memory_space<semaphore_mem>>
          %dma_start3A_69 = arith.constant 0 : i32
          %dma_start3A_70 = tpu.memref_slice %arg17[%add3A_52, %dma_start3A_69] : memref<51200x8xf32, #tpu.memory_space<hbm>> -> memref<640x8xf32, #tpu.memory_space<hbm>>
          %dma_start3A_71 = arith.constant 0 : i32
          %dma_start3A_72 = tpu.memref_slice %arg17[%add3A_52, %dma_start3A_71] : memref<51200x8xf32, #tpu.memory_space<hbm>> -> memref<640x8xf32, #tpu.memory_space<hbm>>
          tpu.enqueue_dma source(%arg38 : memref<640x8xf32, #tpu.memory_space<vmem>>) target(%dma_start3A_72 : memref<640x8xf32, #tpu.memory_space<hbm>>) target_semaphore(%run_scoped3A : memref<!tpu.dma_semaphore, #tpu.memory_space<semaphore_mem>>)
          %dma_wait3A_73 = arith.constant 0 : i32
          %dma_wait3A_74 = tpu.memref_slice %arg17[%add3A_52, %dma_wait3A_73] : memref<51200x8xf32, #tpu.memory_space<hbm>> -> memref<640x8xf32, #tpu.memory_space<hbm>>
          %dma_wait3A_75 = arith.constant 0 : i32
          %dma_wait3A_76 = tpu.memref_slice %arg17[%add3A_52, %dma_wait3A_75] : memref<51200x8xf32, #tpu.memory_space<hbm>> -> memref<640x8xf32, #tpu.memory_space<hbm>>
          tpu.wait_dma2 semaphore(%run_scoped3A : memref<!tpu.dma_semaphore, #tpu.memory_space<semaphore_mem>>) src(%arg38 : memref<640x8xf32, #tpu.memory_space<vmem>>) dst(%dma_wait3A_76 : memref<640x8xf32, #tpu.memory_space<hbm>>)
          tpu.yield
        }) : () -> ()
      }
      %scan3A_45 = arith.constant 5 : i32
    } else {
    }
    %eq3A_15 = arith.constant 1 : i32
    %eq3A_16 = arith.cmpi eq, %arg0, %eq3A_15 : i32
    %convert_element_type3A_17 = arith.extui %eq3A_16 : i1 to i32
    %cond3A_18 = arith.constant 0 : i32
    %cond3A_19 = arith.cmpi ne, %convert_element_type3A_17, %cond3A_18 : i32
    scf.if %cond3A_19 {
      %scan3A = arith.constant 0 : i32
      %scan3A_42 = arith.constant 5 : i32
      %scan3A_43 = arith.addi %scan3A, %scan3A_42 : i32
      %scan3A_44 = arith.constant 1 : i32
      scf.for %scan3A_46 = %scan3A to %scan3A_43 step %scan3A_44  : i32 {
        %mul3A_47 = arith.constant 1 : i32
        %mul3A_48 = arith.muli %scan3A_46, %mul3A_47 : i32
        %add3A = arith.constant 0 : i32
        %add3A_49 = arith.addi %add3A, %mul3A_48 : i32
        %mul3A_50 = arith.constant 640 : i32
        %mul3A_51 = arith.muli %add3A_49, %mul3A_50 : i32
        %add3A_52 = arith.addi %mul3A_0, %mul3A_51 : i32
        "tpu.region"() ({
          %run_scoped3A = tpu.sem_alloc : memref<!tpu.dma_semaphore, #tpu.memory_space<semaphore_mem>>
          %dma_start3A_57 = tpu.memref_slice %arg3[%add3A_52] : memref<51200xi32, #tpu.memory_space<hbm>> -> memref<640xi32, #tpu.memory_space<hbm>>
          %dma_start3A_58 = tpu.memref_slice %arg3[%add3A_52] : memref<51200xi32, #tpu.memory_space<hbm>> -> memref<640xi32, #tpu.memory_space<hbm>>
          tpu.enqueue_dma source(%dma_start3A_58 : memref<640xi32, #tpu.memory_space<hbm>>) target(%arg35 : memref<640xi32, #tpu.memory_space<vmem>>) target_semaphore(%run_scoped3A : memref<!tpu.dma_semaphore, #tpu.memory_space<semaphore_mem>>)
          %dma_wait3A_59 = tpu.memref_slice %arg3[%add3A_52] : memref<51200xi32, #tpu.memory_space<hbm>> -> memref<640xi32, #tpu.memory_space<hbm>>
          %dma_wait3A_60 = tpu.memref_slice %arg3[%add3A_52] : memref<51200xi32, #tpu.memory_space<hbm>> -> memref<640xi32, #tpu.memory_space<hbm>>
          tpu.wait_dma2 semaphore(%run_scoped3A : memref<!tpu.dma_semaphore, #tpu.memory_space<semaphore_mem>>) src(%dma_wait3A_60 : memref<640xi32, #tpu.memory_space<hbm>>) dst(%arg35 : memref<640xi32, #tpu.memory_space<vmem>>)
          tpu.yield
        }) : () -> ()
        "tpu.region"() ({
          %run_scoped3A = tpu.sem_alloc : memref<!tpu.dma_semaphore, #tpu.memory_space<semaphore_mem>>
          %dma_start3A_57 = tpu.memref_slice %arg7[%add3A_52] : memref<51200xi32, #tpu.memory_space<hbm>> -> memref<640xi32, #tpu.memory_space<hbm>>
          %dma_start3A_58 = tpu.memref_slice %arg7[%add3A_52] : memref<51200xi32, #tpu.memory_space<hbm>> -> memref<640xi32, #tpu.memory_space<hbm>>
          tpu.enqueue_dma source(%dma_start3A_58 : memref<640xi32, #tpu.memory_space<hbm>>) target(%arg36 : memref<640xi32, #tpu.memory_space<vmem>>) target_semaphore(%run_scoped3A : memref<!tpu.dma_semaphore, #tpu.memory_space<semaphore_mem>>)
          %dma_wait3A_59 = tpu.memref_slice %arg7[%add3A_52] : memref<51200xi32, #tpu.memory_space<hbm>> -> memref<640xi32, #tpu.memory_space<hbm>>
          %dma_wait3A_60 = tpu.memref_slice %arg7[%add3A_52] : memref<51200xi32, #tpu.memory_space<hbm>> -> memref<640xi32, #tpu.memory_space<hbm>>
          tpu.wait_dma2 semaphore(%run_scoped3A : memref<!tpu.dma_semaphore, #tpu.memory_space<semaphore_mem>>) src(%dma_wait3A_60 : memref<640xi32, #tpu.memory_space<hbm>>) dst(%arg36 : memref<640xi32, #tpu.memory_space<vmem>>)
          tpu.yield
        }) : () -> ()
        %dma_start3A = arith.constant 0 : i32
        %dma_start3A_53 = arith.constant 0 : i32
        %dma_start3A_54 = tpu.memref_slice %arg9[%dma_start3A, %dma_start3A_53] : memref<64x16xf32, #tpu.memory_space<hbm>> -> memref<64x16xf32, #tpu.memory_space<hbm>>
        tpu.enqueue_indirect_dma source(%dma_start3A_54 : memref<64x16xf32, #tpu.memory_space<hbm>>) target(%arg37 : memref<640x16xf32, #tpu.memory_space<vmem>>) offsets(%arg35 : memref<640xi32, #tpu.memory_space<vmem>>) semaphore(%arg43 : memref<!tpu.dma_semaphore, #tpu.memory_space<semaphore_mem>>)
        %dma_wait3A = arith.constant 0 : i32
        %dma_wait3A_55 = arith.constant 0 : i32
        %dma_wait3A_56 = tpu.memref_slice %arg9[%dma_wait3A, %dma_wait3A_55] : memref<64x16xf32, #tpu.memory_space<hbm>> -> memref<64x16xf32, #tpu.memory_space<hbm>>
        tpu.wait_indirect_dma semaphore(%arg43 : memref<!tpu.dma_semaphore, #tpu.memory_space<semaphore_mem>>) src(%dma_wait3A_56 : memref<64x16xf32, #tpu.memory_space<hbm>>) dst(%arg37 : memref<640x16xf32, #tpu.memory_space<vmem>>)
        "tpu.region"() ({
          %run_scoped3A = tpu.sem_alloc : memref<!tpu.dma_semaphore, #tpu.memory_space<semaphore_mem>>
          %dma_start3A_57 = arith.constant 0 : i32
          %dma_start3A_58 = tpu.memref_slice %arg16[%add3A_52, %dma_start3A_57] : memref<51200x16xf32, #tpu.memory_space<hbm>> -> memref<640x16xf32, #tpu.memory_space<hbm>>
          %dma_start3A_59 = arith.constant 0 : i32
          %dma_start3A_60 = tpu.memref_slice %arg16[%add3A_52, %dma_start3A_59] : memref<51200x16xf32, #tpu.memory_space<hbm>> -> memref<640x16xf32, #tpu.memory_space<hbm>>
          tpu.enqueue_dma source(%arg37 : memref<640x16xf32, #tpu.memory_space<vmem>>) target(%dma_start3A_60 : memref<640x16xf32, #tpu.memory_space<hbm>>) target_semaphore(%run_scoped3A : memref<!tpu.dma_semaphore, #tpu.memory_space<semaphore_mem>>)
          %dma_wait3A_61 = arith.constant 0 : i32
          %dma_wait3A_62 = tpu.memref_slice %arg16[%add3A_52, %dma_wait3A_61] : memref<51200x16xf32, #tpu.memory_space<hbm>> -> memref<640x16xf32, #tpu.memory_space<hbm>>
          %dma_wait3A_63 = arith.constant 0 : i32
          %dma_wait3A_64 = tpu.memref_slice %arg16[%add3A_52, %dma_wait3A_63] : memref<51200x16xf32, #tpu.memory_space<hbm>> -> memref<640x16xf32, #tpu.memory_space<hbm>>
          tpu.wait_dma2 semaphore(%run_scoped3A : memref<!tpu.dma_semaphore, #tpu.memory_space<semaphore_mem>>) src(%arg37 : memref<640x16xf32, #tpu.memory_space<vmem>>) dst(%dma_wait3A_64 : memref<640x16xf32, #tpu.memory_space<hbm>>)
          tpu.yield
        }) : () -> ()
        "tpu.region"() ({
          %run_scoped3A = tpu.sem_alloc : memref<!tpu.dma_semaphore, #tpu.memory_space<semaphore_mem>>
          %dma_start3A_57 = arith.constant 0 : i32
          %dma_start3A_58 = tpu.memref_slice %arg26[%dma_start3A_57] : memref<640xf32, #tpu.memory_space<vmem_shared>> -> memref<640xf32, #tpu.memory_space<vmem_shared>>
          tpu.enqueue_indirect_dma source(%arg40 : memref<640xf32, #tpu.memory_space<vmem>>) target(%dma_start3A_58 : memref<640xf32, #tpu.memory_space<vmem_shared>>) offsets(%arg36 : memref<640xi32, #tpu.memory_space<vmem>>) semaphore(%run_scoped3A : memref<!tpu.dma_semaphore, #tpu.memory_space<semaphore_mem>>) {add = true}
          %dma_wait3A_59 = arith.constant 0 : i32
          %dma_wait3A_60 = tpu.memref_slice %arg26[%dma_wait3A_59] : memref<640xf32, #tpu.memory_space<vmem_shared>> -> memref<640xf32, #tpu.memory_space<vmem_shared>>
          tpu.wait_indirect_dma semaphore(%run_scoped3A : memref<!tpu.dma_semaphore, #tpu.memory_space<semaphore_mem>>) src(%arg40 : memref<640xf32, #tpu.memory_space<vmem>>) dst(%dma_wait3A_60 : memref<640xf32, #tpu.memory_space<vmem_shared>>)
          tpu.yield
        }) : () -> ()
      }
      %scan3A_45 = arith.constant 5 : i32
    } else {
    }
    %barrier3A_20 = arith.constant 0 : index
    tpu.barrier barrier_id(%barrier3A_20)
    %eq3A_21 = arith.constant 0 : i32
    %eq3A_22 = arith.cmpi eq, %arg0, %eq3A_21 : i32
    %convert_element_type3A_23 = arith.extui %eq3A_22 : i1 to i32
    %cond3A_24 = arith.constant 0 : i32
    %cond3A_25 = arith.cmpi ne, %convert_element_type3A_23, %cond3A_24 : i32
    scf.if %cond3A_25 {
      %add3A = arith.constant 0 : i32
      %add3A_42 = arith.addi %mul3A_2, %add3A : i32
      "tpu.region"() ({
        %run_scoped3A = tpu.sem_alloc : memref<!tpu.dma_semaphore, #tpu.memory_space<semaphore_mem>>
        %dma_start3A_64 = tpu.memref_slice %arg5[%add3A_42] : memref<819200xi32, #tpu.memory_space<hbm>> -> memref<512xi32, #tpu.memory_space<hbm>>
        %dma_start3A_65 = tpu.memref_slice %arg5[%add3A_42] : memref<819200xi32, #tpu.memory_space<hbm>> -> memref<512xi32, #tpu.memory_space<hbm>>
        tpu.enqueue_dma source(%dma_start3A_65 : memref<512xi32, #tpu.memory_space<hbm>>) target(%arg27 : memref<512xi32, #tpu.memory_space<vmem>>) target_semaphore(%run_scoped3A : memref<!tpu.dma_semaphore, #tpu.memory_space<semaphore_mem>>)
        %dma_wait3A = tpu.memref_slice %arg5[%add3A_42] : memref<819200xi32, #tpu.memory_space<hbm>> -> memref<512xi32, #tpu.memory_space<hbm>>
        %dma_wait3A_66 = tpu.memref_slice %arg5[%add3A_42] : memref<819200xi32, #tpu.memory_space<hbm>> -> memref<512xi32, #tpu.memory_space<hbm>>
        tpu.wait_dma2 semaphore(%run_scoped3A : memref<!tpu.dma_semaphore, #tpu.memory_space<semaphore_mem>>) src(%dma_wait3A_66 : memref<512xi32, #tpu.memory_space<hbm>>) dst(%arg27 : memref<512xi32, #tpu.memory_space<vmem>>)
        tpu.yield
      }) : () -> ()
      %add3A_43 = arith.constant 0 : i32
      %add3A_44 = arith.addi %mul3A_2, %add3A_43 : i32
      "tpu.region"() ({
        %run_scoped3A = tpu.sem_alloc : memref<!tpu.dma_semaphore, #tpu.memory_space<semaphore_mem>>
        %dma_start3A_64 = tpu.memref_slice %arg6[%add3A_44] : memref<819200xi32, #tpu.memory_space<hbm>> -> memref<512xi32, #tpu.memory_space<hbm>>
        %dma_start3A_65 = tpu.memref_slice %arg6[%add3A_44] : memref<819200xi32, #tpu.memory_space<hbm>> -> memref<512xi32, #tpu.memory_space<hbm>>
        tpu.enqueue_dma source(%dma_start3A_65 : memref<512xi32, #tpu.memory_space<hbm>>) target(%arg29 : memref<512xi32, #tpu.memory_space<vmem>>) target_semaphore(%run_scoped3A : memref<!tpu.dma_semaphore, #tpu.memory_space<semaphore_mem>>)
        %dma_wait3A = tpu.memref_slice %arg6[%add3A_44] : memref<819200xi32, #tpu.memory_space<hbm>> -> memref<512xi32, #tpu.memory_space<hbm>>
        %dma_wait3A_66 = tpu.memref_slice %arg6[%add3A_44] : memref<819200xi32, #tpu.memory_space<hbm>> -> memref<512xi32, #tpu.memory_space<hbm>>
        tpu.wait_dma2 semaphore(%run_scoped3A : memref<!tpu.dma_semaphore, #tpu.memory_space<semaphore_mem>>) src(%dma_wait3A_66 : memref<512xi32, #tpu.memory_space<hbm>>) dst(%arg29 : memref<512xi32, #tpu.memory_space<vmem>>)
        tpu.yield
      }) : () -> ()
      %dma_start3A = arith.constant 0 : i32
      %dma_start3A_45 = arith.constant 0 : i32
      %dma_start3A_46 = tpu.memref_slice %arg15[%dma_start3A, %dma_start3A_45] : memref<51200x16xf32, #tpu.memory_space<hbm>> -> memref<51200x16xf32, #tpu.memory_space<hbm>>
      tpu.enqueue_indirect_dma source(%dma_start3A_46 : memref<51200x16xf32, #tpu.memory_space<hbm>>) target(%arg31 : memref<512x16xf32, #tpu.memory_space<vmem>>) offsets(%arg27 : memref<512xi32, #tpu.memory_space<vmem>>) semaphore(%arg41 : memref<!tpu.dma_semaphore, #tpu.memory_space<semaphore_mem>>)
      %dma_start3A_47 = arith.constant 0 : i32
      %dma_start3A_48 = arith.constant 0 : i32
      %dma_start3A_49 = tpu.memref_slice %arg17[%dma_start3A_47, %dma_start3A_48] : memref<51200x8xf32, #tpu.memory_space<hbm>> -> memref<51200x8xf32, #tpu.memory_space<hbm>>
      tpu.enqueue_indirect_dma source(%dma_start3A_49 : memref<51200x8xf32, #tpu.memory_space<hbm>>) target(%arg33 : memref<512x8xf32, #tpu.memory_space<vmem>>) offsets(%arg27 : memref<512xi32, #tpu.memory_space<vmem>>) semaphore(%arg41 : memref<!tpu.dma_semaphore, #tpu.memory_space<semaphore_mem>>)
      %add3A_50 = arith.constant 512 : i32
      %add3A_51 = arith.addi %mul3A_2, %add3A_50 : i32
      "tpu.region"() ({
        %run_scoped3A = tpu.sem_alloc : memref<!tpu.dma_semaphore, #tpu.memory_space<semaphore_mem>>
        %dma_start3A_64 = tpu.memref_slice %arg5[%add3A_51] : memref<819200xi32, #tpu.memory_space<hbm>> -> memref<512xi32, #tpu.memory_space<hbm>>
        %dma_start3A_65 = tpu.memref_slice %arg5[%add3A_51] : memref<819200xi32, #tpu.memory_space<hbm>> -> memref<512xi32, #tpu.memory_space<hbm>>
        tpu.enqueue_dma source(%dma_start3A_65 : memref<512xi32, #tpu.memory_space<hbm>>) target(%arg28 : memref<512xi32, #tpu.memory_space<vmem>>) target_semaphore(%run_scoped3A : memref<!tpu.dma_semaphore, #tpu.memory_space<semaphore_mem>>)
        %dma_wait3A = tpu.memref_slice %arg5[%add3A_51] : memref<819200xi32, #tpu.memory_space<hbm>> -> memref<512xi32, #tpu.memory_space<hbm>>
        %dma_wait3A_66 = tpu.memref_slice %arg5[%add3A_51] : memref<819200xi32, #tpu.memory_space<hbm>> -> memref<512xi32, #tpu.memory_space<hbm>>
        tpu.wait_dma2 semaphore(%run_scoped3A : memref<!tpu.dma_semaphore, #tpu.memory_space<semaphore_mem>>) src(%dma_wait3A_66 : memref<512xi32, #tpu.memory_space<hbm>>) dst(%arg28 : memref<512xi32, #tpu.memory_space<vmem>>)
        tpu.yield
      }) : () -> ()
      %add3A_52 = arith.constant 512 : i32
      %add3A_53 = arith.addi %mul3A_2, %add3A_52 : i32
      "tpu.region"() ({
        %run_scoped3A = tpu.sem_alloc : memref<!tpu.dma_semaphore, #tpu.memory_space<semaphore_mem>>
        %dma_start3A_64 = tpu.memref_slice %arg6[%add3A_53] : memref<819200xi32, #tpu.memory_space<hbm>> -> memref<512xi32, #tpu.memory_space<hbm>>
        %dma_start3A_65 = tpu.memref_slice %arg6[%add3A_53] : memref<819200xi32, #tpu.memory_space<hbm>> -> memref<512xi32, #tpu.memory_space<hbm>>
        tpu.enqueue_dma source(%dma_start3A_65 : memref<512xi32, #tpu.memory_space<hbm>>) target(%arg30 : memref<512xi32, #tpu.memory_space<vmem>>) target_semaphore(%run_scoped3A : memref<!tpu.dma_semaphore, #tpu.memory_space<semaphore_mem>>)
        %dma_wait3A = tpu.memref_slice %arg6[%add3A_53] : memref<819200xi32, #tpu.memory_space<hbm>> -> memref<512xi32, #tpu.memory_space<hbm>>
        %dma_wait3A_66 = tpu.memref_slice %arg6[%add3A_53] : memref<819200xi32, #tpu.memory_space<hbm>> -> memref<512xi32, #tpu.memory_space<hbm>>
        tpu.wait_dma2 semaphore(%run_scoped3A : memref<!tpu.dma_semaphore, #tpu.memory_space<semaphore_mem>>) src(%dma_wait3A_66 : memref<512xi32, #tpu.memory_space<hbm>>) dst(%arg30 : memref<512xi32, #tpu.memory_space<vmem>>)
        tpu.yield
      }) : () -> ()
      %dma_start3A_54 = arith.constant 0 : i32
      %dma_start3A_55 = arith.constant 0 : i32
      %dma_start3A_56 = tpu.memref_slice %arg15[%dma_start3A_54, %dma_start3A_55] : memref<51200x16xf32, #tpu.memory_space<hbm>> -> memref<51200x16xf32, #tpu.memory_space<hbm>>
      tpu.enqueue_indirect_dma source(%dma_start3A_56 : memref<51200x16xf32, #tpu.memory_space<hbm>>) target(%arg32 : memref<512x16xf32, #tpu.memory_space<vmem>>) offsets(%arg28 : memref<512xi32, #tpu.memory_space<vmem>>) semaphore(%arg42 : memref<!tpu.dma_semaphore, #tpu.memory_space<semaphore_mem>>)
      %dma_start3A_57 = arith.constant 0 : i32
      %dma_start3A_58 = arith.constant 0 : i32
      %dma_start3A_59 = tpu.memref_slice %arg17[%dma_start3A_57, %dma_start3A_58] : memref<51200x8xf32, #tpu.memory_space<hbm>> -> memref<51200x8xf32, #tpu.memory_space<hbm>>
      tpu.enqueue_indirect_dma source(%dma_start3A_59 : memref<51200x8xf32, #tpu.memory_space<hbm>>) target(%arg34 : memref<512x8xf32, #tpu.memory_space<vmem>>) offsets(%arg28 : memref<512xi32, #tpu.memory_space<vmem>>) semaphore(%arg42 : memref<!tpu.dma_semaphore, #tpu.memory_space<semaphore_mem>>)
      %scan3A = arith.constant 0 : i32
      %scan3A_60 = arith.constant 50 : i32
      %scan3A_61 = arith.addi %scan3A, %scan3A_60 : i32
      %scan3A_62 = arith.constant 1 : i32
      scf.for %scan3A_64 = %scan3A to %scan3A_61 step %scan3A_62  : i32 {
        %mul3A_65 = arith.constant 2 : i32
        %mul3A_66 = arith.muli %scan3A_64, %mul3A_65 : i32
        %add3A_67 = arith.constant 0 : i32
        %add3A_68 = arith.addi %add3A_67, %mul3A_66 : i32
        %dma_wait3A = arith.constant 0 : i32
        %dma_wait3A_69 = arith.constant 0 : i32
        %dma_wait3A_70 = tpu.memref_slice %arg15[%dma_wait3A, %dma_wait3A_69] : memref<51200x16xf32, #tpu.memory_space<hbm>> -> memref<512x16xf32, #tpu.memory_space<hbm>>
        %dma_wait3A_71 = arith.constant 0 : i32
        %dma_wait3A_72 = arith.constant 0 : i32
        %dma_wait3A_73 = tpu.memref_slice %arg15[%dma_wait3A_71, %dma_wait3A_72] : memref<51200x16xf32, #tpu.memory_space<hbm>> -> memref<512x16xf32, #tpu.memory_space<hbm>>
        tpu.wait_dma2 semaphore(%arg41 : memref<!tpu.dma_semaphore, #tpu.memory_space<semaphore_mem>>) src(%dma_wait3A_73 : memref<512x16xf32, #tpu.memory_space<hbm>>) dst(%arg31 : memref<512x16xf32, #tpu.memory_space<vmem>>)
        %dma_wait3A_74 = arith.constant 0 : i32
        %dma_wait3A_75 = arith.constant 0 : i32
        %dma_wait3A_76 = tpu.memref_slice %arg17[%dma_wait3A_74, %dma_wait3A_75] : memref<51200x8xf32, #tpu.memory_space<hbm>> -> memref<512x8xf32, #tpu.memory_space<hbm>>
        %dma_wait3A_77 = arith.constant 0 : i32
        %dma_wait3A_78 = arith.constant 0 : i32
        %dma_wait3A_79 = tpu.memref_slice %arg17[%dma_wait3A_77, %dma_wait3A_78] : memref<51200x8xf32, #tpu.memory_space<hbm>> -> memref<512x8xf32, #tpu.memory_space<hbm>>
        tpu.wait_dma2 semaphore(%arg41 : memref<!tpu.dma_semaphore, #tpu.memory_space<semaphore_mem>>) src(%dma_wait3A_79 : memref<512x8xf32, #tpu.memory_space<hbm>>) dst(%arg33 : memref<512x8xf32, #tpu.memory_space<vmem>>)
        "tpu.region"() ({
          %run_scoped3A = tpu.sem_alloc : memref<!tpu.dma_semaphore, #tpu.memory_space<semaphore_mem>>
          %dma_start3A_105 = arith.constant 0 : i32
          %dma_start3A_106 = arith.constant 0 : i32
          %dma_start3A_107 = tpu.memref_slice %arg23[%dma_start3A_105, %dma_start3A_106] : memref<51200x16xf32, #tpu.memory_space<vmem_shared>> -> memref<51200x16xf32, #tpu.memory_space<vmem_shared>>
          tpu.enqueue_indirect_dma source(%arg31 : memref<512x16xf32, #tpu.memory_space<vmem>>) target(%dma_start3A_107 : memref<51200x16xf32, #tpu.memory_space<vmem_shared>>) offsets(%arg29 : memref<512xi32, #tpu.memory_space<vmem>>) semaphore(%run_scoped3A : memref<!tpu.dma_semaphore, #tpu.memory_space<semaphore_mem>>) {add = true}
          %dma_wait3A_108 = arith.constant 0 : i32
          %dma_wait3A_109 = arith.constant 0 : i32
          %dma_wait3A_110 = tpu.memref_slice %arg23[%dma_wait3A_108, %dma_wait3A_109] : memref<51200x16xf32, #tpu.memory_space<vmem_shared>> -> memref<51200x16xf32, #tpu.memory_space<vmem_shared>>
          tpu.wait_indirect_dma semaphore(%run_scoped3A : memref<!tpu.dma_semaphore, #tpu.memory_space<semaphore_mem>>) src(%arg31 : memref<512x16xf32, #tpu.memory_space<vmem>>) dst(%dma_wait3A_110 : memref<51200x16xf32, #tpu.memory_space<vmem_shared>>)
          tpu.yield
        }) : () -> ()
        "tpu.region"() ({
          %run_scoped3A = tpu.sem_alloc : memref<!tpu.dma_semaphore, #tpu.memory_space<semaphore_mem>>
          %dma_start3A_105 = arith.constant 0 : i32
          %dma_start3A_106 = arith.constant 0 : i32
          %dma_start3A_107 = tpu.memref_slice %arg24[%dma_start3A_105, %dma_start3A_106] : memref<51200x8xf32, #tpu.memory_space<vmem_shared>> -> memref<51200x8xf32, #tpu.memory_space<vmem_shared>>
          tpu.enqueue_indirect_dma source(%arg33 : memref<512x8xf32, #tpu.memory_space<vmem>>) target(%dma_start3A_107 : memref<51200x8xf32, #tpu.memory_space<vmem_shared>>) offsets(%arg29 : memref<512xi32, #tpu.memory_space<vmem>>) semaphore(%run_scoped3A : memref<!tpu.dma_semaphore, #tpu.memory_space<semaphore_mem>>) {add = true}
          %dma_wait3A_108 = arith.constant 0 : i32
          %dma_wait3A_109 = arith.constant 0 : i32
          %dma_wait3A_110 = tpu.memref_slice %arg24[%dma_wait3A_108, %dma_wait3A_109] : memref<51200x8xf32, #tpu.memory_space<vmem_shared>> -> memref<51200x8xf32, #tpu.memory_space<vmem_shared>>
          tpu.wait_indirect_dma semaphore(%run_scoped3A : memref<!tpu.dma_semaphore, #tpu.memory_space<semaphore_mem>>) src(%arg33 : memref<512x8xf32, #tpu.memory_space<vmem>>) dst(%dma_wait3A_110 : memref<51200x8xf32, #tpu.memory_space<vmem_shared>>)
          tpu.yield
        }) : () -> ()
        %add3A_80 = arith.constant 2 : i32
        %add3A_81 = arith.addi %add3A_68, %add3A_80 : i32
        %lt3A = arith.constant 100 : i32
        %lt3A_82 = arith.cmpi slt, %add3A_81, %lt3A : i32
        %convert_element_type3A_83 = arith.extui %lt3A_82 : i1 to i32
        %cond3A_84 = arith.constant 0 : i32
        %cond3A_85 = arith.cmpi ne, %convert_element_type3A_83, %cond3A_84 : i32
        scf.if %cond3A_85 {
          %add3A_105 = arith.constant 2 : i32
          %add3A_106 = arith.addi %add3A_68, %add3A_105 : i32
          %mul3A_107 = arith.constant 512 : i32
          %mul3A_108 = arith.muli %add3A_106, %mul3A_107 : i32
          %add3A_109 = arith.addi %mul3A_2, %mul3A_108 : i32
          "tpu.region"() ({
            %run_scoped3A = tpu.sem_alloc : memref<!tpu.dma_semaphore, #tpu.memory_space<semaphore_mem>>
            %dma_start3A_116 = tpu.memref_slice %arg5[%add3A_109] : memref<819200xi32, #tpu.memory_space<hbm>> -> memref<512xi32, #tpu.memory_space<hbm>>
            %dma_start3A_117 = tpu.memref_slice %arg5[%add3A_109] : memref<819200xi32, #tpu.memory_space<hbm>> -> memref<512xi32, #tpu.memory_space<hbm>>
            tpu.enqueue_dma source(%dma_start3A_117 : memref<512xi32, #tpu.memory_space<hbm>>) target(%arg27 : memref<512xi32, #tpu.memory_space<vmem>>) target_semaphore(%run_scoped3A : memref<!tpu.dma_semaphore, #tpu.memory_space<semaphore_mem>>)
            %dma_wait3A_118 = tpu.memref_slice %arg5[%add3A_109] : memref<819200xi32, #tpu.memory_space<hbm>> -> memref<512xi32, #tpu.memory_space<hbm>>
            %dma_wait3A_119 = tpu.memref_slice %arg5[%add3A_109] : memref<819200xi32, #tpu.memory_space<hbm>> -> memref<512xi32, #tpu.memory_space<hbm>>
            tpu.wait_dma2 semaphore(%run_scoped3A : memref<!tpu.dma_semaphore, #tpu.memory_space<semaphore_mem>>) src(%dma_wait3A_119 : memref<512xi32, #tpu.memory_space<hbm>>) dst(%arg27 : memref<512xi32, #tpu.memory_space<vmem>>)
            tpu.yield
          }) : () -> ()
          "tpu.region"() ({
            %run_scoped3A = tpu.sem_alloc : memref<!tpu.dma_semaphore, #tpu.memory_space<semaphore_mem>>
            %dma_start3A_116 = tpu.memref_slice %arg6[%add3A_109] : memref<819200xi32, #tpu.memory_space<hbm>> -> memref<512xi32, #tpu.memory_space<hbm>>
            %dma_start3A_117 = tpu.memref_slice %arg6[%add3A_109] : memref<819200xi32, #tpu.memory_space<hbm>> -> memref<512xi32, #tpu.memory_space<hbm>>
            tpu.enqueue_dma source(%dma_start3A_117 : memref<512xi32, #tpu.memory_space<hbm>>) target(%arg29 : memref<512xi32, #tpu.memory_space<vmem>>) target_semaphore(%run_scoped3A : memref<!tpu.dma_semaphore, #tpu.memory_space<semaphore_mem>>)
            %dma_wait3A_118 = tpu.memref_slice %arg6[%add3A_109] : memref<819200xi32, #tpu.memory_space<hbm>> -> memref<512xi32, #tpu.memory_space<hbm>>
            %dma_wait3A_119 = tpu.memref_slice %arg6[%add3A_109] : memref<819200xi32, #tpu.memory_space<hbm>> -> memref<512xi32, #tpu.memory_space<hbm>>
            tpu.wait_dma2 semaphore(%run_scoped3A : memref<!tpu.dma_semaphore, #tpu.memory_space<semaphore_mem>>) src(%dma_wait3A_119 : memref<512xi32, #tpu.memory_space<hbm>>) dst(%arg29 : memref<512xi32, #tpu.memory_space<vmem>>)
            tpu.yield
          }) : () -> ()
          %dma_start3A_110 = arith.constant 0 : i32
          %dma_start3A_111 = arith.constant 0 : i32
          %dma_start3A_112 = tpu.memref_slice %arg15[%dma_start3A_110, %dma_start3A_111] : memref<51200x16xf32, #tpu.memory_space<hbm>> -> memref<51200x16xf32, #tpu.memory_space<hbm>>
          tpu.enqueue_indirect_dma source(%dma_start3A_112 : memref<51200x16xf32, #tpu.memory_space<hbm>>) target(%arg31 : memref<512x16xf32, #tpu.memory_space<vmem>>) offsets(%arg27 : memref<512xi32, #tpu.memory_space<vmem>>) semaphore(%arg41 : memref<!tpu.dma_semaphore, #tpu.memory_space<semaphore_mem>>)
          %dma_start3A_113 = arith.constant 0 : i32
          %dma_start3A_114 = arith.constant 0 : i32
          %dma_start3A_115 = tpu.memref_slice %arg17[%dma_start3A_113, %dma_start3A_114] : memref<51200x8xf32, #tpu.memory_space<hbm>> -> memref<51200x8xf32, #tpu.memory_space<hbm>>
          tpu.enqueue_indirect_dma source(%dma_start3A_115 : memref<51200x8xf32, #tpu.memory_space<hbm>>) target(%arg33 : memref<512x8xf32, #tpu.memory_space<vmem>>) offsets(%arg27 : memref<512xi32, #tpu.memory_space<vmem>>) semaphore(%arg41 : memref<!tpu.dma_semaphore, #tpu.memory_space<semaphore_mem>>)
        } else {
        }
        %dma_wait3A_86 = arith.constant 0 : i32
        %dma_wait3A_87 = arith.constant 0 : i32
        %dma_wait3A_88 = tpu.memref_slice %arg15[%dma_wait3A_86, %dma_wait3A_87] : memref<51200x16xf32, #tpu.memory_space<hbm>> -> memref<512x16xf32, #tpu.memory_space<hbm>>
        %dma_wait3A_89 = arith.constant 0 : i32
        %dma_wait3A_90 = arith.constant 0 : i32
        %dma_wait3A_91 = tpu.memref_slice %arg15[%dma_wait3A_89, %dma_wait3A_90] : memref<51200x16xf32, #tpu.memory_space<hbm>> -> memref<512x16xf32, #tpu.memory_space<hbm>>
        tpu.wait_dma2 semaphore(%arg42 : memref<!tpu.dma_semaphore, #tpu.memory_space<semaphore_mem>>) src(%dma_wait3A_91 : memref<512x16xf32, #tpu.memory_space<hbm>>) dst(%arg32 : memref<512x16xf32, #tpu.memory_space<vmem>>)
        %dma_wait3A_92 = arith.constant 0 : i32
        %dma_wait3A_93 = arith.constant 0 : i32
        %dma_wait3A_94 = tpu.memref_slice %arg17[%dma_wait3A_92, %dma_wait3A_93] : memref<51200x8xf32, #tpu.memory_space<hbm>> -> memref<512x8xf32, #tpu.memory_space<hbm>>
        %dma_wait3A_95 = arith.constant 0 : i32
        %dma_wait3A_96 = arith.constant 0 : i32
        %dma_wait3A_97 = tpu.memref_slice %arg17[%dma_wait3A_95, %dma_wait3A_96] : memref<51200x8xf32, #tpu.memory_space<hbm>> -> memref<512x8xf32, #tpu.memory_space<hbm>>
        tpu.wait_dma2 semaphore(%arg42 : memref<!tpu.dma_semaphore, #tpu.memory_space<semaphore_mem>>) src(%dma_wait3A_97 : memref<512x8xf32, #tpu.memory_space<hbm>>) dst(%arg34 : memref<512x8xf32, #tpu.memory_space<vmem>>)
        "tpu.region"() ({
          %run_scoped3A = tpu.sem_alloc : memref<!tpu.dma_semaphore, #tpu.memory_space<semaphore_mem>>
          %dma_start3A_105 = arith.constant 0 : i32
          %dma_start3A_106 = arith.constant 0 : i32
          %dma_start3A_107 = tpu.memref_slice %arg23[%dma_start3A_105, %dma_start3A_106] : memref<51200x16xf32, #tpu.memory_space<vmem_shared>> -> memref<51200x16xf32, #tpu.memory_space<vmem_shared>>
          tpu.enqueue_indirect_dma source(%arg32 : memref<512x16xf32, #tpu.memory_space<vmem>>) target(%dma_start3A_107 : memref<51200x16xf32, #tpu.memory_space<vmem_shared>>) offsets(%arg30 : memref<512xi32, #tpu.memory_space<vmem>>) semaphore(%run_scoped3A : memref<!tpu.dma_semaphore, #tpu.memory_space<semaphore_mem>>) {add = true}
          %dma_wait3A_108 = arith.constant 0 : i32
          %dma_wait3A_109 = arith.constant 0 : i32
          %dma_wait3A_110 = tpu.memref_slice %arg23[%dma_wait3A_108, %dma_wait3A_109] : memref<51200x16xf32, #tpu.memory_space<vmem_shared>> -> memref<51200x16xf32, #tpu.memory_space<vmem_shared>>
          tpu.wait_indirect_dma semaphore(%run_scoped3A : memref<!tpu.dma_semaphore, #tpu.memory_space<semaphore_mem>>) src(%arg32 : memref<512x16xf32, #tpu.memory_space<vmem>>) dst(%dma_wait3A_110 : memref<51200x16xf32, #tpu.memory_space<vmem_shared>>)
          tpu.yield
        }) : () -> ()
        "tpu.region"() ({
          %run_scoped3A = tpu.sem_alloc : memref<!tpu.dma_semaphore, #tpu.memory_space<semaphore_mem>>
          %dma_start3A_105 = arith.constant 0 : i32
          %dma_start3A_106 = arith.constant 0 : i32
          %dma_start3A_107 = tpu.memref_slice %arg24[%dma_start3A_105, %dma_start3A_106] : memref<51200x8xf32, #tpu.memory_space<vmem_shared>> -> memref<51200x8xf32, #tpu.memory_space<vmem_shared>>
          tpu.enqueue_indirect_dma source(%arg34 : memref<512x8xf32, #tpu.memory_space<vmem>>) target(%dma_start3A_107 : memref<51200x8xf32, #tpu.memory_space<vmem_shared>>) offsets(%arg30 : memref<512xi32, #tpu.memory_space<vmem>>) semaphore(%run_scoped3A : memref<!tpu.dma_semaphore, #tpu.memory_space<semaphore_mem>>) {add = true}
          %dma_wait3A_108 = arith.constant 0 : i32
          %dma_wait3A_109 = arith.constant 0 : i32
          %dma_wait3A_110 = tpu.memref_slice %arg24[%dma_wait3A_108, %dma_wait3A_109] : memref<51200x8xf32, #tpu.memory_space<vmem_shared>> -> memref<51200x8xf32, #tpu.memory_space<vmem_shared>>
          tpu.wait_indirect_dma semaphore(%run_scoped3A : memref<!tpu.dma_semaphore, #tpu.memory_space<semaphore_mem>>) src(%arg34 : memref<512x8xf32, #tpu.memory_space<vmem>>) dst(%dma_wait3A_110 : memref<51200x8xf32, #tpu.memory_space<vmem_shared>>)
          tpu.yield
        }) : () -> ()
        %add3A_98 = arith.constant 3 : i32
        %add3A_99 = arith.addi %add3A_68, %add3A_98 : i32
        %lt3A_100 = arith.constant 100 : i32
        %lt3A_101 = arith.cmpi slt, %add3A_99, %lt3A_100 : i32
        %convert_element_type3A_102 = arith.extui %lt3A_101 : i1 to i32
        %cond3A_103 = arith.constant 0 : i32
        %cond3A_104 = arith.cmpi ne, %convert_element_type3A_102, %cond3A_103 : i32
        scf.if %cond3A_104 {
          %add3A_105 = arith.constant 3 : i32
          %add3A_106 = arith.addi %add3A_68, %add3A_105 : i32
          %mul3A_107 = arith.constant 512 : i32
          %mul3A_108 = arith.muli %add3A_106, %mul3A_107 : i32
          %add3A_109 = arith.addi %mul3A_2, %mul3A_108 : i32
          "tpu.region"() ({
            %run_scoped3A = tpu.sem_alloc : memref<!tpu.dma_semaphore, #tpu.memory_space<semaphore_mem>>
            %dma_start3A_116 = tpu.memref_slice %arg5[%add3A_109] : memref<819200xi32, #tpu.memory_space<hbm>> -> memref<512xi32, #tpu.memory_space<hbm>>
            %dma_start3A_117 = tpu.memref_slice %arg5[%add3A_109] : memref<819200xi32, #tpu.memory_space<hbm>> -> memref<512xi32, #tpu.memory_space<hbm>>
            tpu.enqueue_dma source(%dma_start3A_117 : memref<512xi32, #tpu.memory_space<hbm>>) target(%arg28 : memref<512xi32, #tpu.memory_space<vmem>>) target_semaphore(%run_scoped3A : memref<!tpu.dma_semaphore, #tpu.memory_space<semaphore_mem>>)
            %dma_wait3A_118 = tpu.memref_slice %arg5[%add3A_109] : memref<819200xi32, #tpu.memory_space<hbm>> -> memref<512xi32, #tpu.memory_space<hbm>>
            %dma_wait3A_119 = tpu.memref_slice %arg5[%add3A_109] : memref<819200xi32, #tpu.memory_space<hbm>> -> memref<512xi32, #tpu.memory_space<hbm>>
            tpu.wait_dma2 semaphore(%run_scoped3A : memref<!tpu.dma_semaphore, #tpu.memory_space<semaphore_mem>>) src(%dma_wait3A_119 : memref<512xi32, #tpu.memory_space<hbm>>) dst(%arg28 : memref<512xi32, #tpu.memory_space<vmem>>)
            tpu.yield
          }) : () -> ()
          "tpu.region"() ({
            %run_scoped3A = tpu.sem_alloc : memref<!tpu.dma_semaphore, #tpu.memory_space<semaphore_mem>>
            %dma_start3A_116 = tpu.memref_slice %arg6[%add3A_109] : memref<819200xi32, #tpu.memory_space<hbm>> -> memref<512xi32, #tpu.memory_space<hbm>>
            %dma_start3A_117 = tpu.memref_slice %arg6[%add3A_109] : memref<819200xi32, #tpu.memory_space<hbm>> -> memref<512xi32, #tpu.memory_space<hbm>>
            tpu.enqueue_dma source(%dma_start3A_117 : memref<512xi32, #tpu.memory_space<hbm>>) target(%arg30 : memref<512xi32, #tpu.memory_space<vmem>>) target_semaphore(%run_scoped3A : memref<!tpu.dma_semaphore, #tpu.memory_space<semaphore_mem>>)
            %dma_wait3A_118 = tpu.memref_slice %arg6[%add3A_109] : memref<819200xi32, #tpu.memory_space<hbm>> -> memref<512xi32, #tpu.memory_space<hbm>>
            %dma_wait3A_119 = tpu.memref_slice %arg6[%add3A_109] : memref<819200xi32, #tpu.memory_space<hbm>> -> memref<512xi32, #tpu.memory_space<hbm>>
            tpu.wait_dma2 semaphore(%run_scoped3A : memref<!tpu.dma_semaphore, #tpu.memory_space<semaphore_mem>>) src(%dma_wait3A_119 : memref<512xi32, #tpu.memory_space<hbm>>) dst(%arg30 : memref<512xi32, #tpu.memory_space<vmem>>)
            tpu.yield
          }) : () -> ()
          %dma_start3A_110 = arith.constant 0 : i32
          %dma_start3A_111 = arith.constant 0 : i32
          %dma_start3A_112 = tpu.memref_slice %arg15[%dma_start3A_110, %dma_start3A_111] : memref<51200x16xf32, #tpu.memory_space<hbm>> -> memref<51200x16xf32, #tpu.memory_space<hbm>>
          tpu.enqueue_indirect_dma source(%dma_start3A_112 : memref<51200x16xf32, #tpu.memory_space<hbm>>) target(%arg32 : memref<512x16xf32, #tpu.memory_space<vmem>>) offsets(%arg28 : memref<512xi32, #tpu.memory_space<vmem>>) semaphore(%arg42 : memref<!tpu.dma_semaphore, #tpu.memory_space<semaphore_mem>>)
          %dma_start3A_113 = arith.constant 0 : i32
          %dma_start3A_114 = arith.constant 0 : i32
          %dma_start3A_115 = tpu.memref_slice %arg17[%dma_start3A_113, %dma_start3A_114] : memref<51200x8xf32, #tpu.memory_space<hbm>> -> memref<51200x8xf32, #tpu.memory_space<hbm>>
          tpu.enqueue_indirect_dma source(%dma_start3A_115 : memref<51200x8xf32, #tpu.memory_space<hbm>>) target(%arg34 : memref<512x8xf32, #tpu.memory_space<vmem>>) offsets(%arg28 : memref<512xi32, #tpu.memory_space<vmem>>) semaphore(%arg42 : memref<!tpu.dma_semaphore, #tpu.memory_space<semaphore_mem>>)
        } else {
        }
      }
      %scan3A_63 = arith.constant 50 : i32
    } else {
    }
    %eq3A_26 = arith.constant 1 : i32
    %eq3A_27 = arith.cmpi eq, %arg0, %eq3A_26 : i32
    %convert_element_type3A_28 = arith.extui %eq3A_27 : i1 to i32
    %cond3A_29 = arith.constant 0 : i32
    %cond3A_30 = arith.cmpi ne, %convert_element_type3A_28, %cond3A_29 : i32
    scf.if %cond3A_30 {
      %add3A = arith.constant 0 : i32
      %add3A_42 = arith.addi %mul3A_2, %add3A : i32
      "tpu.region"() ({
        %run_scoped3A = tpu.sem_alloc : memref<!tpu.dma_semaphore, #tpu.memory_space<semaphore_mem>>
        %dma_start3A_58 = tpu.memref_slice %arg5[%add3A_42] : memref<819200xi32, #tpu.memory_space<hbm>> -> memref<512xi32, #tpu.memory_space<hbm>>
        %dma_start3A_59 = tpu.memref_slice %arg5[%add3A_42] : memref<819200xi32, #tpu.memory_space<hbm>> -> memref<512xi32, #tpu.memory_space<hbm>>
        tpu.enqueue_dma source(%dma_start3A_59 : memref<512xi32, #tpu.memory_space<hbm>>) target(%arg27 : memref<512xi32, #tpu.memory_space<vmem>>) target_semaphore(%run_scoped3A : memref<!tpu.dma_semaphore, #tpu.memory_space<semaphore_mem>>)
        %dma_wait3A = tpu.memref_slice %arg5[%add3A_42] : memref<819200xi32, #tpu.memory_space<hbm>> -> memref<512xi32, #tpu.memory_space<hbm>>
        %dma_wait3A_60 = tpu.memref_slice %arg5[%add3A_42] : memref<819200xi32, #tpu.memory_space<hbm>> -> memref<512xi32, #tpu.memory_space<hbm>>
        tpu.wait_dma2 semaphore(%run_scoped3A : memref<!tpu.dma_semaphore, #tpu.memory_space<semaphore_mem>>) src(%dma_wait3A_60 : memref<512xi32, #tpu.memory_space<hbm>>) dst(%arg27 : memref<512xi32, #tpu.memory_space<vmem>>)
        tpu.yield
      }) : () -> ()
      %add3A_43 = arith.constant 0 : i32
      %add3A_44 = arith.addi %mul3A_2, %add3A_43 : i32
      "tpu.region"() ({
        %run_scoped3A = tpu.sem_alloc : memref<!tpu.dma_semaphore, #tpu.memory_space<semaphore_mem>>
        %dma_start3A_58 = tpu.memref_slice %arg6[%add3A_44] : memref<819200xi32, #tpu.memory_space<hbm>> -> memref<512xi32, #tpu.memory_space<hbm>>
        %dma_start3A_59 = tpu.memref_slice %arg6[%add3A_44] : memref<819200xi32, #tpu.memory_space<hbm>> -> memref<512xi32, #tpu.memory_space<hbm>>
        tpu.enqueue_dma source(%dma_start3A_59 : memref<512xi32, #tpu.memory_space<hbm>>) target(%arg29 : memref<512xi32, #tpu.memory_space<vmem>>) target_semaphore(%run_scoped3A : memref<!tpu.dma_semaphore, #tpu.memory_space<semaphore_mem>>)
        %dma_wait3A = tpu.memref_slice %arg6[%add3A_44] : memref<819200xi32, #tpu.memory_space<hbm>> -> memref<512xi32, #tpu.memory_space<hbm>>
        %dma_wait3A_60 = tpu.memref_slice %arg6[%add3A_44] : memref<819200xi32, #tpu.memory_space<hbm>> -> memref<512xi32, #tpu.memory_space<hbm>>
        tpu.wait_dma2 semaphore(%run_scoped3A : memref<!tpu.dma_semaphore, #tpu.memory_space<semaphore_mem>>) src(%dma_wait3A_60 : memref<512xi32, #tpu.memory_space<hbm>>) dst(%arg29 : memref<512xi32, #tpu.memory_space<vmem>>)
        tpu.yield
      }) : () -> ()
      %dma_start3A = arith.constant 0 : i32
      %dma_start3A_45 = arith.constant 0 : i32
      %dma_start3A_46 = tpu.memref_slice %arg16[%dma_start3A, %dma_start3A_45] : memref<51200x16xf32, #tpu.memory_space<hbm>> -> memref<51200x16xf32, #tpu.memory_space<hbm>>
      tpu.enqueue_indirect_dma source(%dma_start3A_46 : memref<51200x16xf32, #tpu.memory_space<hbm>>) target(%arg31 : memref<512x16xf32, #tpu.memory_space<vmem>>) offsets(%arg27 : memref<512xi32, #tpu.memory_space<vmem>>) semaphore(%arg41 : memref<!tpu.dma_semaphore, #tpu.memory_space<semaphore_mem>>)
      %add3A_47 = arith.constant 512 : i32
      %add3A_48 = arith.addi %mul3A_2, %add3A_47 : i32
      "tpu.region"() ({
        %run_scoped3A = tpu.sem_alloc : memref<!tpu.dma_semaphore, #tpu.memory_space<semaphore_mem>>
        %dma_start3A_58 = tpu.memref_slice %arg5[%add3A_48] : memref<819200xi32, #tpu.memory_space<hbm>> -> memref<512xi32, #tpu.memory_space<hbm>>
        %dma_start3A_59 = tpu.memref_slice %arg5[%add3A_48] : memref<819200xi32, #tpu.memory_space<hbm>> -> memref<512xi32, #tpu.memory_space<hbm>>
        tpu.enqueue_dma source(%dma_start3A_59 : memref<512xi32, #tpu.memory_space<hbm>>) target(%arg28 : memref<512xi32, #tpu.memory_space<vmem>>) target_semaphore(%run_scoped3A : memref<!tpu.dma_semaphore, #tpu.memory_space<semaphore_mem>>)
        %dma_wait3A = tpu.memref_slice %arg5[%add3A_48] : memref<819200xi32, #tpu.memory_space<hbm>> -> memref<512xi32, #tpu.memory_space<hbm>>
        %dma_wait3A_60 = tpu.memref_slice %arg5[%add3A_48] : memref<819200xi32, #tpu.memory_space<hbm>> -> memref<512xi32, #tpu.memory_space<hbm>>
        tpu.wait_dma2 semaphore(%run_scoped3A : memref<!tpu.dma_semaphore, #tpu.memory_space<semaphore_mem>>) src(%dma_wait3A_60 : memref<512xi32, #tpu.memory_space<hbm>>) dst(%arg28 : memref<512xi32, #tpu.memory_space<vmem>>)
        tpu.yield
      }) : () -> ()
      %add3A_49 = arith.constant 512 : i32
      %add3A_50 = arith.addi %mul3A_2, %add3A_49 : i32
      "tpu.region"() ({
        %run_scoped3A = tpu.sem_alloc : memref<!tpu.dma_semaphore, #tpu.memory_space<semaphore_mem>>
        %dma_start3A_58 = tpu.memref_slice %arg6[%add3A_50] : memref<819200xi32, #tpu.memory_space<hbm>> -> memref<512xi32, #tpu.memory_space<hbm>>
        %dma_start3A_59 = tpu.memref_slice %arg6[%add3A_50] : memref<819200xi32, #tpu.memory_space<hbm>> -> memref<512xi32, #tpu.memory_space<hbm>>
        tpu.enqueue_dma source(%dma_start3A_59 : memref<512xi32, #tpu.memory_space<hbm>>) target(%arg30 : memref<512xi32, #tpu.memory_space<vmem>>) target_semaphore(%run_scoped3A : memref<!tpu.dma_semaphore, #tpu.memory_space<semaphore_mem>>)
        %dma_wait3A = tpu.memref_slice %arg6[%add3A_50] : memref<819200xi32, #tpu.memory_space<hbm>> -> memref<512xi32, #tpu.memory_space<hbm>>
        %dma_wait3A_60 = tpu.memref_slice %arg6[%add3A_50] : memref<819200xi32, #tpu.memory_space<hbm>> -> memref<512xi32, #tpu.memory_space<hbm>>
        tpu.wait_dma2 semaphore(%run_scoped3A : memref<!tpu.dma_semaphore, #tpu.memory_space<semaphore_mem>>) src(%dma_wait3A_60 : memref<512xi32, #tpu.memory_space<hbm>>) dst(%arg30 : memref<512xi32, #tpu.memory_space<vmem>>)
        tpu.yield
      }) : () -> ()
      %dma_start3A_51 = arith.constant 0 : i32
      %dma_start3A_52 = arith.constant 0 : i32
      %dma_start3A_53 = tpu.memref_slice %arg16[%dma_start3A_51, %dma_start3A_52] : memref<51200x16xf32, #tpu.memory_space<hbm>> -> memref<51200x16xf32, #tpu.memory_space<hbm>>
      tpu.enqueue_indirect_dma source(%dma_start3A_53 : memref<51200x16xf32, #tpu.memory_space<hbm>>) target(%arg32 : memref<512x16xf32, #tpu.memory_space<vmem>>) offsets(%arg28 : memref<512xi32, #tpu.memory_space<vmem>>) semaphore(%arg42 : memref<!tpu.dma_semaphore, #tpu.memory_space<semaphore_mem>>)
      %scan3A = arith.constant 0 : i32
      %scan3A_54 = arith.constant 50 : i32
      %scan3A_55 = arith.addi %scan3A, %scan3A_54 : i32
      %scan3A_56 = arith.constant 1 : i32
      scf.for %scan3A_58 = %scan3A to %scan3A_55 step %scan3A_56  : i32 {
        %mul3A_59 = arith.constant 2 : i32
        %mul3A_60 = arith.muli %scan3A_58, %mul3A_59 : i32
        %add3A_61 = arith.constant 0 : i32
        %add3A_62 = arith.addi %add3A_61, %mul3A_60 : i32
        %dma_wait3A = arith.constant 0 : i32
        %dma_wait3A_63 = arith.constant 0 : i32
        %dma_wait3A_64 = tpu.memref_slice %arg16[%dma_wait3A, %dma_wait3A_63] : memref<51200x16xf32, #tpu.memory_space<hbm>> -> memref<512x16xf32, #tpu.memory_space<hbm>>
        %dma_wait3A_65 = arith.constant 0 : i32
        %dma_wait3A_66 = arith.constant 0 : i32
        %dma_wait3A_67 = tpu.memref_slice %arg16[%dma_wait3A_65, %dma_wait3A_66] : memref<51200x16xf32, #tpu.memory_space<hbm>> -> memref<512x16xf32, #tpu.memory_space<hbm>>
        tpu.wait_dma2 semaphore(%arg41 : memref<!tpu.dma_semaphore, #tpu.memory_space<semaphore_mem>>) src(%dma_wait3A_67 : memref<512x16xf32, #tpu.memory_space<hbm>>) dst(%arg31 : memref<512x16xf32, #tpu.memory_space<vmem>>)
        "tpu.region"() ({
          %run_scoped3A = tpu.sem_alloc : memref<!tpu.dma_semaphore, #tpu.memory_space<semaphore_mem>>
          %dma_start3A_87 = arith.constant 0 : i32
          %dma_start3A_88 = arith.constant 0 : i32
          %dma_start3A_89 = tpu.memref_slice %arg23[%dma_start3A_87, %dma_start3A_88] : memref<51200x16xf32, #tpu.memory_space<vmem_shared>> -> memref<51200x16xf32, #tpu.memory_space<vmem_shared>>
          tpu.enqueue_indirect_dma source(%arg31 : memref<512x16xf32, #tpu.memory_space<vmem>>) target(%dma_start3A_89 : memref<51200x16xf32, #tpu.memory_space<vmem_shared>>) offsets(%arg29 : memref<512xi32, #tpu.memory_space<vmem>>) semaphore(%run_scoped3A : memref<!tpu.dma_semaphore, #tpu.memory_space<semaphore_mem>>) {add = true}
          %dma_wait3A_90 = arith.constant 0 : i32
          %dma_wait3A_91 = arith.constant 0 : i32
          %dma_wait3A_92 = tpu.memref_slice %arg23[%dma_wait3A_90, %dma_wait3A_91] : memref<51200x16xf32, #tpu.memory_space<vmem_shared>> -> memref<51200x16xf32, #tpu.memory_space<vmem_shared>>
          tpu.wait_indirect_dma semaphore(%run_scoped3A : memref<!tpu.dma_semaphore, #tpu.memory_space<semaphore_mem>>) src(%arg31 : memref<512x16xf32, #tpu.memory_space<vmem>>) dst(%dma_wait3A_92 : memref<51200x16xf32, #tpu.memory_space<vmem_shared>>)
          tpu.yield
        }) : () -> ()
        "tpu.region"() ({
          %run_scoped3A = tpu.sem_alloc : memref<!tpu.dma_semaphore, #tpu.memory_space<semaphore_mem>>
          %dma_start3A_87 = arith.constant 0 : i32
          %dma_start3A_88 = tpu.memref_slice %arg25[%dma_start3A_87] : memref<51200xf32, #tpu.memory_space<vmem_shared>> -> memref<51200xf32, #tpu.memory_space<vmem_shared>>
          tpu.enqueue_indirect_dma source(%arg39 : memref<512xf32, #tpu.memory_space<vmem>>) target(%dma_start3A_88 : memref<51200xf32, #tpu.memory_space<vmem_shared>>) offsets(%arg29 : memref<512xi32, #tpu.memory_space<vmem>>) semaphore(%run_scoped3A : memref<!tpu.dma_semaphore, #tpu.memory_space<semaphore_mem>>) {add = true}
          %dma_wait3A_89 = arith.constant 0 : i32
          %dma_wait3A_90 = tpu.memref_slice %arg25[%dma_wait3A_89] : memref<51200xf32, #tpu.memory_space<vmem_shared>> -> memref<51200xf32, #tpu.memory_space<vmem_shared>>
          tpu.wait_indirect_dma semaphore(%run_scoped3A : memref<!tpu.dma_semaphore, #tpu.memory_space<semaphore_mem>>) src(%arg39 : memref<512xf32, #tpu.memory_space<vmem>>) dst(%dma_wait3A_90 : memref<51200xf32, #tpu.memory_space<vmem_shared>>)
          tpu.yield
        }) : () -> ()
        %add3A_68 = arith.constant 2 : i32
        %add3A_69 = arith.addi %add3A_62, %add3A_68 : i32
        %lt3A = arith.constant 100 : i32
        %lt3A_70 = arith.cmpi slt, %add3A_69, %lt3A : i32
        %convert_element_type3A_71 = arith.extui %lt3A_70 : i1 to i32
        %cond3A_72 = arith.constant 0 : i32
        %cond3A_73 = arith.cmpi ne, %convert_element_type3A_71, %cond3A_72 : i32
        scf.if %cond3A_73 {
          %add3A_87 = arith.constant 2 : i32
          %add3A_88 = arith.addi %add3A_62, %add3A_87 : i32
          %mul3A_89 = arith.constant 512 : i32
          %mul3A_90 = arith.muli %add3A_88, %mul3A_89 : i32
          %add3A_91 = arith.addi %mul3A_2, %mul3A_90 : i32
          "tpu.region"() ({
            %run_scoped3A = tpu.sem_alloc : memref<!tpu.dma_semaphore, #tpu.memory_space<semaphore_mem>>
            %dma_start3A_95 = tpu.memref_slice %arg5[%add3A_91] : memref<819200xi32, #tpu.memory_space<hbm>> -> memref<512xi32, #tpu.memory_space<hbm>>
            %dma_start3A_96 = tpu.memref_slice %arg5[%add3A_91] : memref<819200xi32, #tpu.memory_space<hbm>> -> memref<512xi32, #tpu.memory_space<hbm>>
            tpu.enqueue_dma source(%dma_start3A_96 : memref<512xi32, #tpu.memory_space<hbm>>) target(%arg27 : memref<512xi32, #tpu.memory_space<vmem>>) target_semaphore(%run_scoped3A : memref<!tpu.dma_semaphore, #tpu.memory_space<semaphore_mem>>)
            %dma_wait3A_97 = tpu.memref_slice %arg5[%add3A_91] : memref<819200xi32, #tpu.memory_space<hbm>> -> memref<512xi32, #tpu.memory_space<hbm>>
            %dma_wait3A_98 = tpu.memref_slice %arg5[%add3A_91] : memref<819200xi32, #tpu.memory_space<hbm>> -> memref<512xi32, #tpu.memory_space<hbm>>
            tpu.wait_dma2 semaphore(%run_scoped3A : memref<!tpu.dma_semaphore, #tpu.memory_space<semaphore_mem>>) src(%dma_wait3A_98 : memref<512xi32, #tpu.memory_space<hbm>>) dst(%arg27 : memref<512xi32, #tpu.memory_space<vmem>>)
            tpu.yield
          }) : () -> ()
          "tpu.region"() ({
            %run_scoped3A = tpu.sem_alloc : memref<!tpu.dma_semaphore, #tpu.memory_space<semaphore_mem>>
            %dma_start3A_95 = tpu.memref_slice %arg6[%add3A_91] : memref<819200xi32, #tpu.memory_space<hbm>> -> memref<512xi32, #tpu.memory_space<hbm>>
            %dma_start3A_96 = tpu.memref_slice %arg6[%add3A_91] : memref<819200xi32, #tpu.memory_space<hbm>> -> memref<512xi32, #tpu.memory_space<hbm>>
            tpu.enqueue_dma source(%dma_start3A_96 : memref<512xi32, #tpu.memory_space<hbm>>) target(%arg29 : memref<512xi32, #tpu.memory_space<vmem>>) target_semaphore(%run_scoped3A : memref<!tpu.dma_semaphore, #tpu.memory_space<semaphore_mem>>)
            %dma_wait3A_97 = tpu.memref_slice %arg6[%add3A_91] : memref<819200xi32, #tpu.memory_space<hbm>> -> memref<512xi32, #tpu.memory_space<hbm>>
            %dma_wait3A_98 = tpu.memref_slice %arg6[%add3A_91] : memref<819200xi32, #tpu.memory_space<hbm>> -> memref<512xi32, #tpu.memory_space<hbm>>
            tpu.wait_dma2 semaphore(%run_scoped3A : memref<!tpu.dma_semaphore, #tpu.memory_space<semaphore_mem>>) src(%dma_wait3A_98 : memref<512xi32, #tpu.memory_space<hbm>>) dst(%arg29 : memref<512xi32, #tpu.memory_space<vmem>>)
            tpu.yield
          }) : () -> ()
          %dma_start3A_92 = arith.constant 0 : i32
          %dma_start3A_93 = arith.constant 0 : i32
          %dma_start3A_94 = tpu.memref_slice %arg16[%dma_start3A_92, %dma_start3A_93] : memref<51200x16xf32, #tpu.memory_space<hbm>> -> memref<51200x16xf32, #tpu.memory_space<hbm>>
          tpu.enqueue_indirect_dma source(%dma_start3A_94 : memref<51200x16xf32, #tpu.memory_space<hbm>>) target(%arg31 : memref<512x16xf32, #tpu.memory_space<vmem>>) offsets(%arg27 : memref<512xi32, #tpu.memory_space<vmem>>) semaphore(%arg41 : memref<!tpu.dma_semaphore, #tpu.memory_space<semaphore_mem>>)
        } else {
        }
        %dma_wait3A_74 = arith.constant 0 : i32
        %dma_wait3A_75 = arith.constant 0 : i32
        %dma_wait3A_76 = tpu.memref_slice %arg16[%dma_wait3A_74, %dma_wait3A_75] : memref<51200x16xf32, #tpu.memory_space<hbm>> -> memref<512x16xf32, #tpu.memory_space<hbm>>
        %dma_wait3A_77 = arith.constant 0 : i32
        %dma_wait3A_78 = arith.constant 0 : i32
        %dma_wait3A_79 = tpu.memref_slice %arg16[%dma_wait3A_77, %dma_wait3A_78] : memref<51200x16xf32, #tpu.memory_space<hbm>> -> memref<512x16xf32, #tpu.memory_space<hbm>>
        tpu.wait_dma2 semaphore(%arg42 : memref<!tpu.dma_semaphore, #tpu.memory_space<semaphore_mem>>) src(%dma_wait3A_79 : memref<512x16xf32, #tpu.memory_space<hbm>>) dst(%arg32 : memref<512x16xf32, #tpu.memory_space<vmem>>)
        "tpu.region"() ({
          %run_scoped3A = tpu.sem_alloc : memref<!tpu.dma_semaphore, #tpu.memory_space<semaphore_mem>>
          %dma_start3A_87 = arith.constant 0 : i32
          %dma_start3A_88 = arith.constant 0 : i32
          %dma_start3A_89 = tpu.memref_slice %arg23[%dma_start3A_87, %dma_start3A_88] : memref<51200x16xf32, #tpu.memory_space<vmem_shared>> -> memref<51200x16xf32, #tpu.memory_space<vmem_shared>>
          tpu.enqueue_indirect_dma source(%arg32 : memref<512x16xf32, #tpu.memory_space<vmem>>) target(%dma_start3A_89 : memref<51200x16xf32, #tpu.memory_space<vmem_shared>>) offsets(%arg30 : memref<512xi32, #tpu.memory_space<vmem>>) semaphore(%run_scoped3A : memref<!tpu.dma_semaphore, #tpu.memory_space<semaphore_mem>>) {add = true}
          %dma_wait3A_90 = arith.constant 0 : i32
          %dma_wait3A_91 = arith.constant 0 : i32
          %dma_wait3A_92 = tpu.memref_slice %arg23[%dma_wait3A_90, %dma_wait3A_91] : memref<51200x16xf32, #tpu.memory_space<vmem_shared>> -> memref<51200x16xf32, #tpu.memory_space<vmem_shared>>
          tpu.wait_indirect_dma semaphore(%run_scoped3A : memref<!tpu.dma_semaphore, #tpu.memory_space<semaphore_mem>>) src(%arg32 : memref<512x16xf32, #tpu.memory_space<vmem>>) dst(%dma_wait3A_92 : memref<51200x16xf32, #tpu.memory_space<vmem_shared>>)
          tpu.yield
        }) : () -> ()
        "tpu.region"() ({
          %run_scoped3A = tpu.sem_alloc : memref<!tpu.dma_semaphore, #tpu.memory_space<semaphore_mem>>
          %dma_start3A_87 = arith.constant 0 : i32
          %dma_start3A_88 = tpu.memref_slice %arg25[%dma_start3A_87] : memref<51200xf32, #tpu.memory_space<vmem_shared>> -> memref<51200xf32, #tpu.memory_space<vmem_shared>>
          tpu.enqueue_indirect_dma source(%arg39 : memref<512xf32, #tpu.memory_space<vmem>>) target(%dma_start3A_88 : memref<51200xf32, #tpu.memory_space<vmem_shared>>) offsets(%arg30 : memref<512xi32, #tpu.memory_space<vmem>>) semaphore(%run_scoped3A : memref<!tpu.dma_semaphore, #tpu.memory_space<semaphore_mem>>) {add = true}
          %dma_wait3A_89 = arith.constant 0 : i32
          %dma_wait3A_90 = tpu.memref_slice %arg25[%dma_wait3A_89] : memref<51200xf32, #tpu.memory_space<vmem_shared>> -> memref<51200xf32, #tpu.memory_space<vmem_shared>>
          tpu.wait_indirect_dma semaphore(%run_scoped3A : memref<!tpu.dma_semaphore, #tpu.memory_space<semaphore_mem>>) src(%arg39 : memref<512xf32, #tpu.memory_space<vmem>>) dst(%dma_wait3A_90 : memref<51200xf32, #tpu.memory_space<vmem_shared>>)
          tpu.yield
        }) : () -> ()
        %add3A_80 = arith.constant 3 : i32
        %add3A_81 = arith.addi %add3A_62, %add3A_80 : i32
        %lt3A_82 = arith.constant 100 : i32
        %lt3A_83 = arith.cmpi slt, %add3A_81, %lt3A_82 : i32
        %convert_element_type3A_84 = arith.extui %lt3A_83 : i1 to i32
        %cond3A_85 = arith.constant 0 : i32
        %cond3A_86 = arith.cmpi ne, %convert_element_type3A_84, %cond3A_85 : i32
        scf.if %cond3A_86 {
          %add3A_87 = arith.constant 3 : i32
          %add3A_88 = arith.addi %add3A_62, %add3A_87 : i32
          %mul3A_89 = arith.constant 512 : i32
          %mul3A_90 = arith.muli %add3A_88, %mul3A_89 : i32
          %add3A_91 = arith.addi %mul3A_2, %mul3A_90 : i32
          "tpu.region"() ({
            %run_scoped3A = tpu.sem_alloc : memref<!tpu.dma_semaphore, #tpu.memory_space<semaphore_mem>>
            %dma_start3A_95 = tpu.memref_slice %arg5[%add3A_91] : memref<819200xi32, #tpu.memory_space<hbm>> -> memref<512xi32, #tpu.memory_space<hbm>>
            %dma_start3A_96 = tpu.memref_slice %arg5[%add3A_91] : memref<819200xi32, #tpu.memory_space<hbm>> -> memref<512xi32, #tpu.memory_space<hbm>>
            tpu.enqueue_dma source(%dma_start3A_96 : memref<512xi32, #tpu.memory_space<hbm>>) target(%arg28 : memref<512xi32, #tpu.memory_space<vmem>>) target_semaphore(%run_scoped3A : memref<!tpu.dma_semaphore, #tpu.memory_space<semaphore_mem>>)
            %dma_wait3A_97 = tpu.memref_slice %arg5[%add3A_91] : memref<819200xi32, #tpu.memory_space<hbm>> -> memref<512xi32, #tpu.memory_space<hbm>>
            %dma_wait3A_98 = tpu.memref_slice %arg5[%add3A_91] : memref<819200xi32, #tpu.memory_space<hbm>> -> memref<512xi32, #tpu.memory_space<hbm>>
            tpu.wait_dma2 semaphore(%run_scoped3A : memref<!tpu.dma_semaphore, #tpu.memory_space<semaphore_mem>>) src(%dma_wait3A_98 : memref<512xi32, #tpu.memory_space<hbm>>) dst(%arg28 : memref<512xi32, #tpu.memory_space<vmem>>)
            tpu.yield
          }) : () -> ()
          "tpu.region"() ({
            %run_scoped3A = tpu.sem_alloc : memref<!tpu.dma_semaphore, #tpu.memory_space<semaphore_mem>>
            %dma_start3A_95 = tpu.memref_slice %arg6[%add3A_91] : memref<819200xi32, #tpu.memory_space<hbm>> -> memref<512xi32, #tpu.memory_space<hbm>>
            %dma_start3A_96 = tpu.memref_slice %arg6[%add3A_91] : memref<819200xi32, #tpu.memory_space<hbm>> -> memref<512xi32, #tpu.memory_space<hbm>>
            tpu.enqueue_dma source(%dma_start3A_96 : memref<512xi32, #tpu.memory_space<hbm>>) target(%arg30 : memref<512xi32, #tpu.memory_space<vmem>>) target_semaphore(%run_scoped3A : memref<!tpu.dma_semaphore, #tpu.memory_space<semaphore_mem>>)
            %dma_wait3A_97 = tpu.memref_slice %arg6[%add3A_91] : memref<819200xi32, #tpu.memory_space<hbm>> -> memref<512xi32, #tpu.memory_space<hbm>>
            %dma_wait3A_98 = tpu.memref_slice %arg6[%add3A_91] : memref<819200xi32, #tpu.memory_space<hbm>> -> memref<512xi32, #tpu.memory_space<hbm>>
            tpu.wait_dma2 semaphore(%run_scoped3A : memref<!tpu.dma_semaphore, #tpu.memory_space<semaphore_mem>>) src(%dma_wait3A_98 : memref<512xi32, #tpu.memory_space<hbm>>) dst(%arg30 : memref<512xi32, #tpu.memory_space<vmem>>)
            tpu.yield
          }) : () -> ()
          %dma_start3A_92 = arith.constant 0 : i32
          %dma_start3A_93 = arith.constant 0 : i32
          %dma_start3A_94 = tpu.memref_slice %arg16[%dma_start3A_92, %dma_start3A_93] : memref<51200x16xf32, #tpu.memory_space<hbm>> -> memref<51200x16xf32, #tpu.memory_space<hbm>>
          tpu.enqueue_indirect_dma source(%dma_start3A_94 : memref<51200x16xf32, #tpu.memory_space<hbm>>) target(%arg32 : memref<512x16xf32, #tpu.memory_space<vmem>>) offsets(%arg28 : memref<512xi32, #tpu.memory_space<vmem>>) semaphore(%arg42 : memref<!tpu.dma_semaphore, #tpu.memory_space<semaphore_mem>>)
        } else {
        }
      }
      %scan3A_57 = arith.constant 50 : i32
    } else {
    }
    %barrier3A_31 = arith.constant 0 : index
    tpu.barrier barrier_id(%barrier3A_31)
    %eq3A_32 = arith.constant 0 : i32
    %eq3A_33 = arith.cmpi eq, %arg0, %eq3A_32 : i32
    %convert_element_type3A_34 = arith.extui %eq3A_33 : i1 to i32
    %cond3A_35 = arith.constant 0 : i32
    %cond3A_36 = arith.cmpi ne, %convert_element_type3A_34, %cond3A_35 : i32
    scf.if %cond3A_36 {
      "tpu.region"() ({
        %run_scoped3A = tpu.sem_alloc : memref<!tpu.dma_semaphore, #tpu.memory_space<semaphore_mem>>
        %dma_start3A = arith.constant 0 : i32
        %dma_start3A_42 = tpu.memref_slice %arg18[%mul3A_0, %dma_start3A] : memref<51200x16xf32, #tpu.memory_space<hbm>> -> memref<3200x16xf32, #tpu.memory_space<hbm>>
        %dma_start3A_43 = arith.constant 0 : i32
        %dma_start3A_44 = tpu.memref_slice %arg23[%mul3A_0, %dma_start3A_43] : memref<51200x16xf32, #tpu.memory_space<vmem_shared>> -> memref<3200x16xf32, #tpu.memory_space<vmem_shared>>
        tpu.enqueue_dma source(%dma_start3A_44 : memref<3200x16xf32, #tpu.memory_space<vmem_shared>>) target(%dma_start3A_42 : memref<3200x16xf32, #tpu.memory_space<hbm>>) target_semaphore(%run_scoped3A : memref<!tpu.dma_semaphore, #tpu.memory_space<semaphore_mem>>)
        %dma_wait3A = arith.constant 0 : i32
        %dma_wait3A_45 = tpu.memref_slice %arg18[%mul3A_0, %dma_wait3A] : memref<51200x16xf32, #tpu.memory_space<hbm>> -> memref<3200x16xf32, #tpu.memory_space<hbm>>
        %dma_wait3A_46 = arith.constant 0 : i32
        %dma_wait3A_47 = tpu.memref_slice %arg23[%mul3A_0, %dma_wait3A_46] : memref<51200x16xf32, #tpu.memory_space<vmem_shared>> -> memref<3200x16xf32, #tpu.memory_space<vmem_shared>>
        tpu.wait_dma2 semaphore(%run_scoped3A : memref<!tpu.dma_semaphore, #tpu.memory_space<semaphore_mem>>) src(%dma_wait3A_47 : memref<3200x16xf32, #tpu.memory_space<vmem_shared>>) dst(%dma_wait3A_45 : memref<3200x16xf32, #tpu.memory_space<hbm>>)
        tpu.yield
      }) : () -> ()
      "tpu.region"() ({
        %run_scoped3A = tpu.sem_alloc : memref<!tpu.dma_semaphore, #tpu.memory_space<semaphore_mem>>
        %dma_start3A = arith.constant 0 : i32
        %dma_start3A_42 = tpu.memref_slice %arg20[%mul3A_0, %dma_start3A] : memref<51200x8xf32, #tpu.memory_space<hbm>> -> memref<3200x8xf32, #tpu.memory_space<hbm>>
        %dma_start3A_43 = arith.constant 0 : i32
        %dma_start3A_44 = tpu.memref_slice %arg24[%mul3A_0, %dma_start3A_43] : memref<51200x8xf32, #tpu.memory_space<vmem_shared>> -> memref<3200x8xf32, #tpu.memory_space<vmem_shared>>
        tpu.enqueue_dma source(%dma_start3A_44 : memref<3200x8xf32, #tpu.memory_space<vmem_shared>>) target(%dma_start3A_42 : memref<3200x8xf32, #tpu.memory_space<hbm>>) target_semaphore(%run_scoped3A : memref<!tpu.dma_semaphore, #tpu.memory_space<semaphore_mem>>)
        %dma_wait3A = arith.constant 0 : i32
        %dma_wait3A_45 = tpu.memref_slice %arg20[%mul3A_0, %dma_wait3A] : memref<51200x8xf32, #tpu.memory_space<hbm>> -> memref<3200x8xf32, #tpu.memory_space<hbm>>
        %dma_wait3A_46 = arith.constant 0 : i32
        %dma_wait3A_47 = tpu.memref_slice %arg24[%mul3A_0, %dma_wait3A_46] : memref<51200x8xf32, #tpu.memory_space<vmem_shared>> -> memref<3200x8xf32, #tpu.memory_space<vmem_shared>>
        tpu.wait_dma2 semaphore(%run_scoped3A : memref<!tpu.dma_semaphore, #tpu.memory_space<semaphore_mem>>) src(%dma_wait3A_47 : memref<3200x8xf32, #tpu.memory_space<vmem_shared>>) dst(%dma_wait3A_45 : memref<3200x8xf32, #tpu.memory_space<hbm>>)
        tpu.yield
      }) : () -> ()
    } else {
    }
    %eq3A_37 = arith.constant 1 : i32
    %eq3A_38 = arith.cmpi eq, %arg0, %eq3A_37 : i32
    %convert_element_type3A_39 = arith.extui %eq3A_38 : i1 to i32
    %cond3A_40 = arith.constant 0 : i32
    %cond3A_41 = arith.cmpi ne, %convert_element_type3A_39, %cond3A_40 : i32
    scf.if %cond3A_41 {
      "tpu.region"() ({
        %run_scoped3A = tpu.sem_alloc : memref<!tpu.dma_semaphore, #tpu.memory_space<semaphore_mem>>
        %dma_start3A = arith.constant 0 : i32
        %dma_start3A_47 = tpu.memref_slice %arg19[%mul3A_0, %dma_start3A] : memref<51200x16xf32, #tpu.memory_space<hbm>> -> memref<3200x16xf32, #tpu.memory_space<hbm>>
        %dma_start3A_48 = arith.constant 0 : i32
        %dma_start3A_49 = tpu.memref_slice %arg23[%mul3A_0, %dma_start3A_48] : memref<51200x16xf32, #tpu.memory_space<vmem_shared>> -> memref<3200x16xf32, #tpu.memory_space<vmem_shared>>
        tpu.enqueue_dma source(%dma_start3A_49 : memref<3200x16xf32, #tpu.memory_space<vmem_shared>>) target(%dma_start3A_47 : memref<3200x16xf32, #tpu.memory_space<hbm>>) target_semaphore(%run_scoped3A : memref<!tpu.dma_semaphore, #tpu.memory_space<semaphore_mem>>)
        %dma_wait3A = arith.constant 0 : i32
        %dma_wait3A_50 = tpu.memref_slice %arg19[%mul3A_0, %dma_wait3A] : memref<51200x16xf32, #tpu.memory_space<hbm>> -> memref<3200x16xf32, #tpu.memory_space<hbm>>
        %dma_wait3A_51 = arith.constant 0 : i32
        %dma_wait3A_52 = tpu.memref_slice %arg23[%mul3A_0, %dma_wait3A_51] : memref<51200x16xf32, #tpu.memory_space<vmem_shared>> -> memref<3200x16xf32, #tpu.memory_space<vmem_shared>>
        tpu.wait_dma2 semaphore(%run_scoped3A : memref<!tpu.dma_semaphore, #tpu.memory_space<semaphore_mem>>) src(%dma_wait3A_52 : memref<3200x16xf32, #tpu.memory_space<vmem_shared>>) dst(%dma_wait3A_50 : memref<3200x16xf32, #tpu.memory_space<hbm>>)
        tpu.yield
      }) : () -> ()
      "tpu.region"() ({
        %run_scoped3A = tpu.sem_alloc : memref<!tpu.dma_semaphore, #tpu.memory_space<semaphore_mem>>
        %dma_start3A = tpu.memref_slice %arg21[%mul3A_0] : memref<51200xf32, #tpu.memory_space<hbm>> -> memref<3200xf32, #tpu.memory_space<hbm>>
        %dma_start3A_47 = tpu.memref_slice %arg25[%mul3A_0] : memref<51200xf32, #tpu.memory_space<vmem_shared>> -> memref<3200xf32, #tpu.memory_space<vmem_shared>>
        tpu.enqueue_dma source(%dma_start3A_47 : memref<3200xf32, #tpu.memory_space<vmem_shared>>) target(%dma_start3A : memref<3200xf32, #tpu.memory_space<hbm>>) target_semaphore(%run_scoped3A : memref<!tpu.dma_semaphore, #tpu.memory_space<semaphore_mem>>)
        %dma_wait3A = tpu.memref_slice %arg21[%mul3A_0] : memref<51200xf32, #tpu.memory_space<hbm>> -> memref<3200xf32, #tpu.memory_space<hbm>>
        %dma_wait3A_48 = tpu.memref_slice %arg25[%mul3A_0] : memref<51200xf32, #tpu.memory_space<vmem_shared>> -> memref<3200xf32, #tpu.memory_space<vmem_shared>>
        tpu.wait_dma2 semaphore(%run_scoped3A : memref<!tpu.dma_semaphore, #tpu.memory_space<semaphore_mem>>) src(%dma_wait3A_48 : memref<3200xf32, #tpu.memory_space<vmem_shared>>) dst(%dma_wait3A : memref<3200xf32, #tpu.memory_space<hbm>>)
        tpu.yield
      }) : () -> ()
      %eq3A_42 = arith.constant 0 : i32
      %eq3A_43 = arith.cmpi eq, %arg1, %eq3A_42 : i32
      %convert_element_type3A_44 = arith.extui %eq3A_43 : i1 to i32
      %cond3A_45 = arith.constant 0 : i32
      %cond3A_46 = arith.cmpi ne, %convert_element_type3A_44, %cond3A_45 : i32
      scf.if %cond3A_46 {
        "tpu.region"() ({
          %run_scoped3A = tpu.sem_alloc : memref<!tpu.dma_semaphore, #tpu.memory_space<semaphore_mem>>
          tpu.enqueue_dma source(%arg26 : memref<640xf32, #tpu.memory_space<vmem_shared>>) target(%arg22 : memref<640xf32, #tpu.memory_space<hbm>>) target_semaphore(%run_scoped3A : memref<!tpu.dma_semaphore, #tpu.memory_space<semaphore_mem>>)
          tpu.wait_dma2 semaphore(%run_scoped3A : memref<!tpu.dma_semaphore, #tpu.memory_space<semaphore_mem>>) src(%arg26 : memref<640xf32, #tpu.memory_space<vmem_shared>>) dst(%arg22 : memref<640xf32, #tpu.memory_space<hbm>>)
          tpu.yield
        }) : () -> ()
      } else {
      }
    } else {
    }
    return
  }
}

#map = affine_map<(d0, d1) -> (0)>
#map1 = affine_map<(d0, d1) -> (0, 0)>
module attributes {stable_mosaic.version = 14 : i64} {
  func.func @_sc2_body(%arg0: i32, %arg1: i32, %arg2: memref<819200xi32, #tpu.memory_space<hbm>>, %arg3: memref<819200xi32, #tpu.memory_space<hbm>>, %arg4: memref<51200x32xf32, #tpu.memory_space<hbm>>, %arg5: memref<51200x32xf32, #tpu.memory_space<hbm>>, %arg6: memref<3200x32xf32, #tpu.memory_space<hbm>>, %arg7: memref<51200x32xf32, #tpu.memory_space<hbm>>, %arg8: memref<51200x32xf32, #tpu.memory_space<hbm>>, %arg9: memref<51200x32xf32, #tpu.memory_space<vmem_shared>>, %arg10: memref<256xi32, #tpu.memory_space<vmem>>, %arg11: memref<256xi32, #tpu.memory_space<vmem>>, %arg12: memref<256xi32, #tpu.memory_space<vmem>>, %arg13: memref<256xi32, #tpu.memory_space<vmem>>, %arg14: memref<256x32xf32, #tpu.memory_space<vmem>>, %arg15: memref<256x32xf32, #tpu.memory_space<vmem>>, %arg16: memref<!tpu.dma_semaphore, #tpu.memory_space<semaphore_mem>>, %arg17: memref<!tpu.dma_semaphore, #tpu.memory_space<semaphore_mem>>) attributes {dimension_semantics = [#tpu.dimension_semantics<core_parallel>, #tpu.dimension_semantics<subcore_parallel>], iteration_bounds = array<i64: 2, 16>, scalar_prefetch = 0 : i64, scratch_operands = 9 : i64, tpu.core_type = #tpu.core_type<sc_vector_subcore>, window_params = [{transform_indices = #map}, {transform_indices = #map}, {transform_indices = #map1}, {transform_indices = #map1}, {transform_indices = #map1}, {transform_indices = #map1}, {transform_indices = #map1}]} {
    %mul3A = arith.constant 3200 : i32
    %mul3A_0 = arith.muli %arg1, %mul3A : i32
    %mul3A_1 = arith.constant 51200 : i32
    %mul3A_2 = arith.muli %arg1, %mul3A_1 : i32
    "tpu.region"() ({
      %run_scoped3A = tpu.sem_alloc : memref<!tpu.dma_semaphore, #tpu.memory_space<semaphore_mem>>
      %dma_start3A = arith.constant 0 : i32
      %dma_start3A_21 = tpu.memref_slice %arg9[%mul3A_0, %dma_start3A] : memref<51200x32xf32, #tpu.memory_space<vmem_shared>> -> memref<3200x32xf32, #tpu.memory_space<vmem_shared>>
      tpu.enqueue_dma source(%arg6 : memref<3200x32xf32, #tpu.memory_space<hbm>>) target(%dma_start3A_21 : memref<3200x32xf32, #tpu.memory_space<vmem_shared>>) target_semaphore(%run_scoped3A : memref<!tpu.dma_semaphore, #tpu.memory_space<semaphore_mem>>)
      %dma_wait3A = arith.constant 0 : i32
      %dma_wait3A_22 = tpu.memref_slice %arg9[%mul3A_0, %dma_wait3A] : memref<51200x32xf32, #tpu.memory_space<vmem_shared>> -> memref<3200x32xf32, #tpu.memory_space<vmem_shared>>
      tpu.wait_dma2 semaphore(%run_scoped3A : memref<!tpu.dma_semaphore, #tpu.memory_space<semaphore_mem>>) src(%arg6 : memref<3200x32xf32, #tpu.memory_space<hbm>>) dst(%dma_wait3A_22 : memref<3200x32xf32, #tpu.memory_space<vmem_shared>>)
      tpu.yield
    }) : () -> ()
    %barrier3A = arith.constant 0 : index
    tpu.barrier barrier_id(%barrier3A)
    %eq3A = arith.constant 0 : i32
    %eq3A_3 = arith.cmpi eq, %arg0, %eq3A : i32
    %convert_element_type3A = arith.extui %eq3A_3 : i1 to i32
    %cond3A = arith.constant 0 : i32
    %cond3A_4 = arith.cmpi ne, %convert_element_type3A, %cond3A : i32
    scf.if %cond3A_4 {
      %add3A = arith.constant 0 : i32
      %add3A_21 = arith.addi %mul3A_2, %add3A : i32
      "tpu.region"() ({
        %run_scoped3A = tpu.sem_alloc : memref<!tpu.dma_semaphore, #tpu.memory_space<semaphore_mem>>
        %dma_start3A_37 = tpu.memref_slice %arg2[%add3A_21] : memref<819200xi32, #tpu.memory_space<hbm>> -> memref<256xi32, #tpu.memory_space<hbm>>
        %dma_start3A_38 = tpu.memref_slice %arg2[%add3A_21] : memref<819200xi32, #tpu.memory_space<hbm>> -> memref<256xi32, #tpu.memory_space<hbm>>
        tpu.enqueue_dma source(%dma_start3A_38 : memref<256xi32, #tpu.memory_space<hbm>>) target(%arg10 : memref<256xi32, #tpu.memory_space<vmem>>) target_semaphore(%run_scoped3A : memref<!tpu.dma_semaphore, #tpu.memory_space<semaphore_mem>>)
        %dma_wait3A = tpu.memref_slice %arg2[%add3A_21] : memref<819200xi32, #tpu.memory_space<hbm>> -> memref<256xi32, #tpu.memory_space<hbm>>
        %dma_wait3A_39 = tpu.memref_slice %arg2[%add3A_21] : memref<819200xi32, #tpu.memory_space<hbm>> -> memref<256xi32, #tpu.memory_space<hbm>>
        tpu.wait_dma2 semaphore(%run_scoped3A : memref<!tpu.dma_semaphore, #tpu.memory_space<semaphore_mem>>) src(%dma_wait3A_39 : memref<256xi32, #tpu.memory_space<hbm>>) dst(%arg10 : memref<256xi32, #tpu.memory_space<vmem>>)
        tpu.yield
      }) : () -> ()
      %add3A_22 = arith.constant 0 : i32
      %add3A_23 = arith.addi %mul3A_2, %add3A_22 : i32
      "tpu.region"() ({
        %run_scoped3A = tpu.sem_alloc : memref<!tpu.dma_semaphore, #tpu.memory_space<semaphore_mem>>
        %dma_start3A_37 = tpu.memref_slice %arg3[%add3A_23] : memref<819200xi32, #tpu.memory_space<hbm>> -> memref<256xi32, #tpu.memory_space<hbm>>
        %dma_start3A_38 = tpu.memref_slice %arg3[%add3A_23] : memref<819200xi32, #tpu.memory_space<hbm>> -> memref<256xi32, #tpu.memory_space<hbm>>
        tpu.enqueue_dma source(%dma_start3A_38 : memref<256xi32, #tpu.memory_space<hbm>>) target(%arg12 : memref<256xi32, #tpu.memory_space<vmem>>) target_semaphore(%run_scoped3A : memref<!tpu.dma_semaphore, #tpu.memory_space<semaphore_mem>>)
        %dma_wait3A = tpu.memref_slice %arg3[%add3A_23] : memref<819200xi32, #tpu.memory_space<hbm>> -> memref<256xi32, #tpu.memory_space<hbm>>
        %dma_wait3A_39 = tpu.memref_slice %arg3[%add3A_23] : memref<819200xi32, #tpu.memory_space<hbm>> -> memref<256xi32, #tpu.memory_space<hbm>>
        tpu.wait_dma2 semaphore(%run_scoped3A : memref<!tpu.dma_semaphore, #tpu.memory_space<semaphore_mem>>) src(%dma_wait3A_39 : memref<256xi32, #tpu.memory_space<hbm>>) dst(%arg12 : memref<256xi32, #tpu.memory_space<vmem>>)
        tpu.yield
      }) : () -> ()
      %dma_start3A = arith.constant 0 : i32
      %dma_start3A_24 = arith.constant 0 : i32
      %dma_start3A_25 = tpu.memref_slice %arg4[%dma_start3A, %dma_start3A_24] : memref<51200x32xf32, #tpu.memory_space<hbm>> -> memref<51200x32xf32, #tpu.memory_space<hbm>>
      tpu.enqueue_indirect_dma source(%dma_start3A_25 : memref<51200x32xf32, #tpu.memory_space<hbm>>) target(%arg14 : memref<256x32xf32, #tpu.memory_space<vmem>>) offsets(%arg10 : memref<256xi32, #tpu.memory_space<vmem>>) semaphore(%arg16 : memref<!tpu.dma_semaphore, #tpu.memory_space<semaphore_mem>>)
      %add3A_26 = arith.constant 256 : i32
      %add3A_27 = arith.addi %mul3A_2, %add3A_26 : i32
      "tpu.region"() ({
        %run_scoped3A = tpu.sem_alloc : memref<!tpu.dma_semaphore, #tpu.memory_space<semaphore_mem>>
        %dma_start3A_37 = tpu.memref_slice %arg2[%add3A_27] : memref<819200xi32, #tpu.memory_space<hbm>> -> memref<256xi32, #tpu.memory_space<hbm>>
        %dma_start3A_38 = tpu.memref_slice %arg2[%add3A_27] : memref<819200xi32, #tpu.memory_space<hbm>> -> memref<256xi32, #tpu.memory_space<hbm>>
        tpu.enqueue_dma source(%dma_start3A_38 : memref<256xi32, #tpu.memory_space<hbm>>) target(%arg11 : memref<256xi32, #tpu.memory_space<vmem>>) target_semaphore(%run_scoped3A : memref<!tpu.dma_semaphore, #tpu.memory_space<semaphore_mem>>)
        %dma_wait3A = tpu.memref_slice %arg2[%add3A_27] : memref<819200xi32, #tpu.memory_space<hbm>> -> memref<256xi32, #tpu.memory_space<hbm>>
        %dma_wait3A_39 = tpu.memref_slice %arg2[%add3A_27] : memref<819200xi32, #tpu.memory_space<hbm>> -> memref<256xi32, #tpu.memory_space<hbm>>
        tpu.wait_dma2 semaphore(%run_scoped3A : memref<!tpu.dma_semaphore, #tpu.memory_space<semaphore_mem>>) src(%dma_wait3A_39 : memref<256xi32, #tpu.memory_space<hbm>>) dst(%arg11 : memref<256xi32, #tpu.memory_space<vmem>>)
        tpu.yield
      }) : () -> ()
      %add3A_28 = arith.constant 256 : i32
      %add3A_29 = arith.addi %mul3A_2, %add3A_28 : i32
      "tpu.region"() ({
        %run_scoped3A = tpu.sem_alloc : memref<!tpu.dma_semaphore, #tpu.memory_space<semaphore_mem>>
        %dma_start3A_37 = tpu.memref_slice %arg3[%add3A_29] : memref<819200xi32, #tpu.memory_space<hbm>> -> memref<256xi32, #tpu.memory_space<hbm>>
        %dma_start3A_38 = tpu.memref_slice %arg3[%add3A_29] : memref<819200xi32, #tpu.memory_space<hbm>> -> memref<256xi32, #tpu.memory_space<hbm>>
        tpu.enqueue_dma source(%dma_start3A_38 : memref<256xi32, #tpu.memory_space<hbm>>) target(%arg13 : memref<256xi32, #tpu.memory_space<vmem>>) target_semaphore(%run_scoped3A : memref<!tpu.dma_semaphore, #tpu.memory_space<semaphore_mem>>)
        %dma_wait3A = tpu.memref_slice %arg3[%add3A_29] : memref<819200xi32, #tpu.memory_space<hbm>> -> memref<256xi32, #tpu.memory_space<hbm>>
        %dma_wait3A_39 = tpu.memref_slice %arg3[%add3A_29] : memref<819200xi32, #tpu.memory_space<hbm>> -> memref<256xi32, #tpu.memory_space<hbm>>
        tpu.wait_dma2 semaphore(%run_scoped3A : memref<!tpu.dma_semaphore, #tpu.memory_space<semaphore_mem>>) src(%dma_wait3A_39 : memref<256xi32, #tpu.memory_space<hbm>>) dst(%arg13 : memref<256xi32, #tpu.memory_space<vmem>>)
        tpu.yield
      }) : () -> ()
      %dma_start3A_30 = arith.constant 0 : i32
      %dma_start3A_31 = arith.constant 0 : i32
      %dma_start3A_32 = tpu.memref_slice %arg4[%dma_start3A_30, %dma_start3A_31] : memref<51200x32xf32, #tpu.memory_space<hbm>> -> memref<51200x32xf32, #tpu.memory_space<hbm>>
      tpu.enqueue_indirect_dma source(%dma_start3A_32 : memref<51200x32xf32, #tpu.memory_space<hbm>>) target(%arg15 : memref<256x32xf32, #tpu.memory_space<vmem>>) offsets(%arg11 : memref<256xi32, #tpu.memory_space<vmem>>) semaphore(%arg17 : memref<!tpu.dma_semaphore, #tpu.memory_space<semaphore_mem>>)
      %scan3A = arith.constant 0 : i32
      %scan3A_33 = arith.constant 100 : i32
      %scan3A_34 = arith.addi %scan3A, %scan3A_33 : i32
      %scan3A_35 = arith.constant 1 : i32
      scf.for %scan3A_37 = %scan3A to %scan3A_34 step %scan3A_35  : i32 {
        %mul3A_38 = arith.constant 2 : i32
        %mul3A_39 = arith.muli %scan3A_37, %mul3A_38 : i32
        %add3A_40 = arith.constant 0 : i32
        %add3A_41 = arith.addi %add3A_40, %mul3A_39 : i32
        %dma_wait3A = arith.constant 0 : i32
        %dma_wait3A_42 = arith.constant 0 : i32
        %dma_wait3A_43 = tpu.memref_slice %arg4[%dma_wait3A, %dma_wait3A_42] : memref<51200x32xf32, #tpu.memory_space<hbm>> -> memref<256x32xf32, #tpu.memory_space<hbm>>
        %dma_wait3A_44 = arith.constant 0 : i32
        %dma_wait3A_45 = arith.constant 0 : i32
        %dma_wait3A_46 = tpu.memref_slice %arg4[%dma_wait3A_44, %dma_wait3A_45] : memref<51200x32xf32, #tpu.memory_space<hbm>> -> memref<256x32xf32, #tpu.memory_space<hbm>>
        tpu.wait_dma2 semaphore(%arg16 : memref<!tpu.dma_semaphore, #tpu.memory_space<semaphore_mem>>) src(%dma_wait3A_46 : memref<256x32xf32, #tpu.memory_space<hbm>>) dst(%arg14 : memref<256x32xf32, #tpu.memory_space<vmem>>)
        "tpu.region"() ({
          %run_scoped3A = tpu.sem_alloc : memref<!tpu.dma_semaphore, #tpu.memory_space<semaphore_mem>>
          %dma_start3A_66 = arith.constant 0 : i32
          %dma_start3A_67 = arith.constant 0 : i32
          %dma_start3A_68 = tpu.memref_slice %arg9[%dma_start3A_66, %dma_start3A_67] : memref<51200x32xf32, #tpu.memory_space<vmem_shared>> -> memref<51200x32xf32, #tpu.memory_space<vmem_shared>>
          tpu.enqueue_indirect_dma source(%arg14 : memref<256x32xf32, #tpu.memory_space<vmem>>) target(%dma_start3A_68 : memref<51200x32xf32, #tpu.memory_space<vmem_shared>>) offsets(%arg12 : memref<256xi32, #tpu.memory_space<vmem>>) semaphore(%run_scoped3A : memref<!tpu.dma_semaphore, #tpu.memory_space<semaphore_mem>>) {add = true}
          %dma_wait3A_69 = arith.constant 0 : i32
          %dma_wait3A_70 = arith.constant 0 : i32
          %dma_wait3A_71 = tpu.memref_slice %arg9[%dma_wait3A_69, %dma_wait3A_70] : memref<51200x32xf32, #tpu.memory_space<vmem_shared>> -> memref<51200x32xf32, #tpu.memory_space<vmem_shared>>
          tpu.wait_indirect_dma semaphore(%run_scoped3A : memref<!tpu.dma_semaphore, #tpu.memory_space<semaphore_mem>>) src(%arg14 : memref<256x32xf32, #tpu.memory_space<vmem>>) dst(%dma_wait3A_71 : memref<51200x32xf32, #tpu.memory_space<vmem_shared>>)
          tpu.yield
        }) : () -> ()
        %add3A_47 = arith.constant 2 : i32
        %add3A_48 = arith.addi %add3A_41, %add3A_47 : i32
        %lt3A = arith.constant 200 : i32
        %lt3A_49 = arith.cmpi slt, %add3A_48, %lt3A : i32
        %convert_element_type3A_50 = arith.extui %lt3A_49 : i1 to i32
        %cond3A_51 = arith.constant 0 : i32
        %cond3A_52 = arith.cmpi ne, %convert_element_type3A_50, %cond3A_51 : i32
        scf.if %cond3A_52 {
          %add3A_66 = arith.constant 2 : i32
          %add3A_67 = arith.addi %add3A_41, %add3A_66 : i32
          %mul3A_68 = arith.constant 256 : i32
          %mul3A_69 = arith.muli %add3A_67, %mul3A_68 : i32
          %add3A_70 = arith.addi %mul3A_2, %mul3A_69 : i32
          "tpu.region"() ({
            %run_scoped3A = tpu.sem_alloc : memref<!tpu.dma_semaphore, #tpu.memory_space<semaphore_mem>>
            %dma_start3A_74 = tpu.memref_slice %arg2[%add3A_70] : memref<819200xi32, #tpu.memory_space<hbm>> -> memref<256xi32, #tpu.memory_space<hbm>>
            %dma_start3A_75 = tpu.memref_slice %arg2[%add3A_70] : memref<819200xi32, #tpu.memory_space<hbm>> -> memref<256xi32, #tpu.memory_space<hbm>>
            tpu.enqueue_dma source(%dma_start3A_75 : memref<256xi32, #tpu.memory_space<hbm>>) target(%arg10 : memref<256xi32, #tpu.memory_space<vmem>>) target_semaphore(%run_scoped3A : memref<!tpu.dma_semaphore, #tpu.memory_space<semaphore_mem>>)
            %dma_wait3A_76 = tpu.memref_slice %arg2[%add3A_70] : memref<819200xi32, #tpu.memory_space<hbm>> -> memref<256xi32, #tpu.memory_space<hbm>>
            %dma_wait3A_77 = tpu.memref_slice %arg2[%add3A_70] : memref<819200xi32, #tpu.memory_space<hbm>> -> memref<256xi32, #tpu.memory_space<hbm>>
            tpu.wait_dma2 semaphore(%run_scoped3A : memref<!tpu.dma_semaphore, #tpu.memory_space<semaphore_mem>>) src(%dma_wait3A_77 : memref<256xi32, #tpu.memory_space<hbm>>) dst(%arg10 : memref<256xi32, #tpu.memory_space<vmem>>)
            tpu.yield
          }) : () -> ()
          "tpu.region"() ({
            %run_scoped3A = tpu.sem_alloc : memref<!tpu.dma_semaphore, #tpu.memory_space<semaphore_mem>>
            %dma_start3A_74 = tpu.memref_slice %arg3[%add3A_70] : memref<819200xi32, #tpu.memory_space<hbm>> -> memref<256xi32, #tpu.memory_space<hbm>>
            %dma_start3A_75 = tpu.memref_slice %arg3[%add3A_70] : memref<819200xi32, #tpu.memory_space<hbm>> -> memref<256xi32, #tpu.memory_space<hbm>>
            tpu.enqueue_dma source(%dma_start3A_75 : memref<256xi32, #tpu.memory_space<hbm>>) target(%arg12 : memref<256xi32, #tpu.memory_space<vmem>>) target_semaphore(%run_scoped3A : memref<!tpu.dma_semaphore, #tpu.memory_space<semaphore_mem>>)
            %dma_wait3A_76 = tpu.memref_slice %arg3[%add3A_70] : memref<819200xi32, #tpu.memory_space<hbm>> -> memref<256xi32, #tpu.memory_space<hbm>>
            %dma_wait3A_77 = tpu.memref_slice %arg3[%add3A_70] : memref<819200xi32, #tpu.memory_space<hbm>> -> memref<256xi32, #tpu.memory_space<hbm>>
            tpu.wait_dma2 semaphore(%run_scoped3A : memref<!tpu.dma_semaphore, #tpu.memory_space<semaphore_mem>>) src(%dma_wait3A_77 : memref<256xi32, #tpu.memory_space<hbm>>) dst(%arg12 : memref<256xi32, #tpu.memory_space<vmem>>)
            tpu.yield
          }) : () -> ()
          %dma_start3A_71 = arith.constant 0 : i32
          %dma_start3A_72 = arith.constant 0 : i32
          %dma_start3A_73 = tpu.memref_slice %arg4[%dma_start3A_71, %dma_start3A_72] : memref<51200x32xf32, #tpu.memory_space<hbm>> -> memref<51200x32xf32, #tpu.memory_space<hbm>>
          tpu.enqueue_indirect_dma source(%dma_start3A_73 : memref<51200x32xf32, #tpu.memory_space<hbm>>) target(%arg14 : memref<256x32xf32, #tpu.memory_space<vmem>>) offsets(%arg10 : memref<256xi32, #tpu.memory_space<vmem>>) semaphore(%arg16 : memref<!tpu.dma_semaphore, #tpu.memory_space<semaphore_mem>>)
        } else {
        }
        %dma_wait3A_53 = arith.constant 0 : i32
        %dma_wait3A_54 = arith.constant 0 : i32
        %dma_wait3A_55 = tpu.memref_slice %arg4[%dma_wait3A_53, %dma_wait3A_54] : memref<51200x32xf32, #tpu.memory_space<hbm>> -> memref<256x32xf32, #tpu.memory_space<hbm>>
        %dma_wait3A_56 = arith.constant 0 : i32
        %dma_wait3A_57 = arith.constant 0 : i32
        %dma_wait3A_58 = tpu.memref_slice %arg4[%dma_wait3A_56, %dma_wait3A_57] : memref<51200x32xf32, #tpu.memory_space<hbm>> -> memref<256x32xf32, #tpu.memory_space<hbm>>
        tpu.wait_dma2 semaphore(%arg17 : memref<!tpu.dma_semaphore, #tpu.memory_space<semaphore_mem>>) src(%dma_wait3A_58 : memref<256x32xf32, #tpu.memory_space<hbm>>) dst(%arg15 : memref<256x32xf32, #tpu.memory_space<vmem>>)
        "tpu.region"() ({
          %run_scoped3A = tpu.sem_alloc : memref<!tpu.dma_semaphore, #tpu.memory_space<semaphore_mem>>
          %dma_start3A_66 = arith.constant 0 : i32
          %dma_start3A_67 = arith.constant 0 : i32
          %dma_start3A_68 = tpu.memref_slice %arg9[%dma_start3A_66, %dma_start3A_67] : memref<51200x32xf32, #tpu.memory_space<vmem_shared>> -> memref<51200x32xf32, #tpu.memory_space<vmem_shared>>
          tpu.enqueue_indirect_dma source(%arg15 : memref<256x32xf32, #tpu.memory_space<vmem>>) target(%dma_start3A_68 : memref<51200x32xf32, #tpu.memory_space<vmem_shared>>) offsets(%arg13 : memref<256xi32, #tpu.memory_space<vmem>>) semaphore(%run_scoped3A : memref<!tpu.dma_semaphore, #tpu.memory_space<semaphore_mem>>) {add = true}
          %dma_wait3A_69 = arith.constant 0 : i32
          %dma_wait3A_70 = arith.constant 0 : i32
          %dma_wait3A_71 = tpu.memref_slice %arg9[%dma_wait3A_69, %dma_wait3A_70] : memref<51200x32xf32, #tpu.memory_space<vmem_shared>> -> memref<51200x32xf32, #tpu.memory_space<vmem_shared>>
          tpu.wait_indirect_dma semaphore(%run_scoped3A : memref<!tpu.dma_semaphore, #tpu.memory_space<semaphore_mem>>) src(%arg15 : memref<256x32xf32, #tpu.memory_space<vmem>>) dst(%dma_wait3A_71 : memref<51200x32xf32, #tpu.memory_space<vmem_shared>>)
          tpu.yield
        }) : () -> ()
        %add3A_59 = arith.constant 3 : i32
        %add3A_60 = arith.addi %add3A_41, %add3A_59 : i32
        %lt3A_61 = arith.constant 200 : i32
        %lt3A_62 = arith.cmpi slt, %add3A_60, %lt3A_61 : i32
        %convert_element_type3A_63 = arith.extui %lt3A_62 : i1 to i32
        %cond3A_64 = arith.constant 0 : i32
        %cond3A_65 = arith.cmpi ne, %convert_element_type3A_63, %cond3A_64 : i32
        scf.if %cond3A_65 {
          %add3A_66 = arith.constant 3 : i32
          %add3A_67 = arith.addi %add3A_41, %add3A_66 : i32
          %mul3A_68 = arith.constant 256 : i32
          %mul3A_69 = arith.muli %add3A_67, %mul3A_68 : i32
          %add3A_70 = arith.addi %mul3A_2, %mul3A_69 : i32
          "tpu.region"() ({
            %run_scoped3A = tpu.sem_alloc : memref<!tpu.dma_semaphore, #tpu.memory_space<semaphore_mem>>
            %dma_start3A_74 = tpu.memref_slice %arg2[%add3A_70] : memref<819200xi32, #tpu.memory_space<hbm>> -> memref<256xi32, #tpu.memory_space<hbm>>
            %dma_start3A_75 = tpu.memref_slice %arg2[%add3A_70] : memref<819200xi32, #tpu.memory_space<hbm>> -> memref<256xi32, #tpu.memory_space<hbm>>
            tpu.enqueue_dma source(%dma_start3A_75 : memref<256xi32, #tpu.memory_space<hbm>>) target(%arg11 : memref<256xi32, #tpu.memory_space<vmem>>) target_semaphore(%run_scoped3A : memref<!tpu.dma_semaphore, #tpu.memory_space<semaphore_mem>>)
            %dma_wait3A_76 = tpu.memref_slice %arg2[%add3A_70] : memref<819200xi32, #tpu.memory_space<hbm>> -> memref<256xi32, #tpu.memory_space<hbm>>
            %dma_wait3A_77 = tpu.memref_slice %arg2[%add3A_70] : memref<819200xi32, #tpu.memory_space<hbm>> -> memref<256xi32, #tpu.memory_space<hbm>>
            tpu.wait_dma2 semaphore(%run_scoped3A : memref<!tpu.dma_semaphore, #tpu.memory_space<semaphore_mem>>) src(%dma_wait3A_77 : memref<256xi32, #tpu.memory_space<hbm>>) dst(%arg11 : memref<256xi32, #tpu.memory_space<vmem>>)
            tpu.yield
          }) : () -> ()
          "tpu.region"() ({
            %run_scoped3A = tpu.sem_alloc : memref<!tpu.dma_semaphore, #tpu.memory_space<semaphore_mem>>
            %dma_start3A_74 = tpu.memref_slice %arg3[%add3A_70] : memref<819200xi32, #tpu.memory_space<hbm>> -> memref<256xi32, #tpu.memory_space<hbm>>
            %dma_start3A_75 = tpu.memref_slice %arg3[%add3A_70] : memref<819200xi32, #tpu.memory_space<hbm>> -> memref<256xi32, #tpu.memory_space<hbm>>
            tpu.enqueue_dma source(%dma_start3A_75 : memref<256xi32, #tpu.memory_space<hbm>>) target(%arg13 : memref<256xi32, #tpu.memory_space<vmem>>) target_semaphore(%run_scoped3A : memref<!tpu.dma_semaphore, #tpu.memory_space<semaphore_mem>>)
            %dma_wait3A_76 = tpu.memref_slice %arg3[%add3A_70] : memref<819200xi32, #tpu.memory_space<hbm>> -> memref<256xi32, #tpu.memory_space<hbm>>
            %dma_wait3A_77 = tpu.memref_slice %arg3[%add3A_70] : memref<819200xi32, #tpu.memory_space<hbm>> -> memref<256xi32, #tpu.memory_space<hbm>>
            tpu.wait_dma2 semaphore(%run_scoped3A : memref<!tpu.dma_semaphore, #tpu.memory_space<semaphore_mem>>) src(%dma_wait3A_77 : memref<256xi32, #tpu.memory_space<hbm>>) dst(%arg13 : memref<256xi32, #tpu.memory_space<vmem>>)
            tpu.yield
          }) : () -> ()
          %dma_start3A_71 = arith.constant 0 : i32
          %dma_start3A_72 = arith.constant 0 : i32
          %dma_start3A_73 = tpu.memref_slice %arg4[%dma_start3A_71, %dma_start3A_72] : memref<51200x32xf32, #tpu.memory_space<hbm>> -> memref<51200x32xf32, #tpu.memory_space<hbm>>
          tpu.enqueue_indirect_dma source(%dma_start3A_73 : memref<51200x32xf32, #tpu.memory_space<hbm>>) target(%arg15 : memref<256x32xf32, #tpu.memory_space<vmem>>) offsets(%arg11 : memref<256xi32, #tpu.memory_space<vmem>>) semaphore(%arg17 : memref<!tpu.dma_semaphore, #tpu.memory_space<semaphore_mem>>)
        } else {
        }
      }
      %scan3A_36 = arith.constant 100 : i32
    } else {
    }
    %eq3A_5 = arith.constant 1 : i32
    %eq3A_6 = arith.cmpi eq, %arg0, %eq3A_5 : i32
    %convert_element_type3A_7 = arith.extui %eq3A_6 : i1 to i32
    %cond3A_8 = arith.constant 0 : i32
    %cond3A_9 = arith.cmpi ne, %convert_element_type3A_7, %cond3A_8 : i32
    scf.if %cond3A_9 {
      %add3A = arith.constant 0 : i32
      %add3A_21 = arith.addi %mul3A_2, %add3A : i32
      "tpu.region"() ({
        %run_scoped3A = tpu.sem_alloc : memref<!tpu.dma_semaphore, #tpu.memory_space<semaphore_mem>>
        %dma_start3A_37 = tpu.memref_slice %arg2[%add3A_21] : memref<819200xi32, #tpu.memory_space<hbm>> -> memref<256xi32, #tpu.memory_space<hbm>>
        %dma_start3A_38 = tpu.memref_slice %arg2[%add3A_21] : memref<819200xi32, #tpu.memory_space<hbm>> -> memref<256xi32, #tpu.memory_space<hbm>>
        tpu.enqueue_dma source(%dma_start3A_38 : memref<256xi32, #tpu.memory_space<hbm>>) target(%arg10 : memref<256xi32, #tpu.memory_space<vmem>>) target_semaphore(%run_scoped3A : memref<!tpu.dma_semaphore, #tpu.memory_space<semaphore_mem>>)
        %dma_wait3A = tpu.memref_slice %arg2[%add3A_21] : memref<819200xi32, #tpu.memory_space<hbm>> -> memref<256xi32, #tpu.memory_space<hbm>>
        %dma_wait3A_39 = tpu.memref_slice %arg2[%add3A_21] : memref<819200xi32, #tpu.memory_space<hbm>> -> memref<256xi32, #tpu.memory_space<hbm>>
        tpu.wait_dma2 semaphore(%run_scoped3A : memref<!tpu.dma_semaphore, #tpu.memory_space<semaphore_mem>>) src(%dma_wait3A_39 : memref<256xi32, #tpu.memory_space<hbm>>) dst(%arg10 : memref<256xi32, #tpu.memory_space<vmem>>)
        tpu.yield
      }) : () -> ()
      %add3A_22 = arith.constant 0 : i32
      %add3A_23 = arith.addi %mul3A_2, %add3A_22 : i32
      "tpu.region"() ({
        %run_scoped3A = tpu.sem_alloc : memref<!tpu.dma_semaphore, #tpu.memory_space<semaphore_mem>>
        %dma_start3A_37 = tpu.memref_slice %arg3[%add3A_23] : memref<819200xi32, #tpu.memory_space<hbm>> -> memref<256xi32, #tpu.memory_space<hbm>>
        %dma_start3A_38 = tpu.memref_slice %arg3[%add3A_23] : memref<819200xi32, #tpu.memory_space<hbm>> -> memref<256xi32, #tpu.memory_space<hbm>>
        tpu.enqueue_dma source(%dma_start3A_38 : memref<256xi32, #tpu.memory_space<hbm>>) target(%arg12 : memref<256xi32, #tpu.memory_space<vmem>>) target_semaphore(%run_scoped3A : memref<!tpu.dma_semaphore, #tpu.memory_space<semaphore_mem>>)
        %dma_wait3A = tpu.memref_slice %arg3[%add3A_23] : memref<819200xi32, #tpu.memory_space<hbm>> -> memref<256xi32, #tpu.memory_space<hbm>>
        %dma_wait3A_39 = tpu.memref_slice %arg3[%add3A_23] : memref<819200xi32, #tpu.memory_space<hbm>> -> memref<256xi32, #tpu.memory_space<hbm>>
        tpu.wait_dma2 semaphore(%run_scoped3A : memref<!tpu.dma_semaphore, #tpu.memory_space<semaphore_mem>>) src(%dma_wait3A_39 : memref<256xi32, #tpu.memory_space<hbm>>) dst(%arg12 : memref<256xi32, #tpu.memory_space<vmem>>)
        tpu.yield
      }) : () -> ()
      %dma_start3A = arith.constant 0 : i32
      %dma_start3A_24 = arith.constant 0 : i32
      %dma_start3A_25 = tpu.memref_slice %arg5[%dma_start3A, %dma_start3A_24] : memref<51200x32xf32, #tpu.memory_space<hbm>> -> memref<51200x32xf32, #tpu.memory_space<hbm>>
      tpu.enqueue_indirect_dma source(%dma_start3A_25 : memref<51200x32xf32, #tpu.memory_space<hbm>>) target(%arg14 : memref<256x32xf32, #tpu.memory_space<vmem>>) offsets(%arg10 : memref<256xi32, #tpu.memory_space<vmem>>) semaphore(%arg16 : memref<!tpu.dma_semaphore, #tpu.memory_space<semaphore_mem>>)
      %add3A_26 = arith.constant 256 : i32
      %add3A_27 = arith.addi %mul3A_2, %add3A_26 : i32
      "tpu.region"() ({
        %run_scoped3A = tpu.sem_alloc : memref<!tpu.dma_semaphore, #tpu.memory_space<semaphore_mem>>
        %dma_start3A_37 = tpu.memref_slice %arg2[%add3A_27] : memref<819200xi32, #tpu.memory_space<hbm>> -> memref<256xi32, #tpu.memory_space<hbm>>
        %dma_start3A_38 = tpu.memref_slice %arg2[%add3A_27] : memref<819200xi32, #tpu.memory_space<hbm>> -> memref<256xi32, #tpu.memory_space<hbm>>
        tpu.enqueue_dma source(%dma_start3A_38 : memref<256xi32, #tpu.memory_space<hbm>>) target(%arg11 : memref<256xi32, #tpu.memory_space<vmem>>) target_semaphore(%run_scoped3A : memref<!tpu.dma_semaphore, #tpu.memory_space<semaphore_mem>>)
        %dma_wait3A = tpu.memref_slice %arg2[%add3A_27] : memref<819200xi32, #tpu.memory_space<hbm>> -> memref<256xi32, #tpu.memory_space<hbm>>
        %dma_wait3A_39 = tpu.memref_slice %arg2[%add3A_27] : memref<819200xi32, #tpu.memory_space<hbm>> -> memref<256xi32, #tpu.memory_space<hbm>>
        tpu.wait_dma2 semaphore(%run_scoped3A : memref<!tpu.dma_semaphore, #tpu.memory_space<semaphore_mem>>) src(%dma_wait3A_39 : memref<256xi32, #tpu.memory_space<hbm>>) dst(%arg11 : memref<256xi32, #tpu.memory_space<vmem>>)
        tpu.yield
      }) : () -> ()
      %add3A_28 = arith.constant 256 : i32
      %add3A_29 = arith.addi %mul3A_2, %add3A_28 : i32
      "tpu.region"() ({
        %run_scoped3A = tpu.sem_alloc : memref<!tpu.dma_semaphore, #tpu.memory_space<semaphore_mem>>
        %dma_start3A_37 = tpu.memref_slice %arg3[%add3A_29] : memref<819200xi32, #tpu.memory_space<hbm>> -> memref<256xi32, #tpu.memory_space<hbm>>
        %dma_start3A_38 = tpu.memref_slice %arg3[%add3A_29] : memref<819200xi32, #tpu.memory_space<hbm>> -> memref<256xi32, #tpu.memory_space<hbm>>
        tpu.enqueue_dma source(%dma_start3A_38 : memref<256xi32, #tpu.memory_space<hbm>>) target(%arg13 : memref<256xi32, #tpu.memory_space<vmem>>) target_semaphore(%run_scoped3A : memref<!tpu.dma_semaphore, #tpu.memory_space<semaphore_mem>>)
        %dma_wait3A = tpu.memref_slice %arg3[%add3A_29] : memref<819200xi32, #tpu.memory_space<hbm>> -> memref<256xi32, #tpu.memory_space<hbm>>
        %dma_wait3A_39 = tpu.memref_slice %arg3[%add3A_29] : memref<819200xi32, #tpu.memory_space<hbm>> -> memref<256xi32, #tpu.memory_space<hbm>>
        tpu.wait_dma2 semaphore(%run_scoped3A : memref<!tpu.dma_semaphore, #tpu.memory_space<semaphore_mem>>) src(%dma_wait3A_39 : memref<256xi32, #tpu.memory_space<hbm>>) dst(%arg13 : memref<256xi32, #tpu.memory_space<vmem>>)
        tpu.yield
      }) : () -> ()
      %dma_start3A_30 = arith.constant 0 : i32
      %dma_start3A_31 = arith.constant 0 : i32
      %dma_start3A_32 = tpu.memref_slice %arg5[%dma_start3A_30, %dma_start3A_31] : memref<51200x32xf32, #tpu.memory_space<hbm>> -> memref<51200x32xf32, #tpu.memory_space<hbm>>
      tpu.enqueue_indirect_dma source(%dma_start3A_32 : memref<51200x32xf32, #tpu.memory_space<hbm>>) target(%arg15 : memref<256x32xf32, #tpu.memory_space<vmem>>) offsets(%arg11 : memref<256xi32, #tpu.memory_space<vmem>>) semaphore(%arg17 : memref<!tpu.dma_semaphore, #tpu.memory_space<semaphore_mem>>)
      %scan3A = arith.constant 0 : i32
      %scan3A_33 = arith.constant 100 : i32
      %scan3A_34 = arith.addi %scan3A, %scan3A_33 : i32
      %scan3A_35 = arith.constant 1 : i32
      scf.for %scan3A_37 = %scan3A to %scan3A_34 step %scan3A_35  : i32 {
        %mul3A_38 = arith.constant 2 : i32
        %mul3A_39 = arith.muli %scan3A_37, %mul3A_38 : i32
        %add3A_40 = arith.constant 0 : i32
        %add3A_41 = arith.addi %add3A_40, %mul3A_39 : i32
        %dma_wait3A = arith.constant 0 : i32
        %dma_wait3A_42 = arith.constant 0 : i32
        %dma_wait3A_43 = tpu.memref_slice %arg5[%dma_wait3A, %dma_wait3A_42] : memref<51200x32xf32, #tpu.memory_space<hbm>> -> memref<256x32xf32, #tpu.memory_space<hbm>>
        %dma_wait3A_44 = arith.constant 0 : i32
        %dma_wait3A_45 = arith.constant 0 : i32
        %dma_wait3A_46 = tpu.memref_slice %arg5[%dma_wait3A_44, %dma_wait3A_45] : memref<51200x32xf32, #tpu.memory_space<hbm>> -> memref<256x32xf32, #tpu.memory_space<hbm>>
        tpu.wait_dma2 semaphore(%arg16 : memref<!tpu.dma_semaphore, #tpu.memory_space<semaphore_mem>>) src(%dma_wait3A_46 : memref<256x32xf32, #tpu.memory_space<hbm>>) dst(%arg14 : memref<256x32xf32, #tpu.memory_space<vmem>>)
        "tpu.region"() ({
          %run_scoped3A = tpu.sem_alloc : memref<!tpu.dma_semaphore, #tpu.memory_space<semaphore_mem>>
          %dma_start3A_66 = arith.constant 0 : i32
          %dma_start3A_67 = arith.constant 0 : i32
          %dma_start3A_68 = tpu.memref_slice %arg9[%dma_start3A_66, %dma_start3A_67] : memref<51200x32xf32, #tpu.memory_space<vmem_shared>> -> memref<51200x32xf32, #tpu.memory_space<vmem_shared>>
          tpu.enqueue_indirect_dma source(%arg14 : memref<256x32xf32, #tpu.memory_space<vmem>>) target(%dma_start3A_68 : memref<51200x32xf32, #tpu.memory_space<vmem_shared>>) offsets(%arg12 : memref<256xi32, #tpu.memory_space<vmem>>) semaphore(%run_scoped3A : memref<!tpu.dma_semaphore, #tpu.memory_space<semaphore_mem>>) {add = true}
          %dma_wait3A_69 = arith.constant 0 : i32
          %dma_wait3A_70 = arith.constant 0 : i32
          %dma_wait3A_71 = tpu.memref_slice %arg9[%dma_wait3A_69, %dma_wait3A_70] : memref<51200x32xf32, #tpu.memory_space<vmem_shared>> -> memref<51200x32xf32, #tpu.memory_space<vmem_shared>>
          tpu.wait_indirect_dma semaphore(%run_scoped3A : memref<!tpu.dma_semaphore, #tpu.memory_space<semaphore_mem>>) src(%arg14 : memref<256x32xf32, #tpu.memory_space<vmem>>) dst(%dma_wait3A_71 : memref<51200x32xf32, #tpu.memory_space<vmem_shared>>)
          tpu.yield
        }) : () -> ()
        %add3A_47 = arith.constant 2 : i32
        %add3A_48 = arith.addi %add3A_41, %add3A_47 : i32
        %lt3A = arith.constant 200 : i32
        %lt3A_49 = arith.cmpi slt, %add3A_48, %lt3A : i32
        %convert_element_type3A_50 = arith.extui %lt3A_49 : i1 to i32
        %cond3A_51 = arith.constant 0 : i32
        %cond3A_52 = arith.cmpi ne, %convert_element_type3A_50, %cond3A_51 : i32
        scf.if %cond3A_52 {
          %add3A_66 = arith.constant 2 : i32
          %add3A_67 = arith.addi %add3A_41, %add3A_66 : i32
          %mul3A_68 = arith.constant 256 : i32
          %mul3A_69 = arith.muli %add3A_67, %mul3A_68 : i32
          %add3A_70 = arith.addi %mul3A_2, %mul3A_69 : i32
          "tpu.region"() ({
            %run_scoped3A = tpu.sem_alloc : memref<!tpu.dma_semaphore, #tpu.memory_space<semaphore_mem>>
            %dma_start3A_74 = tpu.memref_slice %arg2[%add3A_70] : memref<819200xi32, #tpu.memory_space<hbm>> -> memref<256xi32, #tpu.memory_space<hbm>>
            %dma_start3A_75 = tpu.memref_slice %arg2[%add3A_70] : memref<819200xi32, #tpu.memory_space<hbm>> -> memref<256xi32, #tpu.memory_space<hbm>>
            tpu.enqueue_dma source(%dma_start3A_75 : memref<256xi32, #tpu.memory_space<hbm>>) target(%arg10 : memref<256xi32, #tpu.memory_space<vmem>>) target_semaphore(%run_scoped3A : memref<!tpu.dma_semaphore, #tpu.memory_space<semaphore_mem>>)
            %dma_wait3A_76 = tpu.memref_slice %arg2[%add3A_70] : memref<819200xi32, #tpu.memory_space<hbm>> -> memref<256xi32, #tpu.memory_space<hbm>>
            %dma_wait3A_77 = tpu.memref_slice %arg2[%add3A_70] : memref<819200xi32, #tpu.memory_space<hbm>> -> memref<256xi32, #tpu.memory_space<hbm>>
            tpu.wait_dma2 semaphore(%run_scoped3A : memref<!tpu.dma_semaphore, #tpu.memory_space<semaphore_mem>>) src(%dma_wait3A_77 : memref<256xi32, #tpu.memory_space<hbm>>) dst(%arg10 : memref<256xi32, #tpu.memory_space<vmem>>)
            tpu.yield
          }) : () -> ()
          "tpu.region"() ({
            %run_scoped3A = tpu.sem_alloc : memref<!tpu.dma_semaphore, #tpu.memory_space<semaphore_mem>>
            %dma_start3A_74 = tpu.memref_slice %arg3[%add3A_70] : memref<819200xi32, #tpu.memory_space<hbm>> -> memref<256xi32, #tpu.memory_space<hbm>>
            %dma_start3A_75 = tpu.memref_slice %arg3[%add3A_70] : memref<819200xi32, #tpu.memory_space<hbm>> -> memref<256xi32, #tpu.memory_space<hbm>>
            tpu.enqueue_dma source(%dma_start3A_75 : memref<256xi32, #tpu.memory_space<hbm>>) target(%arg12 : memref<256xi32, #tpu.memory_space<vmem>>) target_semaphore(%run_scoped3A : memref<!tpu.dma_semaphore, #tpu.memory_space<semaphore_mem>>)
            %dma_wait3A_76 = tpu.memref_slice %arg3[%add3A_70] : memref<819200xi32, #tpu.memory_space<hbm>> -> memref<256xi32, #tpu.memory_space<hbm>>
            %dma_wait3A_77 = tpu.memref_slice %arg3[%add3A_70] : memref<819200xi32, #tpu.memory_space<hbm>> -> memref<256xi32, #tpu.memory_space<hbm>>
            tpu.wait_dma2 semaphore(%run_scoped3A : memref<!tpu.dma_semaphore, #tpu.memory_space<semaphore_mem>>) src(%dma_wait3A_77 : memref<256xi32, #tpu.memory_space<hbm>>) dst(%arg12 : memref<256xi32, #tpu.memory_space<vmem>>)
            tpu.yield
          }) : () -> ()
          %dma_start3A_71 = arith.constant 0 : i32
          %dma_start3A_72 = arith.constant 0 : i32
          %dma_start3A_73 = tpu.memref_slice %arg5[%dma_start3A_71, %dma_start3A_72] : memref<51200x32xf32, #tpu.memory_space<hbm>> -> memref<51200x32xf32, #tpu.memory_space<hbm>>
          tpu.enqueue_indirect_dma source(%dma_start3A_73 : memref<51200x32xf32, #tpu.memory_space<hbm>>) target(%arg14 : memref<256x32xf32, #tpu.memory_space<vmem>>) offsets(%arg10 : memref<256xi32, #tpu.memory_space<vmem>>) semaphore(%arg16 : memref<!tpu.dma_semaphore, #tpu.memory_space<semaphore_mem>>)
        } else {
        }
        %dma_wait3A_53 = arith.constant 0 : i32
        %dma_wait3A_54 = arith.constant 0 : i32
        %dma_wait3A_55 = tpu.memref_slice %arg5[%dma_wait3A_53, %dma_wait3A_54] : memref<51200x32xf32, #tpu.memory_space<hbm>> -> memref<256x32xf32, #tpu.memory_space<hbm>>
        %dma_wait3A_56 = arith.constant 0 : i32
        %dma_wait3A_57 = arith.constant 0 : i32
        %dma_wait3A_58 = tpu.memref_slice %arg5[%dma_wait3A_56, %dma_wait3A_57] : memref<51200x32xf32, #tpu.memory_space<hbm>> -> memref<256x32xf32, #tpu.memory_space<hbm>>
        tpu.wait_dma2 semaphore(%arg17 : memref<!tpu.dma_semaphore, #tpu.memory_space<semaphore_mem>>) src(%dma_wait3A_58 : memref<256x32xf32, #tpu.memory_space<hbm>>) dst(%arg15 : memref<256x32xf32, #tpu.memory_space<vmem>>)
        "tpu.region"() ({
          %run_scoped3A = tpu.sem_alloc : memref<!tpu.dma_semaphore, #tpu.memory_space<semaphore_mem>>
          %dma_start3A_66 = arith.constant 0 : i32
          %dma_start3A_67 = arith.constant 0 : i32
          %dma_start3A_68 = tpu.memref_slice %arg9[%dma_start3A_66, %dma_start3A_67] : memref<51200x32xf32, #tpu.memory_space<vmem_shared>> -> memref<51200x32xf32, #tpu.memory_space<vmem_shared>>
          tpu.enqueue_indirect_dma source(%arg15 : memref<256x32xf32, #tpu.memory_space<vmem>>) target(%dma_start3A_68 : memref<51200x32xf32, #tpu.memory_space<vmem_shared>>) offsets(%arg13 : memref<256xi32, #tpu.memory_space<vmem>>) semaphore(%run_scoped3A : memref<!tpu.dma_semaphore, #tpu.memory_space<semaphore_mem>>) {add = true}
          %dma_wait3A_69 = arith.constant 0 : i32
          %dma_wait3A_70 = arith.constant 0 : i32
          %dma_wait3A_71 = tpu.memref_slice %arg9[%dma_wait3A_69, %dma_wait3A_70] : memref<51200x32xf32, #tpu.memory_space<vmem_shared>> -> memref<51200x32xf32, #tpu.memory_space<vmem_shared>>
          tpu.wait_indirect_dma semaphore(%run_scoped3A : memref<!tpu.dma_semaphore, #tpu.memory_space<semaphore_mem>>) src(%arg15 : memref<256x32xf32, #tpu.memory_space<vmem>>) dst(%dma_wait3A_71 : memref<51200x32xf32, #tpu.memory_space<vmem_shared>>)
          tpu.yield
        }) : () -> ()
        %add3A_59 = arith.constant 3 : i32
        %add3A_60 = arith.addi %add3A_41, %add3A_59 : i32
        %lt3A_61 = arith.constant 200 : i32
        %lt3A_62 = arith.cmpi slt, %add3A_60, %lt3A_61 : i32
        %convert_element_type3A_63 = arith.extui %lt3A_62 : i1 to i32
        %cond3A_64 = arith.constant 0 : i32
        %cond3A_65 = arith.cmpi ne, %convert_element_type3A_63, %cond3A_64 : i32
        scf.if %cond3A_65 {
          %add3A_66 = arith.constant 3 : i32
          %add3A_67 = arith.addi %add3A_41, %add3A_66 : i32
          %mul3A_68 = arith.constant 256 : i32
          %mul3A_69 = arith.muli %add3A_67, %mul3A_68 : i32
          %add3A_70 = arith.addi %mul3A_2, %mul3A_69 : i32
          "tpu.region"() ({
            %run_scoped3A = tpu.sem_alloc : memref<!tpu.dma_semaphore, #tpu.memory_space<semaphore_mem>>
            %dma_start3A_74 = tpu.memref_slice %arg2[%add3A_70] : memref<819200xi32, #tpu.memory_space<hbm>> -> memref<256xi32, #tpu.memory_space<hbm>>
            %dma_start3A_75 = tpu.memref_slice %arg2[%add3A_70] : memref<819200xi32, #tpu.memory_space<hbm>> -> memref<256xi32, #tpu.memory_space<hbm>>
            tpu.enqueue_dma source(%dma_start3A_75 : memref<256xi32, #tpu.memory_space<hbm>>) target(%arg11 : memref<256xi32, #tpu.memory_space<vmem>>) target_semaphore(%run_scoped3A : memref<!tpu.dma_semaphore, #tpu.memory_space<semaphore_mem>>)
            %dma_wait3A_76 = tpu.memref_slice %arg2[%add3A_70] : memref<819200xi32, #tpu.memory_space<hbm>> -> memref<256xi32, #tpu.memory_space<hbm>>
            %dma_wait3A_77 = tpu.memref_slice %arg2[%add3A_70] : memref<819200xi32, #tpu.memory_space<hbm>> -> memref<256xi32, #tpu.memory_space<hbm>>
            tpu.wait_dma2 semaphore(%run_scoped3A : memref<!tpu.dma_semaphore, #tpu.memory_space<semaphore_mem>>) src(%dma_wait3A_77 : memref<256xi32, #tpu.memory_space<hbm>>) dst(%arg11 : memref<256xi32, #tpu.memory_space<vmem>>)
            tpu.yield
          }) : () -> ()
          "tpu.region"() ({
            %run_scoped3A = tpu.sem_alloc : memref<!tpu.dma_semaphore, #tpu.memory_space<semaphore_mem>>
            %dma_start3A_74 = tpu.memref_slice %arg3[%add3A_70] : memref<819200xi32, #tpu.memory_space<hbm>> -> memref<256xi32, #tpu.memory_space<hbm>>
            %dma_start3A_75 = tpu.memref_slice %arg3[%add3A_70] : memref<819200xi32, #tpu.memory_space<hbm>> -> memref<256xi32, #tpu.memory_space<hbm>>
            tpu.enqueue_dma source(%dma_start3A_75 : memref<256xi32, #tpu.memory_space<hbm>>) target(%arg13 : memref<256xi32, #tpu.memory_space<vmem>>) target_semaphore(%run_scoped3A : memref<!tpu.dma_semaphore, #tpu.memory_space<semaphore_mem>>)
            %dma_wait3A_76 = tpu.memref_slice %arg3[%add3A_70] : memref<819200xi32, #tpu.memory_space<hbm>> -> memref<256xi32, #tpu.memory_space<hbm>>
            %dma_wait3A_77 = tpu.memref_slice %arg3[%add3A_70] : memref<819200xi32, #tpu.memory_space<hbm>> -> memref<256xi32, #tpu.memory_space<hbm>>
            tpu.wait_dma2 semaphore(%run_scoped3A : memref<!tpu.dma_semaphore, #tpu.memory_space<semaphore_mem>>) src(%dma_wait3A_77 : memref<256xi32, #tpu.memory_space<hbm>>) dst(%arg13 : memref<256xi32, #tpu.memory_space<vmem>>)
            tpu.yield
          }) : () -> ()
          %dma_start3A_71 = arith.constant 0 : i32
          %dma_start3A_72 = arith.constant 0 : i32
          %dma_start3A_73 = tpu.memref_slice %arg5[%dma_start3A_71, %dma_start3A_72] : memref<51200x32xf32, #tpu.memory_space<hbm>> -> memref<51200x32xf32, #tpu.memory_space<hbm>>
          tpu.enqueue_indirect_dma source(%dma_start3A_73 : memref<51200x32xf32, #tpu.memory_space<hbm>>) target(%arg15 : memref<256x32xf32, #tpu.memory_space<vmem>>) offsets(%arg11 : memref<256xi32, #tpu.memory_space<vmem>>) semaphore(%arg17 : memref<!tpu.dma_semaphore, #tpu.memory_space<semaphore_mem>>)
        } else {
        }
      }
      %scan3A_36 = arith.constant 100 : i32
    } else {
    }
    %barrier3A_10 = arith.constant 0 : index
    tpu.barrier barrier_id(%barrier3A_10)
    %eq3A_11 = arith.constant 0 : i32
    %eq3A_12 = arith.cmpi eq, %arg0, %eq3A_11 : i32
    %convert_element_type3A_13 = arith.extui %eq3A_12 : i1 to i32
    %cond3A_14 = arith.constant 0 : i32
    %cond3A_15 = arith.cmpi ne, %convert_element_type3A_13, %cond3A_14 : i32
    scf.if %cond3A_15 {
      "tpu.region"() ({
        %run_scoped3A = tpu.sem_alloc : memref<!tpu.dma_semaphore, #tpu.memory_space<semaphore_mem>>
        %dma_start3A = arith.constant 0 : i32
        %dma_start3A_21 = tpu.memref_slice %arg7[%mul3A_0, %dma_start3A] : memref<51200x32xf32, #tpu.memory_space<hbm>> -> memref<3200x32xf32, #tpu.memory_space<hbm>>
        %dma_start3A_22 = arith.constant 0 : i32
        %dma_start3A_23 = tpu.memref_slice %arg9[%mul3A_0, %dma_start3A_22] : memref<51200x32xf32, #tpu.memory_space<vmem_shared>> -> memref<3200x32xf32, #tpu.memory_space<vmem_shared>>
        tpu.enqueue_dma source(%dma_start3A_23 : memref<3200x32xf32, #tpu.memory_space<vmem_shared>>) target(%dma_start3A_21 : memref<3200x32xf32, #tpu.memory_space<hbm>>) target_semaphore(%run_scoped3A : memref<!tpu.dma_semaphore, #tpu.memory_space<semaphore_mem>>)
        %dma_wait3A = arith.constant 0 : i32
        %dma_wait3A_24 = tpu.memref_slice %arg7[%mul3A_0, %dma_wait3A] : memref<51200x32xf32, #tpu.memory_space<hbm>> -> memref<3200x32xf32, #tpu.memory_space<hbm>>
        %dma_wait3A_25 = arith.constant 0 : i32
        %dma_wait3A_26 = tpu.memref_slice %arg9[%mul3A_0, %dma_wait3A_25] : memref<51200x32xf32, #tpu.memory_space<vmem_shared>> -> memref<3200x32xf32, #tpu.memory_space<vmem_shared>>
        tpu.wait_dma2 semaphore(%run_scoped3A : memref<!tpu.dma_semaphore, #tpu.memory_space<semaphore_mem>>) src(%dma_wait3A_26 : memref<3200x32xf32, #tpu.memory_space<vmem_shared>>) dst(%dma_wait3A_24 : memref<3200x32xf32, #tpu.memory_space<hbm>>)
        tpu.yield
      }) : () -> ()
    } else {
    }
    %eq3A_16 = arith.constant 1 : i32
    %eq3A_17 = arith.cmpi eq, %arg0, %eq3A_16 : i32
    %convert_element_type3A_18 = arith.extui %eq3A_17 : i1 to i32
    %cond3A_19 = arith.constant 0 : i32
    %cond3A_20 = arith.cmpi ne, %convert_element_type3A_18, %cond3A_19 : i32
    scf.if %cond3A_20 {
      "tpu.region"() ({
        %run_scoped3A = tpu.sem_alloc : memref<!tpu.dma_semaphore, #tpu.memory_space<semaphore_mem>>
        %dma_start3A = arith.constant 0 : i32
        %dma_start3A_21 = tpu.memref_slice %arg8[%mul3A_0, %dma_start3A] : memref<51200x32xf32, #tpu.memory_space<hbm>> -> memref<3200x32xf32, #tpu.memory_space<hbm>>
        %dma_start3A_22 = arith.constant 0 : i32
        %dma_start3A_23 = tpu.memref_slice %arg9[%mul3A_0, %dma_start3A_22] : memref<51200x32xf32, #tpu.memory_space<vmem_shared>> -> memref<3200x32xf32, #tpu.memory_space<vmem_shared>>
        tpu.enqueue_dma source(%dma_start3A_23 : memref<3200x32xf32, #tpu.memory_space<vmem_shared>>) target(%dma_start3A_21 : memref<3200x32xf32, #tpu.memory_space<hbm>>) target_semaphore(%run_scoped3A : memref<!tpu.dma_semaphore, #tpu.memory_space<semaphore_mem>>)
        %dma_wait3A = arith.constant 0 : i32
        %dma_wait3A_24 = tpu.memref_slice %arg8[%mul3A_0, %dma_wait3A] : memref<51200x32xf32, #tpu.memory_space<hbm>> -> memref<3200x32xf32, #tpu.memory_space<hbm>>
        %dma_wait3A_25 = arith.constant 0 : i32
        %dma_wait3A_26 = tpu.memref_slice %arg9[%mul3A_0, %dma_wait3A_25] : memref<51200x32xf32, #tpu.memory_space<vmem_shared>> -> memref<3200x32xf32, #tpu.memory_space<vmem_shared>>
        tpu.wait_dma2 semaphore(%run_scoped3A : memref<!tpu.dma_semaphore, #tpu.memory_space<semaphore_mem>>) src(%dma_wait3A_26 : memref<3200x32xf32, #tpu.memory_space<vmem_shared>>) dst(%dma_wait3A_24 : memref<3200x32xf32, #tpu.memory_space<hbm>>)
        tpu.yield
      }) : () -> ()
    } else {
    }
    return
  }
}

module attributes {stable_mosaic.version = 14 : i64} {
  func.func @body(%arg0: i32, %arg1: memref<256x128xf32, #tpu.memory_space<vmem>>, %arg2: memref<256x128xf32, #tpu.memory_space<vmem>>, %arg3: memref<256x64xf32, #tpu.memory_space<vmem>>, %arg4: memref<256x128xf32, #tpu.memory_space<vmem>>, %arg5: memref<256x128xf32, #tpu.memory_space<vmem>>, %arg6: memref<256x64xf32, #tpu.memory_space<vmem>>, %arg7: memref<256x128xf32, #tpu.memory_space<vmem>>, %arg8: memref<80x64xf32, #tpu.memory_space<vmem>>, %arg9: memref<1x64xf32, #tpu.memory_space<vmem>>, %arg10: memref<256x512xf32, #tpu.memory_space<vmem>>, %arg11: memref<2x512xf32, #tpu.memory_space<vmem>>) attributes {dimension_semantics = [#tpu.dimension_semantics<arbitrary>], iteration_bounds = array<i64: 25>, scalar_prefetch = 0 : i64, scratch_operands = 0 : i64, tpu.core_type = #tpu.core_type<tc>, window_params = [{transform_indices = @transform_0, window_bounds = array<i64: 256, 128>}, {transform_indices = @transform_1, window_bounds = array<i64: 256, 128>}, {transform_indices = @transform_2, window_bounds = array<i64: 256, 64>}, {transform_indices = @transform_3, window_bounds = array<i64: 256, 128>}, {transform_indices = @transform_4, window_bounds = array<i64: 256, 128>}, {transform_indices = @transform_5, window_bounds = array<i64: 256, 64>}, {transform_indices = @transform_6, window_bounds = array<i64: 256, 128>}, {pipeline_mode = #tpu.pipeline_mode<synchronous>, transform_indices = @transform_7, window_bounds = array<i64: 80, 64>}, {pipeline_mode = #tpu.pipeline_mode<synchronous>, transform_indices = @transform_8, window_bounds = array<i64: 1, 64>}, {transform_indices = @transform_9, window_bounds = array<i64: 256, 512>}, {pipeline_mode = #tpu.pipeline_mode<synchronous>, transform_indices = @transform_10, window_bounds = array<i64: 2, 512>}]} {
    %get3A = arith.constant 0 : index
    %get3A_0 = arith.constant 0 : index
    %get3A_1 = vector.load %arg7[%get3A, %get3A_0] : memref<256x128xf32, #tpu.memory_space<vmem>>, vector<256x1xf32>
    %get3A_2 = arith.constant 0 : index
    %get3A_3 = arith.constant 0 : index
    %get3A_4 = vector.load %arg1[%get3A_2, %get3A_3] : memref<256x128xf32, #tpu.memory_space<vmem>>, vector<256x16xf32>
    %get3A_5 = arith.constant 0 : index
    %get3A_6 = arith.constant 0 : index
    %get3A_7 = vector.load %arg2[%get3A_5, %get3A_6] : memref<256x128xf32, #tpu.memory_space<vmem>>, vector<256x16xf32>
    %get3A_8 = arith.constant 0 : index
    %get3A_9 = arith.constant 0 : index
    %get3A_10 = vector.load %arg3[%get3A_8, %get3A_9] : memref<256x64xf32, #tpu.memory_space<vmem>>, vector<256x8xf32>
    %get3A_11 = arith.constant 0 : index
    %get3A_12 = arith.constant 0 : index
    %get3A_13 = vector.load %arg4[%get3A_11, %get3A_12] : memref<256x128xf32, #tpu.memory_space<vmem>>, vector<256x16xf32>
    %get3A_14 = arith.constant 0 : index
    %get3A_15 = arith.constant 0 : index
    %get3A_16 = vector.load %arg5[%get3A_14, %get3A_15] : memref<256x128xf32, #tpu.memory_space<vmem>>, vector<256x16xf32>
    %get3A_17 = arith.constant 0 : index
    %get3A_18 = arith.constant 0 : index
    %get3A_19 = vector.load %arg6[%get3A_17, %get3A_18] : memref<256x64xf32, #tpu.memory_space<vmem>>, vector<256x8xf32>
    %mul3A = vector.broadcast %get3A_1 : vector<256x1xf32> to vector<256x16xf32>
    %mul3A_20 = arith.mulf %get3A_13, %mul3A : vector<256x16xf32>
    %mul3A_21 = vector.broadcast %get3A_1 : vector<256x1xf32> to vector<256x16xf32>
    %mul3A_22 = arith.mulf %get3A_16, %mul3A_21 : vector<256x16xf32>
    %mul3A_23 = vector.broadcast %get3A_1 : vector<256x1xf32> to vector<256x8xf32>
    %mul3A_24 = arith.mulf %get3A_19, %mul3A_23 : vector<256x8xf32>
    %concatenate3A = tpu.concatenate %get3A_4, %get3A_7, %get3A_10, %mul3A_20, %mul3A_22, %mul3A_24 in 1 : vector<256x16xf32>, vector<256x16xf32>, vector<256x8xf32>, vector<256x16xf32>, vector<256x16xf32>, vector<256x8xf32> -> vector<256x80xf32>
    %get3A_25 = arith.constant 0 : index
    %get3A_26 = arith.constant 16 : index
    %get3A_27 = vector.load %arg7[%get3A_25, %get3A_26] : memref<256x128xf32, #tpu.memory_space<vmem>>, vector<256x1xf32>
    %get3A_28 = arith.constant 0 : index
    %get3A_29 = arith.constant 16 : index
    %get3A_30 = vector.load %arg1[%get3A_28, %get3A_29] : memref<256x128xf32, #tpu.memory_space<vmem>>, vector<256x16xf32>
    %get3A_31 = arith.constant 0 : index
    %get3A_32 = arith.constant 16 : index
    %get3A_33 = vector.load %arg2[%get3A_31, %get3A_32] : memref<256x128xf32, #tpu.memory_space<vmem>>, vector<256x16xf32>
    %get3A_34 = arith.constant 0 : index
    %get3A_35 = arith.constant 8 : index
    %get3A_36 = vector.load %arg3[%get3A_34, %get3A_35] : memref<256x64xf32, #tpu.memory_space<vmem>>, vector<256x8xf32>
    %get3A_37 = arith.constant 0 : index
    %get3A_38 = arith.constant 16 : index
    %get3A_39 = vector.load %arg4[%get3A_37, %get3A_38] : memref<256x128xf32, #tpu.memory_space<vmem>>, vector<256x16xf32>
    %get3A_40 = arith.constant 0 : index
    %get3A_41 = arith.constant 16 : index
    %get3A_42 = vector.load %arg5[%get3A_40, %get3A_41] : memref<256x128xf32, #tpu.memory_space<vmem>>, vector<256x16xf32>
    %get3A_43 = arith.constant 0 : index
    %get3A_44 = arith.constant 8 : index
    %get3A_45 = vector.load %arg6[%get3A_43, %get3A_44] : memref<256x64xf32, #tpu.memory_space<vmem>>, vector<256x8xf32>
    %mul3A_46 = vector.broadcast %get3A_27 : vector<256x1xf32> to vector<256x16xf32>
    %mul3A_47 = arith.mulf %get3A_39, %mul3A_46 : vector<256x16xf32>
    %mul3A_48 = vector.broadcast %get3A_27 : vector<256x1xf32> to vector<256x16xf32>
    %mul3A_49 = arith.mulf %get3A_42, %mul3A_48 : vector<256x16xf32>
    %mul3A_50 = vector.broadcast %get3A_27 : vector<256x1xf32> to vector<256x8xf32>
    %mul3A_51 = arith.mulf %get3A_45, %mul3A_50 : vector<256x8xf32>
    %concatenate3A_52 = tpu.concatenate %get3A_30, %get3A_33, %get3A_36, %mul3A_47, %mul3A_49, %mul3A_51 in 1 : vector<256x16xf32>, vector<256x16xf32>, vector<256x8xf32>, vector<256x16xf32>, vector<256x16xf32>, vector<256x8xf32> -> vector<256x80xf32>
    %get3A_53 = arith.constant 0 : index
    %get3A_54 = arith.constant 32 : index
    %get3A_55 = vector.load %arg7[%get3A_53, %get3A_54] : memref<256x128xf32, #tpu.memory_space<vmem>>, vector<256x1xf32>
    %get3A_56 = arith.constant 0 : index
    %get3A_57 = arith.constant 32 : index
    %get3A_58 = vector.load %arg1[%get3A_56, %get3A_57] : memref<256x128xf32, #tpu.memory_space<vmem>>, vector<256x16xf32>
    %get3A_59 = arith.constant 0 : index
    %get3A_60 = arith.constant 32 : index
    %get3A_61 = vector.load %arg2[%get3A_59, %get3A_60] : memref<256x128xf32, #tpu.memory_space<vmem>>, vector<256x16xf32>
    %get3A_62 = arith.constant 0 : index
    %get3A_63 = arith.constant 16 : index
    %get3A_64 = vector.load %arg3[%get3A_62, %get3A_63] : memref<256x64xf32, #tpu.memory_space<vmem>>, vector<256x8xf32>
    %get3A_65 = arith.constant 0 : index
    %get3A_66 = arith.constant 32 : index
    %get3A_67 = vector.load %arg4[%get3A_65, %get3A_66] : memref<256x128xf32, #tpu.memory_space<vmem>>, vector<256x16xf32>
    %get3A_68 = arith.constant 0 : index
    %get3A_69 = arith.constant 32 : index
    %get3A_70 = vector.load %arg5[%get3A_68, %get3A_69] : memref<256x128xf32, #tpu.memory_space<vmem>>, vector<256x16xf32>
    %get3A_71 = arith.constant 0 : index
    %get3A_72 = arith.constant 16 : index
    %get3A_73 = vector.load %arg6[%get3A_71, %get3A_72] : memref<256x64xf32, #tpu.memory_space<vmem>>, vector<256x8xf32>
    %mul3A_74 = vector.broadcast %get3A_55 : vector<256x1xf32> to vector<256x16xf32>
    %mul3A_75 = arith.mulf %get3A_67, %mul3A_74 : vector<256x16xf32>
    %mul3A_76 = vector.broadcast %get3A_55 : vector<256x1xf32> to vector<256x16xf32>
    %mul3A_77 = arith.mulf %get3A_70, %mul3A_76 : vector<256x16xf32>
    %mul3A_78 = vector.broadcast %get3A_55 : vector<256x1xf32> to vector<256x8xf32>
    %mul3A_79 = arith.mulf %get3A_73, %mul3A_78 : vector<256x8xf32>
    %concatenate3A_80 = tpu.concatenate %get3A_58, %get3A_61, %get3A_64, %mul3A_75, %mul3A_77, %mul3A_79 in 1 : vector<256x16xf32>, vector<256x16xf32>, vector<256x8xf32>, vector<256x16xf32>, vector<256x16xf32>, vector<256x8xf32> -> vector<256x80xf32>
    %get3A_81 = arith.constant 0 : index
    %get3A_82 = arith.constant 48 : index
    %get3A_83 = vector.load %arg7[%get3A_81, %get3A_82] : memref<256x128xf32, #tpu.memory_space<vmem>>, vector<256x1xf32>
    %get3A_84 = arith.constant 0 : index
    %get3A_85 = arith.constant 48 : index
    %get3A_86 = vector.load %arg1[%get3A_84, %get3A_85] : memref<256x128xf32, #tpu.memory_space<vmem>>, vector<256x16xf32>
    %get3A_87 = arith.constant 0 : index
    %get3A_88 = arith.constant 48 : index
    %get3A_89 = vector.load %arg2[%get3A_87, %get3A_88] : memref<256x128xf32, #tpu.memory_space<vmem>>, vector<256x16xf32>
    %get3A_90 = arith.constant 0 : index
    %get3A_91 = arith.constant 24 : index
    %get3A_92 = vector.load %arg3[%get3A_90, %get3A_91] : memref<256x64xf32, #tpu.memory_space<vmem>>, vector<256x8xf32>
    %get3A_93 = arith.constant 0 : index
    %get3A_94 = arith.constant 48 : index
    %get3A_95 = vector.load %arg4[%get3A_93, %get3A_94] : memref<256x128xf32, #tpu.memory_space<vmem>>, vector<256x16xf32>
    %get3A_96 = arith.constant 0 : index
    %get3A_97 = arith.constant 48 : index
    %get3A_98 = vector.load %arg5[%get3A_96, %get3A_97] : memref<256x128xf32, #tpu.memory_space<vmem>>, vector<256x16xf32>
    %get3A_99 = arith.constant 0 : index
    %get3A_100 = arith.constant 24 : index
    %get3A_101 = vector.load %arg6[%get3A_99, %get3A_100] : memref<256x64xf32, #tpu.memory_space<vmem>>, vector<256x8xf32>
    %mul3A_102 = vector.broadcast %get3A_83 : vector<256x1xf32> to vector<256x16xf32>
    %mul3A_103 = arith.mulf %get3A_95, %mul3A_102 : vector<256x16xf32>
    %mul3A_104 = vector.broadcast %get3A_83 : vector<256x1xf32> to vector<256x16xf32>
    %mul3A_105 = arith.mulf %get3A_98, %mul3A_104 : vector<256x16xf32>
    %mul3A_106 = vector.broadcast %get3A_83 : vector<256x1xf32> to vector<256x8xf32>
    %mul3A_107 = arith.mulf %get3A_101, %mul3A_106 : vector<256x8xf32>
    %concatenate3A_108 = tpu.concatenate %get3A_86, %get3A_89, %get3A_92, %mul3A_103, %mul3A_105, %mul3A_107 in 1 : vector<256x16xf32>, vector<256x16xf32>, vector<256x8xf32>, vector<256x16xf32>, vector<256x16xf32>, vector<256x8xf32> -> vector<256x80xf32>
    %get3A_109 = arith.constant 0 : index
    %get3A_110 = arith.constant 64 : index
    %get3A_111 = vector.load %arg7[%get3A_109, %get3A_110] : memref<256x128xf32, #tpu.memory_space<vmem>>, vector<256x1xf32>
    %get3A_112 = arith.constant 0 : index
    %get3A_113 = arith.constant 64 : index
    %get3A_114 = vector.load %arg1[%get3A_112, %get3A_113] : memref<256x128xf32, #tpu.memory_space<vmem>>, vector<256x16xf32>
    %get3A_115 = arith.constant 0 : index
    %get3A_116 = arith.constant 64 : index
    %get3A_117 = vector.load %arg2[%get3A_115, %get3A_116] : memref<256x128xf32, #tpu.memory_space<vmem>>, vector<256x16xf32>
    %get3A_118 = arith.constant 0 : index
    %get3A_119 = arith.constant 32 : index
    %get3A_120 = vector.load %arg3[%get3A_118, %get3A_119] : memref<256x64xf32, #tpu.memory_space<vmem>>, vector<256x8xf32>
    %get3A_121 = arith.constant 0 : index
    %get3A_122 = arith.constant 64 : index
    %get3A_123 = vector.load %arg4[%get3A_121, %get3A_122] : memref<256x128xf32, #tpu.memory_space<vmem>>, vector<256x16xf32>
    %get3A_124 = arith.constant 0 : index
    %get3A_125 = arith.constant 64 : index
    %get3A_126 = vector.load %arg5[%get3A_124, %get3A_125] : memref<256x128xf32, #tpu.memory_space<vmem>>, vector<256x16xf32>
    %get3A_127 = arith.constant 0 : index
    %get3A_128 = arith.constant 32 : index
    %get3A_129 = vector.load %arg6[%get3A_127, %get3A_128] : memref<256x64xf32, #tpu.memory_space<vmem>>, vector<256x8xf32>
    %mul3A_130 = vector.broadcast %get3A_111 : vector<256x1xf32> to vector<256x16xf32>
    %mul3A_131 = arith.mulf %get3A_123, %mul3A_130 : vector<256x16xf32>
    %mul3A_132 = vector.broadcast %get3A_111 : vector<256x1xf32> to vector<256x16xf32>
    %mul3A_133 = arith.mulf %get3A_126, %mul3A_132 : vector<256x16xf32>
    %mul3A_134 = vector.broadcast %get3A_111 : vector<256x1xf32> to vector<256x8xf32>
    %mul3A_135 = arith.mulf %get3A_129, %mul3A_134 : vector<256x8xf32>
    %concatenate3A_136 = tpu.concatenate %get3A_114, %get3A_117, %get3A_120, %mul3A_131, %mul3A_133, %mul3A_135 in 1 : vector<256x16xf32>, vector<256x16xf32>, vector<256x8xf32>, vector<256x16xf32>, vector<256x16xf32>, vector<256x8xf32> -> vector<256x80xf32>
    %get3A_137 = arith.constant 0 : index
    %get3A_138 = arith.constant 80 : index
    %get3A_139 = vector.load %arg7[%get3A_137, %get3A_138] : memref<256x128xf32, #tpu.memory_space<vmem>>, vector<256x1xf32>
    %get3A_140 = arith.constant 0 : index
    %get3A_141 = arith.constant 80 : index
    %get3A_142 = vector.load %arg1[%get3A_140, %get3A_141] : memref<256x128xf32, #tpu.memory_space<vmem>>, vector<256x16xf32>
    %get3A_143 = arith.constant 0 : index
    %get3A_144 = arith.constant 80 : index
    %get3A_145 = vector.load %arg2[%get3A_143, %get3A_144] : memref<256x128xf32, #tpu.memory_space<vmem>>, vector<256x16xf32>
    %get3A_146 = arith.constant 0 : index
    %get3A_147 = arith.constant 40 : index
    %get3A_148 = vector.load %arg3[%get3A_146, %get3A_147] : memref<256x64xf32, #tpu.memory_space<vmem>>, vector<256x8xf32>
    %get3A_149 = arith.constant 0 : index
    %get3A_150 = arith.constant 80 : index
    %get3A_151 = vector.load %arg4[%get3A_149, %get3A_150] : memref<256x128xf32, #tpu.memory_space<vmem>>, vector<256x16xf32>
    %get3A_152 = arith.constant 0 : index
    %get3A_153 = arith.constant 80 : index
    %get3A_154 = vector.load %arg5[%get3A_152, %get3A_153] : memref<256x128xf32, #tpu.memory_space<vmem>>, vector<256x16xf32>
    %get3A_155 = arith.constant 0 : index
    %get3A_156 = arith.constant 40 : index
    %get3A_157 = vector.load %arg6[%get3A_155, %get3A_156] : memref<256x64xf32, #tpu.memory_space<vmem>>, vector<256x8xf32>
    %mul3A_158 = vector.broadcast %get3A_139 : vector<256x1xf32> to vector<256x16xf32>
    %mul3A_159 = arith.mulf %get3A_151, %mul3A_158 : vector<256x16xf32>
    %mul3A_160 = vector.broadcast %get3A_139 : vector<256x1xf32> to vector<256x16xf32>
    %mul3A_161 = arith.mulf %get3A_154, %mul3A_160 : vector<256x16xf32>
    %mul3A_162 = vector.broadcast %get3A_139 : vector<256x1xf32> to vector<256x8xf32>
    %mul3A_163 = arith.mulf %get3A_157, %mul3A_162 : vector<256x8xf32>
    %concatenate3A_164 = tpu.concatenate %get3A_142, %get3A_145, %get3A_148, %mul3A_159, %mul3A_161, %mul3A_163 in 1 : vector<256x16xf32>, vector<256x16xf32>, vector<256x8xf32>, vector<256x16xf32>, vector<256x16xf32>, vector<256x8xf32> -> vector<256x80xf32>
    %get3A_165 = arith.constant 0 : index
    %get3A_166 = arith.constant 96 : index
    %get3A_167 = vector.load %arg7[%get3A_165, %get3A_166] : memref<256x128xf32, #tpu.memory_space<vmem>>, vector<256x1xf32>
    %get3A_168 = arith.constant 0 : index
    %get3A_169 = arith.constant 96 : index
    %get3A_170 = vector.load %arg1[%get3A_168, %get3A_169] : memref<256x128xf32, #tpu.memory_space<vmem>>, vector<256x16xf32>
    %get3A_171 = arith.constant 0 : index
    %get3A_172 = arith.constant 96 : index
    %get3A_173 = vector.load %arg2[%get3A_171, %get3A_172] : memref<256x128xf32, #tpu.memory_space<vmem>>, vector<256x16xf32>
    %get3A_174 = arith.constant 0 : index
    %get3A_175 = arith.constant 48 : index
    %get3A_176 = vector.load %arg3[%get3A_174, %get3A_175] : memref<256x64xf32, #tpu.memory_space<vmem>>, vector<256x8xf32>
    %get3A_177 = arith.constant 0 : index
    %get3A_178 = arith.constant 96 : index
    %get3A_179 = vector.load %arg4[%get3A_177, %get3A_178] : memref<256x128xf32, #tpu.memory_space<vmem>>, vector<256x16xf32>
    %get3A_180 = arith.constant 0 : index
    %get3A_181 = arith.constant 96 : index
    %get3A_182 = vector.load %arg5[%get3A_180, %get3A_181] : memref<256x128xf32, #tpu.memory_space<vmem>>, vector<256x16xf32>
    %get3A_183 = arith.constant 0 : index
    %get3A_184 = arith.constant 48 : index
    %get3A_185 = vector.load %arg6[%get3A_183, %get3A_184] : memref<256x64xf32, #tpu.memory_space<vmem>>, vector<256x8xf32>
    %mul3A_186 = vector.broadcast %get3A_167 : vector<256x1xf32> to vector<256x16xf32>
    %mul3A_187 = arith.mulf %get3A_179, %mul3A_186 : vector<256x16xf32>
    %mul3A_188 = vector.broadcast %get3A_167 : vector<256x1xf32> to vector<256x16xf32>
    %mul3A_189 = arith.mulf %get3A_182, %mul3A_188 : vector<256x16xf32>
    %mul3A_190 = vector.broadcast %get3A_167 : vector<256x1xf32> to vector<256x8xf32>
    %mul3A_191 = arith.mulf %get3A_185, %mul3A_190 : vector<256x8xf32>
    %concatenate3A_192 = tpu.concatenate %get3A_170, %get3A_173, %get3A_176, %mul3A_187, %mul3A_189, %mul3A_191 in 1 : vector<256x16xf32>, vector<256x16xf32>, vector<256x8xf32>, vector<256x16xf32>, vector<256x16xf32>, vector<256x8xf32> -> vector<256x80xf32>
    %get3A_193 = arith.constant 0 : index
    %get3A_194 = arith.constant 112 : index
    %get3A_195 = vector.load %arg7[%get3A_193, %get3A_194] : memref<256x128xf32, #tpu.memory_space<vmem>>, vector<256x1xf32>
    %get3A_196 = arith.constant 0 : index
    %get3A_197 = arith.constant 112 : index
    %get3A_198 = vector.load %arg1[%get3A_196, %get3A_197] : memref<256x128xf32, #tpu.memory_space<vmem>>, vector<256x16xf32>
    %get3A_199 = arith.constant 0 : index
    %get3A_200 = arith.constant 112 : index
    %get3A_201 = vector.load %arg2[%get3A_199, %get3A_200] : memref<256x128xf32, #tpu.memory_space<vmem>>, vector<256x16xf32>
    %get3A_202 = arith.constant 0 : index
    %get3A_203 = arith.constant 56 : index
    %get3A_204 = vector.load %arg3[%get3A_202, %get3A_203] : memref<256x64xf32, #tpu.memory_space<vmem>>, vector<256x8xf32>
    %get3A_205 = arith.constant 0 : index
    %get3A_206 = arith.constant 112 : index
    %get3A_207 = vector.load %arg4[%get3A_205, %get3A_206] : memref<256x128xf32, #tpu.memory_space<vmem>>, vector<256x16xf32>
    %get3A_208 = arith.constant 0 : index
    %get3A_209 = arith.constant 112 : index
    %get3A_210 = vector.load %arg5[%get3A_208, %get3A_209] : memref<256x128xf32, #tpu.memory_space<vmem>>, vector<256x16xf32>
    %get3A_211 = arith.constant 0 : index
    %get3A_212 = arith.constant 56 : index
    %get3A_213 = vector.load %arg6[%get3A_211, %get3A_212] : memref<256x64xf32, #tpu.memory_space<vmem>>, vector<256x8xf32>
    %mul3A_214 = vector.broadcast %get3A_195 : vector<256x1xf32> to vector<256x16xf32>
    %mul3A_215 = arith.mulf %get3A_207, %mul3A_214 : vector<256x16xf32>
    %mul3A_216 = vector.broadcast %get3A_195 : vector<256x1xf32> to vector<256x16xf32>
    %mul3A_217 = arith.mulf %get3A_210, %mul3A_216 : vector<256x16xf32>
    %mul3A_218 = vector.broadcast %get3A_195 : vector<256x1xf32> to vector<256x8xf32>
    %mul3A_219 = arith.mulf %get3A_213, %mul3A_218 : vector<256x8xf32>
    %concatenate3A_220 = tpu.concatenate %get3A_198, %get3A_201, %get3A_204, %mul3A_215, %mul3A_217, %mul3A_219 in 1 : vector<256x16xf32>, vector<256x16xf32>, vector<256x8xf32>, vector<256x16xf32>, vector<256x16xf32>, vector<256x8xf32> -> vector<256x80xf32>
    %concatenate3A_221 = tpu.concatenate %concatenate3A, %concatenate3A_52, %concatenate3A_80, %concatenate3A_108, %concatenate3A_136, %concatenate3A_164, %concatenate3A_192, %concatenate3A_220 in 0 : vector<256x80xf32>, vector<256x80xf32>, vector<256x80xf32>, vector<256x80xf32>, vector<256x80xf32>, vector<256x80xf32>, vector<256x80xf32>, vector<256x80xf32> -> vector<2048x80xf32>
    %get3A_222 = arith.constant 0 : index
    %get3A_223 = arith.constant 0 : index
    %get3A_224 = vector.load %arg8[%get3A_222, %get3A_223] : memref<80x64xf32, #tpu.memory_space<vmem>>, vector<80x64xf32>
    %dot_general3A = arith.constant dense<0.000000e+00> : vector<2048x64xf32>
    %dot_general3A_225 = tpu.matmul %concatenate3A_221, %get3A_224, %dot_general3A {dimension_numbers = #tpu.dot_dimension_numbers<[1], [0], [0], [1], [0, 0, 1, 1], [], []>, transpose_lhs_hint = false} : vector<2048x80xf32>, vector<80x64xf32>, vector<2048x64xf32> -> vector<2048x64xf32>
    %get3A_226 = arith.constant 0 : index
    %get3A_227 = arith.constant 0 : index
    %get3A_228 = vector.load %arg9[%get3A_226, %get3A_227] : memref<1x64xf32, #tpu.memory_space<vmem>>, vector<1x64xf32>
    %add3A = vector.broadcast %get3A_228 : vector<1x64xf32> to vector<2048x64xf32>
    %add3A_229 = arith.addf %dot_general3A_225, %add3A : vector<2048x64xf32>
    %slice3A = vector.extract_strided_slice %add3A_229 {offsets = [0, 0], sizes = [256, 64], strides = [1, 1]} : vector<2048x64xf32> to vector<256x64xf32>
    %slice3A_230 = vector.extract_strided_slice %add3A_229 {offsets = [256, 0], sizes = [256, 64], strides = [1, 1]} : vector<2048x64xf32> to vector<256x64xf32>
    %slice3A_231 = vector.extract_strided_slice %add3A_229 {offsets = [512, 0], sizes = [256, 64], strides = [1, 1]} : vector<2048x64xf32> to vector<256x64xf32>
    %slice3A_232 = vector.extract_strided_slice %add3A_229 {offsets = [768, 0], sizes = [256, 64], strides = [1, 1]} : vector<2048x64xf32> to vector<256x64xf32>
    %slice3A_233 = vector.extract_strided_slice %add3A_229 {offsets = [1024, 0], sizes = [256, 64], strides = [1, 1]} : vector<2048x64xf32> to vector<256x64xf32>
    %slice3A_234 = vector.extract_strided_slice %add3A_229 {offsets = [1280, 0], sizes = [256, 64], strides = [1, 1]} : vector<2048x64xf32> to vector<256x64xf32>
    %slice3A_235 = vector.extract_strided_slice %add3A_229 {offsets = [1536, 0], sizes = [256, 64], strides = [1, 1]} : vector<2048x64xf32> to vector<256x64xf32>
    %slice3A_236 = vector.extract_strided_slice %add3A_229 {offsets = [1792, 0], sizes = [256, 64], strides = [1, 1]} : vector<2048x64xf32> to vector<256x64xf32>
    %concatenate3A_237 = tpu.concatenate %slice3A, %slice3A_230, %slice3A_231, %slice3A_232, %slice3A_233, %slice3A_234, %slice3A_235, %slice3A_236 in 1 : vector<256x64xf32>, vector<256x64xf32>, vector<256x64xf32>, vector<256x64xf32>, vector<256x64xf32>, vector<256x64xf32>, vector<256x64xf32>, vector<256x64xf32> -> vector<256x512xf32>
    %swap3A = arith.constant 0 : index
    %swap3A_238 = arith.constant 0 : index
    %swap3A_239 = vector.load %arg10[%swap3A, %swap3A_238] : memref<256x512xf32, #tpu.memory_space<vmem>>, vector<256x512xf32>
    tpu.vector_store %arg10[%swap3A, %swap3A_238], %concatenate3A_237 {strides = array<i32>} : memref<256x512xf32, #tpu.memory_space<vmem>>, vector<256x512xf32>,
    %mul3A_240 = arith.constant 256 : i32
    %mul3A_241 = arith.muli %arg0, %mul3A_240 : i32
    %iota3A = tpu.iota {dimensions = array<i32: 0>} : vector<256x1xi32>
    %add3A_242 = vector.broadcast %mul3A_241 : i32 to vector<256x1xi32>
    %add3A_243 = arith.addi %add3A_242, %iota3A : vector<256x1xi32>
    %lt3A = arith.constant 6250 : i32
    %lt3A_244 = vector.broadcast %lt3A : i32 to vector<256x1xi32>
    %lt3A_245 = arith.cmpi slt, %add3A_243, %lt3A_244 : vector<256x1xi32>
    %jit3A = arith.constant 0.000000e+00 : f32
    %broadcast_in_dim3A = vector.shape_cast %lt3A_245 : vector<256x1xi1> to vector<256x1xi1>
    %broadcast_in_dim3A_246 = vector.broadcast %broadcast_in_dim3A : vector<256x1xi1> to vector<256x512xi1>
    %broadcast_in_dim3A_247 = vector.broadcast %jit3A : f32 to vector<256x512xf32>
    %select_n3A = arith.select %broadcast_in_dim3A_246, %concatenate3A_237, %broadcast_in_dim3A_247 : vector<256x512xi1>, vector<256x512xf32>
    %reduce_sum3A = arith.constant dense<0.000000e+00> : vector<512xf32>
    %reduce_sum3A_248 = vector.multi_reduction <add>, %select_n3A, %reduce_sum3A [0] : vector<256x512xf32> to vector<512xf32>
    %broadcast_in_dim3A_249 = vector.shape_cast %reduce_sum3A_248 : vector<512xf32> to vector<1x512xf32>
    %mul3A_250 = arith.mulf %select_n3A, %select_n3A : vector<256x512xf32>
    %reduce_sum3A_251 = arith.constant dense<0.000000e+00> : vector<512xf32>
    %reduce_sum3A_252 = vector.multi_reduction <add>, %mul3A_250, %reduce_sum3A_251 [0] : vector<256x512xf32> to vector<512xf32>
    %broadcast_in_dim3A_253 = vector.shape_cast %reduce_sum3A_252 : vector<512xf32> to vector<1x512xf32>
    %concatenate3A_254 = tpu.concatenate %broadcast_in_dim3A_249, %broadcast_in_dim3A_253 in 0 : vector<1x512xf32>, vector<1x512xf32> -> vector<2x512xf32>
    %eq3A = arith.constant 0 : i32
    %eq3A_255 = arith.cmpi eq, %arg0, %eq3A : i32
    %convert_element_type3A = arith.extui %eq3A_255 : i1 to i32
    %cond3A = arith.constant 0 : i32
    %cond3A_256 = arith.cmpi ne, %convert_element_type3A, %cond3A : i32
    scf.if %cond3A_256 {
      %swap3A_261 = arith.constant 0 : index
      %swap3A_262 = arith.constant 0 : index
      %swap3A_263 = vector.load %arg11[%swap3A_261, %swap3A_262] : memref<2x512xf32, #tpu.memory_space<vmem>>, vector<2x512xf32>
      tpu.vector_store %arg11[%swap3A_261, %swap3A_262], %concatenate3A_254 {strides = array<i32>} : memref<2x512xf32, #tpu.memory_space<vmem>>, vector<2x512xf32>,
    } else {
    }
    %gt3A = arith.constant 0 : i32
    %gt3A_257 = arith.cmpi sgt, %arg0, %gt3A : i32
    %convert_element_type3A_258 = arith.extui %gt3A_257 : i1 to i32
    %cond3A_259 = arith.constant 0 : i32
    %cond3A_260 = arith.cmpi ne, %convert_element_type3A_258, %cond3A_259 : i32
    scf.if %cond3A_260 {
      %get3A_261 = arith.constant 0 : index
      %get3A_262 = arith.constant 0 : index
      %get3A_263 = vector.load %arg11[%get3A_261, %get3A_262] : memref<2x512xf32, #tpu.memory_space<vmem>>, vector<2x512xf32>
      %add3A_264 = arith.addf %get3A_263, %concatenate3A_254 : vector<2x512xf32>
      %swap3A_265 = arith.constant 0 : index
      %swap3A_266 = arith.constant 0 : index
      %swap3A_267 = vector.load %arg11[%swap3A_265, %swap3A_266] : memref<2x512xf32, #tpu.memory_space<vmem>>, vector<2x512xf32>
      tpu.vector_store %arg11[%swap3A_265, %swap3A_266], %add3A_264 {strides = array<i32>} : memref<2x512xf32, #tpu.memory_space<vmem>>, vector<2x512xf32>,
    } else {
    }
    return
  }
  func.func @transform_0(%arg0: i32) -> (i32, i32) {
    %c0_i32 = arith.constant 0 : i32
    %c0_i32_0 = arith.constant 0 : i32
    return %arg0, %c0_i32 : i32, i32
  }
  func.func @transform_1(%arg0: i32) -> (i32, i32) {
    %c0_i32 = arith.constant 0 : i32
    %c0_i32_0 = arith.constant 0 : i32
    return %arg0, %c0_i32 : i32, i32
  }
  func.func @transform_2(%arg0: i32) -> (i32, i32) {
    %c0_i32 = arith.constant 0 : i32
    %c0_i32_0 = arith.constant 0 : i32
    return %arg0, %c0_i32 : i32, i32
  }
  func.func @transform_3(%arg0: i32) -> (i32, i32) {
    %c0_i32 = arith.constant 0 : i32
    %c0_i32_0 = arith.constant 0 : i32
    return %arg0, %c0_i32 : i32, i32
  }
  func.func @transform_4(%arg0: i32) -> (i32, i32) {
    %c0_i32 = arith.constant 0 : i32
    %c0_i32_0 = arith.constant 0 : i32
    return %arg0, %c0_i32 : i32, i32
  }
  func.func @transform_5(%arg0: i32) -> (i32, i32) {
    %c0_i32 = arith.constant 0 : i32
    %c0_i32_0 = arith.constant 0 : i32
    return %arg0, %c0_i32 : i32, i32
  }
  func.func @transform_6(%arg0: i32) -> (i32, i32) {
    %c0_i32 = arith.constant 0 : i32
    %c0_i32_0 = arith.constant 0 : i32
    return %arg0, %c0_i32 : i32, i32
  }
  func.func @transform_7(%arg0: i32) -> (i32, i32) {
    %c0_i32 = arith.constant 0 : i32
    %c0_i32_0 = arith.constant 0 : i32
    %c0_i32_1 = arith.constant 0 : i32
    return %c0_i32, %c0_i32_0 : i32, i32
  }
  func.func @transform_8(%arg0: i32) -> (i32, i32) {
    %c0_i32 = arith.constant 0 : i32
    %c0_i32_0 = arith.constant 0 : i32
    %c0_i32_1 = arith.constant 0 : i32
    return %c0_i32, %c0_i32_0 : i32, i32
  }
  func.func @transform_9(%arg0: i32) -> (i32, i32) {
    %c0_i32 = arith.constant 0 : i32
    %c0_i32_0 = arith.constant 0 : i32
    return %arg0, %c0_i32 : i32, i32
  }
  func.func @transform_10(%arg0: i32) -> (i32, i32) {
    %c0_i32 = arith.constant 0 : i32
    %c0_i32_0 = arith.constant 0 : i32
    %c0_i32_1 = arith.constant 0 : i32
    return %c0_i32, %c0_i32_0 : i32, i32
  }
}

module attributes {stable_mosaic.version = 14 : i64} {
  func.func @_bn_relu_split_folded_body(%arg0: i32, %arg1: memref<256x512xf32, #tpu.memory_space<vmem>>, %arg2: memref<1x512xf32, #tpu.memory_space<vmem>>, %arg3: memref<1x512xf32, #tpu.memory_space<vmem>>, %arg4: memref<2x256x128xf32, #tpu.memory_space<vmem>>, %arg5: memref<2x256x128xf32, #tpu.memory_space<vmem>>) attributes {dimension_semantics = [#tpu.dimension_semantics<arbitrary>], iteration_bounds = array<i64: 25>, scalar_prefetch = 0 : i64, scratch_operands = 0 : i64, tpu.core_type = #tpu.core_type<tc>, window_params = [{transform_indices = @transform_0, window_bounds = array<i64: 256, 512>}, {pipeline_mode = #tpu.pipeline_mode<synchronous>, transform_indices = @transform_1, window_bounds = array<i64: 1, 512>}, {pipeline_mode = #tpu.pipeline_mode<synchronous>, transform_indices = @transform_2, window_bounds = array<i64: 1, 512>}, {transform_indices = @transform_3, window_bounds = array<i64: 2, 256, 128>}, {transform_indices = @transform_4, window_bounds = array<i64: 2, 256, 128>}]} {
    %get3A = arith.constant 0 : index
    %get3A_0 = arith.constant 0 : index
    %get3A_1 = vector.load %arg1[%get3A, %get3A_0] : memref<256x512xf32, #tpu.memory_space<vmem>>, vector<256x512xf32>
    %get3A_2 = arith.constant 0 : index
    %get3A_3 = arith.constant 0 : index
    %get3A_4 = vector.load %arg2[%get3A_2, %get3A_3] : memref<1x512xf32, #tpu.memory_space<vmem>>, vector<1x512xf32>
    %mul3A = vector.broadcast %get3A_4 : vector<1x512xf32> to vector<256x512xf32>
    %mul3A_5 = arith.mulf %get3A_1, %mul3A : vector<256x512xf32>
    %get3A_6 = arith.constant 0 : index
    %get3A_7 = arith.constant 0 : index
    %get3A_8 = vector.load %arg3[%get3A_6, %get3A_7] : memref<1x512xf32, #tpu.memory_space<vmem>>, vector<1x512xf32>
    %add3A = vector.broadcast %get3A_8 : vector<1x512xf32> to vector<256x512xf32>
    %add3A_9 = arith.addf %mul3A_5, %add3A : vector<256x512xf32>
    %max3A = arith.constant 0.000000e+00 : f32
    %max3A_10 = vector.broadcast %max3A : f32 to vector<256x512xf32>
    %max3A_11 = arith.maximumf %add3A_9, %max3A_10 : vector<256x512xf32>
    %slice3A = vector.extract_strided_slice %max3A_11 {offsets = [0, 0], sizes = [256, 32], strides = [1, 1]} : vector<256x512xf32> to vector<256x32xf32>
    %slice3A_12 = vector.extract_strided_slice %max3A_11 {offsets = [0, 64], sizes = [256, 32], strides = [1, 1]} : vector<256x512xf32> to vector<256x32xf32>
    %slice3A_13 = vector.extract_strided_slice %max3A_11 {offsets = [0, 128], sizes = [256, 32], strides = [1, 1]} : vector<256x512xf32> to vector<256x32xf32>
    %slice3A_14 = vector.extract_strided_slice %max3A_11 {offsets = [0, 192], sizes = [256, 32], strides = [1, 1]} : vector<256x512xf32> to vector<256x32xf32>
    %concatenate3A = tpu.concatenate %slice3A, %slice3A_12, %slice3A_13, %slice3A_14 in 1 : vector<256x32xf32>, vector<256x32xf32>, vector<256x32xf32>, vector<256x32xf32> -> vector<256x128xf32>
    %swap3A = arith.constant 0 : index
    %swap3A_15 = arith.constant 0 : index
    %swap3A_16 = arith.constant 0 : index
    %swap3A_17 = vector.load %arg4[%swap3A, %swap3A_15, %swap3A_16] : memref<2x256x128xf32, #tpu.memory_space<vmem>>, vector<1x256x128xf32>
    %swap3A_18 = vector.shape_cast %swap3A_17 : vector<1x256x128xf32> to vector<256x128xf32>
    %swap3A_19 = vector.shape_cast %concatenate3A : vector<256x128xf32> to vector<1x256x128xf32>
    tpu.vector_store %arg4[%swap3A, %swap3A_15, %swap3A_16], %swap3A_19 {strides = array<i32>} : memref<2x256x128xf32, #tpu.memory_space<vmem>>, vector<1x256x128xf32>,
    %slice3A_20 = vector.extract_strided_slice %max3A_11 {offsets = [0, 32], sizes = [256, 32], strides = [1, 1]} : vector<256x512xf32> to vector<256x32xf32>
    %slice3A_21 = vector.extract_strided_slice %max3A_11 {offsets = [0, 96], sizes = [256, 32], strides = [1, 1]} : vector<256x512xf32> to vector<256x32xf32>
    %slice3A_22 = vector.extract_strided_slice %max3A_11 {offsets = [0, 160], sizes = [256, 32], strides = [1, 1]} : vector<256x512xf32> to vector<256x32xf32>
    %slice3A_23 = vector.extract_strided_slice %max3A_11 {offsets = [0, 224], sizes = [256, 32], strides = [1, 1]} : vector<256x512xf32> to vector<256x32xf32>
    %concatenate3A_24 = tpu.concatenate %slice3A_20, %slice3A_21, %slice3A_22, %slice3A_23 in 1 : vector<256x32xf32>, vector<256x32xf32>, vector<256x32xf32>, vector<256x32xf32> -> vector<256x128xf32>
    %swap3A_25 = arith.constant 0 : index
    %swap3A_26 = arith.constant 0 : index
    %swap3A_27 = arith.constant 0 : index
    %swap3A_28 = vector.load %arg5[%swap3A_25, %swap3A_26, %swap3A_27] : memref<2x256x128xf32, #tpu.memory_space<vmem>>, vector<1x256x128xf32>
    %swap3A_29 = vector.shape_cast %swap3A_28 : vector<1x256x128xf32> to vector<256x128xf32>
    %swap3A_30 = vector.shape_cast %concatenate3A_24 : vector<256x128xf32> to vector<1x256x128xf32>
    tpu.vector_store %arg5[%swap3A_25, %swap3A_26, %swap3A_27], %swap3A_30 {strides = array<i32>} : memref<2x256x128xf32, #tpu.memory_space<vmem>>, vector<1x256x128xf32>,
    %slice3A_31 = vector.extract_strided_slice %max3A_11 {offsets = [0, 256], sizes = [256, 32], strides = [1, 1]} : vector<256x512xf32> to vector<256x32xf32>
    %slice3A_32 = vector.extract_strided_slice %max3A_11 {offsets = [0, 320], sizes = [256, 32], strides = [1, 1]} : vector<256x512xf32> to vector<256x32xf32>
    %slice3A_33 = vector.extract_strided_slice %max3A_11 {offsets = [0, 384], sizes = [256, 32], strides = [1, 1]} : vector<256x512xf32> to vector<256x32xf32>
    %slice3A_34 = vector.extract_strided_slice %max3A_11 {offsets = [0, 448], sizes = [256, 32], strides = [1, 1]} : vector<256x512xf32> to vector<256x32xf32>
    %concatenate3A_35 = tpu.concatenate %slice3A_31, %slice3A_32, %slice3A_33, %slice3A_34 in 1 : vector<256x32xf32>, vector<256x32xf32>, vector<256x32xf32>, vector<256x32xf32> -> vector<256x128xf32>
    %swap3A_36 = arith.constant 1 : index
    %swap3A_37 = arith.constant 0 : index
    %swap3A_38 = arith.constant 0 : index
    %swap3A_39 = vector.load %arg4[%swap3A_36, %swap3A_37, %swap3A_38] : memref<2x256x128xf32, #tpu.memory_space<vmem>>, vector<1x256x128xf32>
    %swap3A_40 = vector.shape_cast %swap3A_39 : vector<1x256x128xf32> to vector<256x128xf32>
    %swap3A_41 = vector.shape_cast %concatenate3A_35 : vector<256x128xf32> to vector<1x256x128xf32>
    tpu.vector_store %arg4[%swap3A_36, %swap3A_37, %swap3A_38], %swap3A_41 {strides = array<i32>} : memref<2x256x128xf32, #tpu.memory_space<vmem>>, vector<1x256x128xf32>,
    %slice3A_42 = vector.extract_strided_slice %max3A_11 {offsets = [0, 288], sizes = [256, 32], strides = [1, 1]} : vector<256x512xf32> to vector<256x32xf32>
    %slice3A_43 = vector.extract_strided_slice %max3A_11 {offsets = [0, 352], sizes = [256, 32], strides = [1, 1]} : vector<256x512xf32> to vector<256x32xf32>
    %slice3A_44 = vector.extract_strided_slice %max3A_11 {offsets = [0, 416], sizes = [256, 32], strides = [1, 1]} : vector<256x512xf32> to vector<256x32xf32>
    %slice3A_45 = vector.extract_strided_slice %max3A_11 {offsets = [0, 480], sizes = [256, 32], strides = [1, 1]} : vector<256x512xf32> to vector<256x32xf32>
    %concatenate3A_46 = tpu.concatenate %slice3A_42, %slice3A_43, %slice3A_44, %slice3A_45 in 1 : vector<256x32xf32>, vector<256x32xf32>, vector<256x32xf32>, vector<256x32xf32> -> vector<256x128xf32>
    %swap3A_47 = arith.constant 1 : index
    %swap3A_48 = arith.constant 0 : index
    %swap3A_49 = arith.constant 0 : index
    %swap3A_50 = vector.load %arg5[%swap3A_47, %swap3A_48, %swap3A_49] : memref<2x256x128xf32, #tpu.memory_space<vmem>>, vector<1x256x128xf32>
    %swap3A_51 = vector.shape_cast %swap3A_50 : vector<1x256x128xf32> to vector<256x128xf32>
    %swap3A_52 = vector.shape_cast %concatenate3A_46 : vector<256x128xf32> to vector<1x256x128xf32>
    tpu.vector_store %arg5[%swap3A_47, %swap3A_48, %swap3A_49], %swap3A_52 {strides = array<i32>} : memref<2x256x128xf32, #tpu.memory_space<vmem>>, vector<1x256x128xf32>,
    return
  }
  func.func @transform_0(%arg0: i32) -> (i32, i32) {
    %c0_i32 = arith.constant 0 : i32
    %c0_i32_0 = arith.constant 0 : i32
    return %arg0, %c0_i32 : i32, i32
  }
  func.func @transform_1(%arg0: i32) -> (i32, i32) {
    %c0_i32 = arith.constant 0 : i32
    %c0_i32_0 = arith.constant 0 : i32
    %c0_i32_1 = arith.constant 0 : i32
    return %c0_i32, %c0_i32_0 : i32, i32
  }
  func.func @transform_2(%arg0: i32) -> (i32, i32) {
    %c0_i32 = arith.constant 0 : i32
    %c0_i32_0 = arith.constant 0 : i32
    %c0_i32_1 = arith.constant 0 : i32
    return %c0_i32, %c0_i32_0 : i32, i32
  }
  func.func @transform_3(%arg0: i32) -> (i32, i32, i32) {
    %c0_i32 = arith.constant 0 : i32
    %c0_i32_0 = arith.constant 0 : i32
    %c0_i32_1 = arith.constant 0 : i32
    return %c0_i32, %arg0, %c0_i32_0 : i32, i32, i32
  }
  func.func @transform_4(%arg0: i32) -> (i32, i32, i32) {
    %c0_i32 = arith.constant 0 : i32
    %c0_i32_0 = arith.constant 0 : i32
    %c0_i32_1 = arith.constant 0 : i32
    return %c0_i32, %arg0, %c0_i32_0 : i32, i32, i32
  }
}

module attributes {stable_mosaic.version = 14 : i64} {
  func.func @_sage2_folded_body(%arg0: i32, %arg1: memref<2x256x128xf32, #tpu.memory_space<vmem>>, %arg2: memref<2x256x128xf32, #tpu.memory_space<vmem>>, %arg3: memref<256x256xf32, #tpu.memory_space<vmem>>, %arg4: memref<256x256xf32, #tpu.memory_space<vmem>>, %arg5: memref<256x128xf32, #tpu.memory_space<vmem>>, %arg6: memref<128x64xf32, #tpu.memory_space<vmem>>, %arg7: memref<1x64xf32, #tpu.memory_space<vmem>>, %arg8: memref<256x512xf32, #tpu.memory_space<vmem>>, %arg9: memref<2x512xf32, #tpu.memory_space<vmem>>) attributes {dimension_semantics = [#tpu.dimension_semantics<arbitrary>], iteration_bounds = array<i64: 25>, scalar_prefetch = 0 : i64, scratch_operands = 0 : i64, tpu.core_type = #tpu.core_type<tc>, window_params = [{transform_indices = @transform_0, window_bounds = array<i64: 2, 256, 128>}, {transform_indices = @transform_1, window_bounds = array<i64: 2, 256, 128>}, {transform_indices = @transform_2, window_bounds = array<i64: 256, 256>}, {transform_indices = @transform_3, window_bounds = array<i64: 256, 256>}, {transform_indices = @transform_4, window_bounds = array<i64: 256, 128>}, {pipeline_mode = #tpu.pipeline_mode<synchronous>, transform_indices = @transform_5, window_bounds = array<i64: 128, 64>}, {pipeline_mode = #tpu.pipeline_mode<synchronous>, transform_indices = @transform_6, window_bounds = array<i64: 1, 64>}, {transform_indices = @transform_7, window_bounds = array<i64: 256, 512>}, {pipeline_mode = #tpu.pipeline_mode<synchronous>, transform_indices = @transform_8, window_bounds = array<i64: 2, 512>}]} {
    %get3A = arith.constant 0 : index
    %get3A_0 = arith.constant 0 : index
    %get3A_1 = vector.load %arg5[%get3A, %get3A_0] : memref<256x128xf32, #tpu.memory_space<vmem>>, vector<256x1xf32>
    %get3A_2 = arith.constant 0 : index
    %get3A_3 = arith.constant 0 : index
    %get3A_4 = arith.constant 0 : index
    %get3A_5 = vector.load %arg1[%get3A_2, %get3A_3, %get3A_4] : memref<2x256x128xf32, #tpu.memory_space<vmem>>, vector<1x256x128xf32>
    %get3A_6 = vector.shape_cast %get3A_5 : vector<1x256x128xf32> to vector<256x128xf32>
    %slice3A = vector.extract_strided_slice %get3A_6 {offsets = [0, 0], sizes = [256, 32], strides = [1, 1]} : vector<256x128xf32> to vector<256x32xf32>
    %get3A_7 = arith.constant 0 : index
    %get3A_8 = arith.constant 0 : index
    %get3A_9 = arith.constant 0 : index
    %get3A_10 = vector.load %arg2[%get3A_7, %get3A_8, %get3A_9] : memref<2x256x128xf32, #tpu.memory_space<vmem>>, vector<1x256x128xf32>
    %get3A_11 = vector.shape_cast %get3A_10 : vector<1x256x128xf32> to vector<256x128xf32>
    %slice3A_12 = vector.extract_strided_slice %get3A_11 {offsets = [0, 0], sizes = [256, 32], strides = [1, 1]} : vector<256x128xf32> to vector<256x32xf32>
    %concatenate3A = tpu.concatenate %slice3A, %slice3A_12 in 1 : vector<256x32xf32>, vector<256x32xf32> -> vector<256x64xf32>
    %get3A_13 = arith.constant 0 : index
    %get3A_14 = arith.constant 0 : index
    %get3A_15 = vector.load %arg3[%get3A_13, %get3A_14] : memref<256x256xf32, #tpu.memory_space<vmem>>, vector<256x32xf32>
    %get3A_16 = arith.constant 0 : index
    %get3A_17 = arith.constant 0 : index
    %get3A_18 = vector.load %arg4[%get3A_16, %get3A_17] : memref<256x256xf32, #tpu.memory_space<vmem>>, vector<256x32xf32>
    %concatenate3A_19 = tpu.concatenate %get3A_15, %get3A_18 in 1 : vector<256x32xf32>, vector<256x32xf32> -> vector<256x64xf32>
    %mul3A = vector.broadcast %get3A_1 : vector<256x1xf32> to vector<256x64xf32>
    %mul3A_20 = arith.mulf %concatenate3A_19, %mul3A : vector<256x64xf32>
    %concatenate3A_21 = tpu.concatenate %concatenate3A, %mul3A_20 in 1 : vector<256x64xf32>, vector<256x64xf32> -> vector<256x128xf32>
    %get3A_22 = arith.constant 0 : index
    %get3A_23 = arith.constant 16 : index
    %get3A_24 = vector.load %arg5[%get3A_22, %get3A_23] : memref<256x128xf32, #tpu.memory_space<vmem>>, vector<256x1xf32>
    %get3A_25 = arith.constant 0 : index
    %get3A_26 = arith.constant 0 : index
    %get3A_27 = arith.constant 0 : index
    %get3A_28 = vector.load %arg1[%get3A_25, %get3A_26, %get3A_27] : memref<2x256x128xf32, #tpu.memory_space<vmem>>, vector<1x256x128xf32>
    %get3A_29 = vector.shape_cast %get3A_28 : vector<1x256x128xf32> to vector<256x128xf32>
    %slice3A_30 = vector.extract_strided_slice %get3A_29 {offsets = [0, 32], sizes = [256, 32], strides = [1, 1]} : vector<256x128xf32> to vector<256x32xf32>
    %get3A_31 = arith.constant 0 : index
    %get3A_32 = arith.constant 0 : index
    %get3A_33 = arith.constant 0 : index
    %get3A_34 = vector.load %arg2[%get3A_31, %get3A_32, %get3A_33] : memref<2x256x128xf32, #tpu.memory_space<vmem>>, vector<1x256x128xf32>
    %get3A_35 = vector.shape_cast %get3A_34 : vector<1x256x128xf32> to vector<256x128xf32>
    %slice3A_36 = vector.extract_strided_slice %get3A_35 {offsets = [0, 32], sizes = [256, 32], strides = [1, 1]} : vector<256x128xf32> to vector<256x32xf32>
    %concatenate3A_37 = tpu.concatenate %slice3A_30, %slice3A_36 in 1 : vector<256x32xf32>, vector<256x32xf32> -> vector<256x64xf32>
    %get3A_38 = arith.constant 0 : index
    %get3A_39 = arith.constant 32 : index
    %get3A_40 = vector.load %arg3[%get3A_38, %get3A_39] : memref<256x256xf32, #tpu.memory_space<vmem>>, vector<256x32xf32>
    %get3A_41 = arith.constant 0 : index
    %get3A_42 = arith.constant 32 : index
    %get3A_43 = vector.load %arg4[%get3A_41, %get3A_42] : memref<256x256xf32, #tpu.memory_space<vmem>>, vector<256x32xf32>
    %concatenate3A_44 = tpu.concatenate %get3A_40, %get3A_43 in 1 : vector<256x32xf32>, vector<256x32xf32> -> vector<256x64xf32>
    %mul3A_45 = vector.broadcast %get3A_24 : vector<256x1xf32> to vector<256x64xf32>
    %mul3A_46 = arith.mulf %concatenate3A_44, %mul3A_45 : vector<256x64xf32>
    %concatenate3A_47 = tpu.concatenate %concatenate3A_37, %mul3A_46 in 1 : vector<256x64xf32>, vector<256x64xf32> -> vector<256x128xf32>
    %get3A_48 = arith.constant 0 : index
    %get3A_49 = arith.constant 32 : index
    %get3A_50 = vector.load %arg5[%get3A_48, %get3A_49] : memref<256x128xf32, #tpu.memory_space<vmem>>, vector<256x1xf32>
    %get3A_51 = arith.constant 0 : index
    %get3A_52 = arith.constant 0 : index
    %get3A_53 = arith.constant 0 : index
    %get3A_54 = vector.load %arg1[%get3A_51, %get3A_52, %get3A_53] : memref<2x256x128xf32, #tpu.memory_space<vmem>>, vector<1x256x128xf32>
    %get3A_55 = vector.shape_cast %get3A_54 : vector<1x256x128xf32> to vector<256x128xf32>
    %slice3A_56 = vector.extract_strided_slice %get3A_55 {offsets = [0, 64], sizes = [256, 32], strides = [1, 1]} : vector<256x128xf32> to vector<256x32xf32>
    %get3A_57 = arith.constant 0 : index
    %get3A_58 = arith.constant 0 : index
    %get3A_59 = arith.constant 0 : index
    %get3A_60 = vector.load %arg2[%get3A_57, %get3A_58, %get3A_59] : memref<2x256x128xf32, #tpu.memory_space<vmem>>, vector<1x256x128xf32>
    %get3A_61 = vector.shape_cast %get3A_60 : vector<1x256x128xf32> to vector<256x128xf32>
    %slice3A_62 = vector.extract_strided_slice %get3A_61 {offsets = [0, 64], sizes = [256, 32], strides = [1, 1]} : vector<256x128xf32> to vector<256x32xf32>
    %concatenate3A_63 = tpu.concatenate %slice3A_56, %slice3A_62 in 1 : vector<256x32xf32>, vector<256x32xf32> -> vector<256x64xf32>
    %get3A_64 = arith.constant 0 : index
    %get3A_65 = arith.constant 64 : index
    %get3A_66 = vector.load %arg3[%get3A_64, %get3A_65] : memref<256x256xf32, #tpu.memory_space<vmem>>, vector<256x32xf32>
    %get3A_67 = arith.constant 0 : index
    %get3A_68 = arith.constant 64 : index
    %get3A_69 = vector.load %arg4[%get3A_67, %get3A_68] : memref<256x256xf32, #tpu.memory_space<vmem>>, vector<256x32xf32>
    %concatenate3A_70 = tpu.concatenate %get3A_66, %get3A_69 in 1 : vector<256x32xf32>, vector<256x32xf32> -> vector<256x64xf32>
    %mul3A_71 = vector.broadcast %get3A_50 : vector<256x1xf32> to vector<256x64xf32>
    %mul3A_72 = arith.mulf %concatenate3A_70, %mul3A_71 : vector<256x64xf32>
    %concatenate3A_73 = tpu.concatenate %concatenate3A_63, %mul3A_72 in 1 : vector<256x64xf32>, vector<256x64xf32> -> vector<256x128xf32>
    %get3A_74 = arith.constant 0 : index
    %get3A_75 = arith.constant 48 : index
    %get3A_76 = vector.load %arg5[%get3A_74, %get3A_75] : memref<256x128xf32, #tpu.memory_space<vmem>>, vector<256x1xf32>
    %get3A_77 = arith.constant 0 : index
    %get3A_78 = arith.constant 0 : index
    %get3A_79 = arith.constant 0 : index
    %get3A_80 = vector.load %arg1[%get3A_77, %get3A_78, %get3A_79] : memref<2x256x128xf32, #tpu.memory_space<vmem>>, vector<1x256x128xf32>
    %get3A_81 = vector.shape_cast %get3A_80 : vector<1x256x128xf32> to vector<256x128xf32>
    %slice3A_82 = vector.extract_strided_slice %get3A_81 {offsets = [0, 96], sizes = [256, 32], strides = [1, 1]} : vector<256x128xf32> to vector<256x32xf32>
    %get3A_83 = arith.constant 0 : index
    %get3A_84 = arith.constant 0 : index
    %get3A_85 = arith.constant 0 : index
    %get3A_86 = vector.load %arg2[%get3A_83, %get3A_84, %get3A_85] : memref<2x256x128xf32, #tpu.memory_space<vmem>>, vector<1x256x128xf32>
    %get3A_87 = vector.shape_cast %get3A_86 : vector<1x256x128xf32> to vector<256x128xf32>
    %slice3A_88 = vector.extract_strided_slice %get3A_87 {offsets = [0, 96], sizes = [256, 32], strides = [1, 1]} : vector<256x128xf32> to vector<256x32xf32>
    %concatenate3A_89 = tpu.concatenate %slice3A_82, %slice3A_88 in 1 : vector<256x32xf32>, vector<256x32xf32> -> vector<256x64xf32>
    %get3A_90 = arith.constant 0 : index
    %get3A_91 = arith.constant 96 : index
    %get3A_92 = vector.load %arg3[%get3A_90, %get3A_91] : memref<256x256xf32, #tpu.memory_space<vmem>>, vector<256x32xf32>
    %get3A_93 = arith.constant 0 : index
    %get3A_94 = arith.constant 96 : index
    %get3A_95 = vector.load %arg4[%get3A_93, %get3A_94] : memref<256x256xf32, #tpu.memory_space<vmem>>, vector<256x32xf32>
    %concatenate3A_96 = tpu.concatenate %get3A_92, %get3A_95 in 1 : vector<256x32xf32>, vector<256x32xf32> -> vector<256x64xf32>
    %mul3A_97 = vector.broadcast %get3A_76 : vector<256x1xf32> to vector<256x64xf32>
    %mul3A_98 = arith.mulf %concatenate3A_96, %mul3A_97 : vector<256x64xf32>
    %concatenate3A_99 = tpu.concatenate %concatenate3A_89, %mul3A_98 in 1 : vector<256x64xf32>, vector<256x64xf32> -> vector<256x128xf32>
    %get3A_100 = arith.constant 0 : index
    %get3A_101 = arith.constant 64 : index
    %get3A_102 = vector.load %arg5[%get3A_100, %get3A_101] : memref<256x128xf32, #tpu.memory_space<vmem>>, vector<256x1xf32>
    %get3A_103 = arith.constant 1 : index
    %get3A_104 = arith.constant 0 : index
    %get3A_105 = arith.constant 0 : index
    %get3A_106 = vector.load %arg1[%get3A_103, %get3A_104, %get3A_105] : memref<2x256x128xf32, #tpu.memory_space<vmem>>, vector<1x256x128xf32>
    %get3A_107 = vector.shape_cast %get3A_106 : vector<1x256x128xf32> to vector<256x128xf32>
    %slice3A_108 = vector.extract_strided_slice %get3A_107 {offsets = [0, 0], sizes = [256, 32], strides = [1, 1]} : vector<256x128xf32> to vector<256x32xf32>
    %get3A_109 = arith.constant 1 : index
    %get3A_110 = arith.constant 0 : index
    %get3A_111 = arith.constant 0 : index
    %get3A_112 = vector.load %arg2[%get3A_109, %get3A_110, %get3A_111] : memref<2x256x128xf32, #tpu.memory_space<vmem>>, vector<1x256x128xf32>
    %get3A_113 = vector.shape_cast %get3A_112 : vector<1x256x128xf32> to vector<256x128xf32>
    %slice3A_114 = vector.extract_strided_slice %get3A_113 {offsets = [0, 0], sizes = [256, 32], strides = [1, 1]} : vector<256x128xf32> to vector<256x32xf32>
    %concatenate3A_115 = tpu.concatenate %slice3A_108, %slice3A_114 in 1 : vector<256x32xf32>, vector<256x32xf32> -> vector<256x64xf32>
    %get3A_116 = arith.constant 0 : index
    %get3A_117 = arith.constant 128 : index
    %get3A_118 = vector.load %arg3[%get3A_116, %get3A_117] : memref<256x256xf32, #tpu.memory_space<vmem>>, vector<256x32xf32>
    %get3A_119 = arith.constant 0 : index
    %get3A_120 = arith.constant 128 : index
    %get3A_121 = vector.load %arg4[%get3A_119, %get3A_120] : memref<256x256xf32, #tpu.memory_space<vmem>>, vector<256x32xf32>
    %concatenate3A_122 = tpu.concatenate %get3A_118, %get3A_121 in 1 : vector<256x32xf32>, vector<256x32xf32> -> vector<256x64xf32>
    %mul3A_123 = vector.broadcast %get3A_102 : vector<256x1xf32> to vector<256x64xf32>
    %mul3A_124 = arith.mulf %concatenate3A_122, %mul3A_123 : vector<256x64xf32>
    %concatenate3A_125 = tpu.concatenate %concatenate3A_115, %mul3A_124 in 1 : vector<256x64xf32>, vector<256x64xf32> -> vector<256x128xf32>
    %get3A_126 = arith.constant 0 : index
    %get3A_127 = arith.constant 80 : index
    %get3A_128 = vector.load %arg5[%get3A_126, %get3A_127] : memref<256x128xf32, #tpu.memory_space<vmem>>, vector<256x1xf32>
    %get3A_129 = arith.constant 1 : index
    %get3A_130 = arith.constant 0 : index
    %get3A_131 = arith.constant 0 : index
    %get3A_132 = vector.load %arg1[%get3A_129, %get3A_130, %get3A_131] : memref<2x256x128xf32, #tpu.memory_space<vmem>>, vector<1x256x128xf32>
    %get3A_133 = vector.shape_cast %get3A_132 : vector<1x256x128xf32> to vector<256x128xf32>
    %slice3A_134 = vector.extract_strided_slice %get3A_133 {offsets = [0, 32], sizes = [256, 32], strides = [1, 1]} : vector<256x128xf32> to vector<256x32xf32>
    %get3A_135 = arith.constant 1 : index
    %get3A_136 = arith.constant 0 : index
    %get3A_137 = arith.constant 0 : index
    %get3A_138 = vector.load %arg2[%get3A_135, %get3A_136, %get3A_137] : memref<2x256x128xf32, #tpu.memory_space<vmem>>, vector<1x256x128xf32>
    %get3A_139 = vector.shape_cast %get3A_138 : vector<1x256x128xf32> to vector<256x128xf32>
    %slice3A_140 = vector.extract_strided_slice %get3A_139 {offsets = [0, 32], sizes = [256, 32], strides = [1, 1]} : vector<256x128xf32> to vector<256x32xf32>
    %concatenate3A_141 = tpu.concatenate %slice3A_134, %slice3A_140 in 1 : vector<256x32xf32>, vector<256x32xf32> -> vector<256x64xf32>
    %get3A_142 = arith.constant 0 : index
    %get3A_143 = arith.constant 160 : index
    %get3A_144 = vector.load %arg3[%get3A_142, %get3A_143] : memref<256x256xf32, #tpu.memory_space<vmem>>, vector<256x32xf32>
    %get3A_145 = arith.constant 0 : index
    %get3A_146 = arith.constant 160 : index
    %get3A_147 = vector.load %arg4[%get3A_145, %get3A_146] : memref<256x256xf32, #tpu.memory_space<vmem>>, vector<256x32xf32>
    %concatenate3A_148 = tpu.concatenate %get3A_144, %get3A_147 in 1 : vector<256x32xf32>, vector<256x32xf32> -> vector<256x64xf32>
    %mul3A_149 = vector.broadcast %get3A_128 : vector<256x1xf32> to vector<256x64xf32>
    %mul3A_150 = arith.mulf %concatenate3A_148, %mul3A_149 : vector<256x64xf32>
    %concatenate3A_151 = tpu.concatenate %concatenate3A_141, %mul3A_150 in 1 : vector<256x64xf32>, vector<256x64xf32> -> vector<256x128xf32>
    %get3A_152 = arith.constant 0 : index
    %get3A_153 = arith.constant 96 : index
    %get3A_154 = vector.load %arg5[%get3A_152, %get3A_153] : memref<256x128xf32, #tpu.memory_space<vmem>>, vector<256x1xf32>
    %get3A_155 = arith.constant 1 : index
    %get3A_156 = arith.constant 0 : index
    %get3A_157 = arith.constant 0 : index
    %get3A_158 = vector.load %arg1[%get3A_155, %get3A_156, %get3A_157] : memref<2x256x128xf32, #tpu.memory_space<vmem>>, vector<1x256x128xf32>
    %get3A_159 = vector.shape_cast %get3A_158 : vector<1x256x128xf32> to vector<256x128xf32>
    %slice3A_160 = vector.extract_strided_slice %get3A_159 {offsets = [0, 64], sizes = [256, 32], strides = [1, 1]} : vector<256x128xf32> to vector<256x32xf32>
    %get3A_161 = arith.constant 1 : index
    %get3A_162 = arith.constant 0 : index
    %get3A_163 = arith.constant 0 : index
    %get3A_164 = vector.load %arg2[%get3A_161, %get3A_162, %get3A_163] : memref<2x256x128xf32, #tpu.memory_space<vmem>>, vector<1x256x128xf32>
    %get3A_165 = vector.shape_cast %get3A_164 : vector<1x256x128xf32> to vector<256x128xf32>
    %slice3A_166 = vector.extract_strided_slice %get3A_165 {offsets = [0, 64], sizes = [256, 32], strides = [1, 1]} : vector<256x128xf32> to vector<256x32xf32>
    %concatenate3A_167 = tpu.concatenate %slice3A_160, %slice3A_166 in 1 : vector<256x32xf32>, vector<256x32xf32> -> vector<256x64xf32>
    %get3A_168 = arith.constant 0 : index
    %get3A_169 = arith.constant 192 : index
    %get3A_170 = vector.load %arg3[%get3A_168, %get3A_169] : memref<256x256xf32, #tpu.memory_space<vmem>>, vector<256x32xf32>
    %get3A_171 = arith.constant 0 : index
    %get3A_172 = arith.constant 192 : index
    %get3A_173 = vector.load %arg4[%get3A_171, %get3A_172] : memref<256x256xf32, #tpu.memory_space<vmem>>, vector<256x32xf32>
    %concatenate3A_174 = tpu.concatenate %get3A_170, %get3A_173 in 1 : vector<256x32xf32>, vector<256x32xf32> -> vector<256x64xf32>
    %mul3A_175 = vector.broadcast %get3A_154 : vector<256x1xf32> to vector<256x64xf32>
    %mul3A_176 = arith.mulf %concatenate3A_174, %mul3A_175 : vector<256x64xf32>
    %concatenate3A_177 = tpu.concatenate %concatenate3A_167, %mul3A_176 in 1 : vector<256x64xf32>, vector<256x64xf32> -> vector<256x128xf32>
    %get3A_178 = arith.constant 0 : index
    %get3A_179 = arith.constant 112 : index
    %get3A_180 = vector.load %arg5[%get3A_178, %get3A_179] : memref<256x128xf32, #tpu.memory_space<vmem>>, vector<256x1xf32>
    %get3A_181 = arith.constant 1 : index
    %get3A_182 = arith.constant 0 : index
    %get3A_183 = arith.constant 0 : index
    %get3A_184 = vector.load %arg1[%get3A_181, %get3A_182, %get3A_183] : memref<2x256x128xf32, #tpu.memory_space<vmem>>, vector<1x256x128xf32>
    %get3A_185 = vector.shape_cast %get3A_184 : vector<1x256x128xf32> to vector<256x128xf32>
    %slice3A_186 = vector.extract_strided_slice %get3A_185 {offsets = [0, 96], sizes = [256, 32], strides = [1, 1]} : vector<256x128xf32> to vector<256x32xf32>
    %get3A_187 = arith.constant 1 : index
    %get3A_188 = arith.constant 0 : index
    %get3A_189 = arith.constant 0 : index
    %get3A_190 = vector.load %arg2[%get3A_187, %get3A_188, %get3A_189] : memref<2x256x128xf32, #tpu.memory_space<vmem>>, vector<1x256x128xf32>
    %get3A_191 = vector.shape_cast %get3A_190 : vector<1x256x128xf32> to vector<256x128xf32>
    %slice3A_192 = vector.extract_strided_slice %get3A_191 {offsets = [0, 96], sizes = [256, 32], strides = [1, 1]} : vector<256x128xf32> to vector<256x32xf32>
    %concatenate3A_193 = tpu.concatenate %slice3A_186, %slice3A_192 in 1 : vector<256x32xf32>, vector<256x32xf32> -> vector<256x64xf32>
    %get3A_194 = arith.constant 0 : index
    %get3A_195 = arith.constant 224 : index
    %get3A_196 = vector.load %arg3[%get3A_194, %get3A_195] : memref<256x256xf32, #tpu.memory_space<vmem>>, vector<256x32xf32>
    %get3A_197 = arith.constant 0 : index
    %get3A_198 = arith.constant 224 : index
    %get3A_199 = vector.load %arg4[%get3A_197, %get3A_198] : memref<256x256xf32, #tpu.memory_space<vmem>>, vector<256x32xf32>
    %concatenate3A_200 = tpu.concatenate %get3A_196, %get3A_199 in 1 : vector<256x32xf32>, vector<256x32xf32> -> vector<256x64xf32>
    %mul3A_201 = vector.broadcast %get3A_180 : vector<256x1xf32> to vector<256x64xf32>
    %mul3A_202 = arith.mulf %concatenate3A_200, %mul3A_201 : vector<256x64xf32>
    %concatenate3A_203 = tpu.concatenate %concatenate3A_193, %mul3A_202 in 1 : vector<256x64xf32>, vector<256x64xf32> -> vector<256x128xf32>
    %concatenate3A_204 = tpu.concatenate %concatenate3A_21, %concatenate3A_47, %concatenate3A_73, %concatenate3A_99, %concatenate3A_125, %concatenate3A_151, %concatenate3A_177, %concatenate3A_203 in 0 : vector<256x128xf32>, vector<256x128xf32>, vector<256x128xf32>, vector<256x128xf32>, vector<256x128xf32>, vector<256x128xf32>, vector<256x128xf32>, vector<256x128xf32> -> vector<2048x128xf32>
    %get3A_205 = arith.constant 0 : index
    %get3A_206 = arith.constant 0 : index
    %get3A_207 = vector.load %arg6[%get3A_205, %get3A_206] : memref<128x64xf32, #tpu.memory_space<vmem>>, vector<128x64xf32>
    %dot_general3A = arith.constant dense<0.000000e+00> : vector<2048x64xf32>
    %dot_general3A_208 = tpu.matmul %concatenate3A_204, %get3A_207, %dot_general3A {dimension_numbers = #tpu.dot_dimension_numbers<[1], [0], [0], [1], [0, 0, 1, 1], [], []>, transpose_lhs_hint = false} : vector<2048x128xf32>, vector<128x64xf32>, vector<2048x64xf32> -> vector<2048x64xf32>
    %get3A_209 = arith.constant 0 : index
    %get3A_210 = arith.constant 0 : index
    %get3A_211 = vector.load %arg7[%get3A_209, %get3A_210] : memref<1x64xf32, #tpu.memory_space<vmem>>, vector<1x64xf32>
    %add3A = vector.broadcast %get3A_211 : vector<1x64xf32> to vector<2048x64xf32>
    %add3A_212 = arith.addf %dot_general3A_208, %add3A : vector<2048x64xf32>
    %slice3A_213 = vector.extract_strided_slice %add3A_212 {offsets = [0, 0], sizes = [256, 64], strides = [1, 1]} : vector<2048x64xf32> to vector<256x64xf32>
    %slice3A_214 = vector.extract_strided_slice %add3A_212 {offsets = [256, 0], sizes = [256, 64], strides = [1, 1]} : vector<2048x64xf32> to vector<256x64xf32>
    %slice3A_215 = vector.extract_strided_slice %add3A_212 {offsets = [512, 0], sizes = [256, 64], strides = [1, 1]} : vector<2048x64xf32> to vector<256x64xf32>
    %slice3A_216 = vector.extract_strided_slice %add3A_212 {offsets = [768, 0], sizes = [256, 64], strides = [1, 1]} : vector<2048x64xf32> to vector<256x64xf32>
    %slice3A_217 = vector.extract_strided_slice %add3A_212 {offsets = [1024, 0], sizes = [256, 64], strides = [1, 1]} : vector<2048x64xf32> to vector<256x64xf32>
    %slice3A_218 = vector.extract_strided_slice %add3A_212 {offsets = [1280, 0], sizes = [256, 64], strides = [1, 1]} : vector<2048x64xf32> to vector<256x64xf32>
    %slice3A_219 = vector.extract_strided_slice %add3A_212 {offsets = [1536, 0], sizes = [256, 64], strides = [1, 1]} : vector<2048x64xf32> to vector<256x64xf32>
    %slice3A_220 = vector.extract_strided_slice %add3A_212 {offsets = [1792, 0], sizes = [256, 64], strides = [1, 1]} : vector<2048x64xf32> to vector<256x64xf32>
    %concatenate3A_221 = tpu.concatenate %slice3A_213, %slice3A_214, %slice3A_215, %slice3A_216, %slice3A_217, %slice3A_218, %slice3A_219, %slice3A_220 in 1 : vector<256x64xf32>, vector<256x64xf32>, vector<256x64xf32>, vector<256x64xf32>, vector<256x64xf32>, vector<256x64xf32>, vector<256x64xf32>, vector<256x64xf32> -> vector<256x512xf32>
    %swap3A = arith.constant 0 : index
    %swap3A_222 = arith.constant 0 : index
    %swap3A_223 = vector.load %arg8[%swap3A, %swap3A_222] : memref<256x512xf32, #tpu.memory_space<vmem>>, vector<256x512xf32>
    tpu.vector_store %arg8[%swap3A, %swap3A_222], %concatenate3A_221 {strides = array<i32>} : memref<256x512xf32, #tpu.memory_space<vmem>>, vector<256x512xf32>,
    %mul3A_224 = arith.constant 256 : i32
    %mul3A_225 = arith.muli %arg0, %mul3A_224 : i32
    %iota3A = tpu.iota {dimensions = array<i32: 0>} : vector<256x1xi32>
    %add3A_226 = vector.broadcast %mul3A_225 : i32 to vector<256x1xi32>
    %add3A_227 = arith.addi %add3A_226, %iota3A : vector<256x1xi32>
    %lt3A = arith.constant 6250 : i32
    %lt3A_228 = vector.broadcast %lt3A : i32 to vector<256x1xi32>
    %lt3A_229 = arith.cmpi slt, %add3A_227, %lt3A_228 : vector<256x1xi32>
    %jit3A = arith.constant 0.000000e+00 : f32
    %broadcast_in_dim3A = vector.shape_cast %lt3A_229 : vector<256x1xi1> to vector<256x1xi1>
    %broadcast_in_dim3A_230 = vector.broadcast %broadcast_in_dim3A : vector<256x1xi1> to vector<256x512xi1>
    %broadcast_in_dim3A_231 = vector.broadcast %jit3A : f32 to vector<256x512xf32>
    %select_n3A = arith.select %broadcast_in_dim3A_230, %concatenate3A_221, %broadcast_in_dim3A_231 : vector<256x512xi1>, vector<256x512xf32>
    %reduce_sum3A = arith.constant dense<0.000000e+00> : vector<512xf32>
    %reduce_sum3A_232 = vector.multi_reduction <add>, %select_n3A, %reduce_sum3A [0] : vector<256x512xf32> to vector<512xf32>
    %broadcast_in_dim3A_233 = vector.shape_cast %reduce_sum3A_232 : vector<512xf32> to vector<1x512xf32>
    %mul3A_234 = arith.mulf %select_n3A, %select_n3A : vector<256x512xf32>
    %reduce_sum3A_235 = arith.constant dense<0.000000e+00> : vector<512xf32>
    %reduce_sum3A_236 = vector.multi_reduction <add>, %mul3A_234, %reduce_sum3A_235 [0] : vector<256x512xf32> to vector<512xf32>
    %broadcast_in_dim3A_237 = vector.shape_cast %reduce_sum3A_236 : vector<512xf32> to vector<1x512xf32>
    %concatenate3A_238 = tpu.concatenate %broadcast_in_dim3A_233, %broadcast_in_dim3A_237 in 0 : vector<1x512xf32>, vector<1x512xf32> -> vector<2x512xf32>
    %eq3A = arith.constant 0 : i32
    %eq3A_239 = arith.cmpi eq, %arg0, %eq3A : i32
    %convert_element_type3A = arith.extui %eq3A_239 : i1 to i32
    %cond3A = arith.constant 0 : i32
    %cond3A_240 = arith.cmpi ne, %convert_element_type3A, %cond3A : i32
    scf.if %cond3A_240 {
      %swap3A_245 = arith.constant 0 : index
      %swap3A_246 = arith.constant 0 : index
      %swap3A_247 = vector.load %arg9[%swap3A_245, %swap3A_246] : memref<2x512xf32, #tpu.memory_space<vmem>>, vector<2x512xf32>
      tpu.vector_store %arg9[%swap3A_245, %swap3A_246], %concatenate3A_238 {strides = array<i32>} : memref<2x512xf32, #tpu.memory_space<vmem>>, vector<2x512xf32>,
    } else {
    }
    %gt3A = arith.constant 0 : i32
    %gt3A_241 = arith.cmpi sgt, %arg0, %gt3A : i32
    %convert_element_type3A_242 = arith.extui %gt3A_241 : i1 to i32
    %cond3A_243 = arith.constant 0 : i32
    %cond3A_244 = arith.cmpi ne, %convert_element_type3A_242, %cond3A_243 : i32
    scf.if %cond3A_244 {
      %get3A_245 = arith.constant 0 : index
      %get3A_246 = arith.constant 0 : index
      %get3A_247 = vector.load %arg9[%get3A_245, %get3A_246] : memref<2x512xf32, #tpu.memory_space<vmem>>, vector<2x512xf32>
      %add3A_248 = arith.addf %get3A_247, %concatenate3A_238 : vector<2x512xf32>
      %swap3A_249 = arith.constant 0 : index
      %swap3A_250 = arith.constant 0 : index
      %swap3A_251 = vector.load %arg9[%swap3A_249, %swap3A_250] : memref<2x512xf32, #tpu.memory_space<vmem>>, vector<2x512xf32>
      tpu.vector_store %arg9[%swap3A_249, %swap3A_250], %add3A_248 {strides = array<i32>} : memref<2x512xf32, #tpu.memory_space<vmem>>, vector<2x512xf32>,
    } else {
    }
    return
  }
  func.func @transform_0(%arg0: i32) -> (i32, i32, i32) {
    %c0_i32 = arith.constant 0 : i32
    %c0_i32_0 = arith.constant 0 : i32
    %c0_i32_1 = arith.constant 0 : i32
    return %c0_i32, %arg0, %c0_i32_0 : i32, i32, i32
  }
  func.func @transform_1(%arg0: i32) -> (i32, i32, i32) {
    %c0_i32 = arith.constant 0 : i32
    %c0_i32_0 = arith.constant 0 : i32
    %c0_i32_1 = arith.constant 0 : i32
    return %c0_i32, %arg0, %c0_i32_0 : i32, i32, i32
  }
  func.func @transform_2(%arg0: i32) -> (i32, i32) {
    %c0_i32 = arith.constant 0 : i32
    %c0_i32_0 = arith.constant 0 : i32
    return %arg0, %c0_i32 : i32, i32
  }
  func.func @transform_3(%arg0: i32) -> (i32, i32) {
    %c0_i32 = arith.constant 0 : i32
    %c0_i32_0 = arith.constant 0 : i32
    return %arg0, %c0_i32 : i32, i32
  }
  func.func @transform_4(%arg0: i32) -> (i32, i32) {
    %c0_i32 = arith.constant 0 : i32
    %c0_i32_0 = arith.constant 0 : i32
    return %arg0, %c0_i32 : i32, i32
  }
  func.func @transform_5(%arg0: i32) -> (i32, i32) {
    %c0_i32 = arith.constant 0 : i32
    %c0_i32_0 = arith.constant 0 : i32
    %c0_i32_1 = arith.constant 0 : i32
    return %c0_i32, %c0_i32_0 : i32, i32
  }
  func.func @transform_6(%arg0: i32) -> (i32, i32) {
    %c0_i32 = arith.constant 0 : i32
    %c0_i32_0 = arith.constant 0 : i32
    %c0_i32_1 = arith.constant 0 : i32
    return %c0_i32, %c0_i32_0 : i32, i32
  }
  func.func @transform_7(%arg0: i32) -> (i32, i32) {
    %c0_i32 = arith.constant 0 : i32
    %c0_i32_0 = arith.constant 0 : i32
    return %arg0, %c0_i32 : i32, i32
  }
  func.func @transform_8(%arg0: i32) -> (i32, i32) {
    %c0_i32 = arith.constant 0 : i32
    %c0_i32_0 = arith.constant 0 : i32
    %c0_i32_1 = arith.constant 0 : i32
    return %c0_i32, %c0_i32_0 : i32, i32
  }
}

module attributes {stable_mosaic.version = 14 : i64} {
  func.func @_pool_head_folded_body(%arg0: i32, %arg1: memref<256x512xf32, #tpu.memory_space<vmem>>, %arg2: memref<1x512xf32, #tpu.memory_space<vmem>>, %arg3: memref<1x512xf32, #tpu.memory_space<vmem>>, %arg4: memref<1x8x256xi32, #tpu.memory_space<vmem>>, %arg5: memref<512x1xf32, #tpu.memory_space<vmem>>, %arg6: memref<64x2xf32, #tpu.memory_space<vmem>>, %arg7: memref<1x2xf32, #tpu.memory_space<vmem>>, %arg8: memref<512x2xf32, #tpu.memory_space<vmem>>, %arg9: memref<512x64xf32, #tpu.memory_space<vmem>>) attributes {dimension_semantics = [#tpu.dimension_semantics<arbitrary>], iteration_bounds = array<i64: 25>, scalar_prefetch = 0 : i64, scratch_operands = 1 : i64, tpu.core_type = #tpu.core_type<tc>, window_params = [{transform_indices = @transform_0, window_bounds = array<i64: 256, 512>}, {pipeline_mode = #tpu.pipeline_mode<synchronous>, transform_indices = @transform_1, window_bounds = array<i64: 1, 512>}, {pipeline_mode = #tpu.pipeline_mode<synchronous>, transform_indices = @transform_2, window_bounds = array<i64: 1, 512>}, {transform_indices = @transform_3, window_bounds = array<i64: 1, 8, 256>}, {pipeline_mode = #tpu.pipeline_mode<synchronous>, transform_indices = @transform_4, window_bounds = array<i64: 512, 1>}, {pipeline_mode = #tpu.pipeline_mode<synchronous>, transform_indices = @transform_5, window_bounds = array<i64: 64, 2>}, {pipeline_mode = #tpu.pipeline_mode<synchronous>, transform_indices = @transform_6, window_bounds = array<i64: 1, 2>}, {pipeline_mode = #tpu.pipeline_mode<synchronous>, transform_indices = @transform_7, window_bounds = array<i64: 512, 2>}]} {
    %get3A = arith.constant 0 : index
    %get3A_0 = arith.constant 0 : index
    %get3A_1 = vector.load %arg1[%get3A, %get3A_0] : memref<256x512xf32, #tpu.memory_space<vmem>>, vector<256x512xf32>
    %get3A_2 = arith.constant 0 : index
    %get3A_3 = arith.constant 0 : index
    %get3A_4 = vector.load %arg2[%get3A_2, %get3A_3] : memref<1x512xf32, #tpu.memory_space<vmem>>, vector<1x512xf32>
    %mul3A = vector.broadcast %get3A_4 : vector<1x512xf32> to vector<256x512xf32>
    %mul3A_5 = arith.mulf %get3A_1, %mul3A : vector<256x512xf32>
    %get3A_6 = arith.constant 0 : index
    %get3A_7 = arith.constant 0 : index
    %get3A_8 = vector.load %arg3[%get3A_6, %get3A_7] : memref<1x512xf32, #tpu.memory_space<vmem>>, vector<1x512xf32>
    %add3A = vector.broadcast %get3A_8 : vector<1x512xf32> to vector<256x512xf32>
    %add3A_9 = arith.addf %mul3A_5, %add3A : vector<256x512xf32>
    %max3A = arith.constant 0.000000e+00 : f32
    %max3A_10 = vector.broadcast %max3A : f32 to vector<256x512xf32>
    %max3A_11 = arith.maximumf %add3A_9, %max3A_10 : vector<256x512xf32>
    %broadcast_in_dim3A = arith.constant 0.000000e+00 : f32
    %broadcast_in_dim3A_12 = vector.broadcast %broadcast_in_dim3A : f32 to vector<512x64xf32>
    %iota3A = tpu.iota {dimensions = array<i32: 0>} : vector<512x256xi32>
    %get3A_13 = arith.constant 0 : index
    %get3A_14 = arith.constant 0 : index
    %get3A_15 = arith.constant 0 : index
    %get3A_16 = vector.load %arg4[%get3A_13, %get3A_14, %get3A_15] : memref<1x8x256xi32, #tpu.memory_space<vmem>>, vector<1x1x256xi32>
    %get3A_17 = vector.shape_cast %get3A_16 : vector<1x1x256xi32> to vector<1x256xi32>
    %eq3A = vector.broadcast %get3A_17 : vector<1x256xi32> to vector<512x256xi32>
    %eq3A_18 = arith.cmpi eq, %iota3A, %eq3A : vector<512x256xi32>
    %jit3A = arith.constant 1.000000e+00 : f32
    %jit3A_19 = arith.constant 0.000000e+00 : f32
    %broadcast_in_dim3A_20 = vector.broadcast %jit3A : f32 to vector<512x256xf32>
    %broadcast_in_dim3A_21 = vector.broadcast %jit3A_19 : f32 to vector<512x256xf32>
    %select_n3A = arith.select %eq3A_18, %broadcast_in_dim3A_20, %broadcast_in_dim3A_21 : vector<512x256xi1>, vector<512x256xf32>
    %slice3A = vector.extract_strided_slice %max3A_11 {offsets = [0, 0], sizes = [256, 64], strides = [1, 1]} : vector<256x512xf32> to vector<256x64xf32>
    %dot_general3A = arith.constant dense<0.000000e+00> : vector<512x64xf32>
    %dot_general3A_22 = tpu.matmul %select_n3A, %slice3A, %dot_general3A {dimension_numbers = #tpu.dot_dimension_numbers<[1], [0], [0], [1], [0, 0, 1, 1], [], []>, transpose_lhs_hint = false} : vector<512x256xf32>, vector<256x64xf32>, vector<512x64xf32> -> vector<512x64xf32>
    %add3A_23 = arith.addf %broadcast_in_dim3A_12, %dot_general3A_22 : vector<512x64xf32>
    %get3A_24 = arith.constant 0 : index
    %get3A_25 = arith.constant 1 : index
    %get3A_26 = arith.constant 0 : index
    %get3A_27 = vector.load %arg4[%get3A_24, %get3A_25, %get3A_26] : memref<1x8x256xi32, #tpu.memory_space<vmem>>, vector<1x1x256xi32>
    %get3A_28 = vector.shape_cast %get3A_27 : vector<1x1x256xi32> to vector<1x256xi32>
    %eq3A_29 = vector.broadcast %get3A_28 : vector<1x256xi32> to vector<512x256xi32>
    %eq3A_30 = arith.cmpi eq, %iota3A, %eq3A_29 : vector<512x256xi32>
    %jit3A_31 = arith.constant 1.000000e+00 : f32
    %jit3A_32 = arith.constant 0.000000e+00 : f32
    %broadcast_in_dim3A_33 = vector.broadcast %jit3A_31 : f32 to vector<512x256xf32>
    %broadcast_in_dim3A_34 = vector.broadcast %jit3A_32 : f32 to vector<512x256xf32>
    %select_n3A_35 = arith.select %eq3A_30, %broadcast_in_dim3A_33, %broadcast_in_dim3A_34 : vector<512x256xi1>, vector<512x256xf32>
    %slice3A_36 = vector.extract_strided_slice %max3A_11 {offsets = [0, 64], sizes = [256, 64], strides = [1, 1]} : vector<256x512xf32> to vector<256x64xf32>
    %dot_general3A_37 = arith.constant dense<0.000000e+00> : vector<512x64xf32>
    %dot_general3A_38 = tpu.matmul %select_n3A_35, %slice3A_36, %dot_general3A_37 {dimension_numbers = #tpu.dot_dimension_numbers<[1], [0], [0], [1], [0, 0, 1, 1], [], []>, transpose_lhs_hint = false} : vector<512x256xf32>, vector<256x64xf32>, vector<512x64xf32> -> vector<512x64xf32>
    %add3A_39 = arith.addf %add3A_23, %dot_general3A_38 : vector<512x64xf32>
    %get3A_40 = arith.constant 0 : index
    %get3A_41 = arith.constant 2 : index
    %get3A_42 = arith.constant 0 : index
    %get3A_43 = vector.load %arg4[%get3A_40, %get3A_41, %get3A_42] : memref<1x8x256xi32, #tpu.memory_space<vmem>>, vector<1x1x256xi32>
    %get3A_44 = vector.shape_cast %get3A_43 : vector<1x1x256xi32> to vector<1x256xi32>
    %eq3A_45 = vector.broadcast %get3A_44 : vector<1x256xi32> to vector<512x256xi32>
    %eq3A_46 = arith.cmpi eq, %iota3A, %eq3A_45 : vector<512x256xi32>
    %jit3A_47 = arith.constant 1.000000e+00 : f32
    %jit3A_48 = arith.constant 0.000000e+00 : f32
    %broadcast_in_dim3A_49 = vector.broadcast %jit3A_47 : f32 to vector<512x256xf32>
    %broadcast_in_dim3A_50 = vector.broadcast %jit3A_48 : f32 to vector<512x256xf32>
    %select_n3A_51 = arith.select %eq3A_46, %broadcast_in_dim3A_49, %broadcast_in_dim3A_50 : vector<512x256xi1>, vector<512x256xf32>
    %slice3A_52 = vector.extract_strided_slice %max3A_11 {offsets = [0, 128], sizes = [256, 64], strides = [1, 1]} : vector<256x512xf32> to vector<256x64xf32>
    %dot_general3A_53 = arith.constant dense<0.000000e+00> : vector<512x64xf32>
    %dot_general3A_54 = tpu.matmul %select_n3A_51, %slice3A_52, %dot_general3A_53 {dimension_numbers = #tpu.dot_dimension_numbers<[1], [0], [0], [1], [0, 0, 1, 1], [], []>, transpose_lhs_hint = false} : vector<512x256xf32>, vector<256x64xf32>, vector<512x64xf32> -> vector<512x64xf32>
    %add3A_55 = arith.addf %add3A_39, %dot_general3A_54 : vector<512x64xf32>
    %get3A_56 = arith.constant 0 : index
    %get3A_57 = arith.constant 3 : index
    %get3A_58 = arith.constant 0 : index
    %get3A_59 = vector.load %arg4[%get3A_56, %get3A_57, %get3A_58] : memref<1x8x256xi32, #tpu.memory_space<vmem>>, vector<1x1x256xi32>
    %get3A_60 = vector.shape_cast %get3A_59 : vector<1x1x256xi32> to vector<1x256xi32>
    %eq3A_61 = vector.broadcast %get3A_60 : vector<1x256xi32> to vector<512x256xi32>
    %eq3A_62 = arith.cmpi eq, %iota3A, %eq3A_61 : vector<512x256xi32>
    %jit3A_63 = arith.constant 1.000000e+00 : f32
    %jit3A_64 = arith.constant 0.000000e+00 : f32
    %broadcast_in_dim3A_65 = vector.broadcast %jit3A_63 : f32 to vector<512x256xf32>
    %broadcast_in_dim3A_66 = vector.broadcast %jit3A_64 : f32 to vector<512x256xf32>
    %select_n3A_67 = arith.select %eq3A_62, %broadcast_in_dim3A_65, %broadcast_in_dim3A_66 : vector<512x256xi1>, vector<512x256xf32>
    %slice3A_68 = vector.extract_strided_slice %max3A_11 {offsets = [0, 192], sizes = [256, 64], strides = [1, 1]} : vector<256x512xf32> to vector<256x64xf32>
    %dot_general3A_69 = arith.constant dense<0.000000e+00> : vector<512x64xf32>
    %dot_general3A_70 = tpu.matmul %select_n3A_67, %slice3A_68, %dot_general3A_69 {dimension_numbers = #tpu.dot_dimension_numbers<[1], [0], [0], [1], [0, 0, 1, 1], [], []>, transpose_lhs_hint = false} : vector<512x256xf32>, vector<256x64xf32>, vector<512x64xf32> -> vector<512x64xf32>
    %add3A_71 = arith.addf %add3A_55, %dot_general3A_70 : vector<512x64xf32>
    %get3A_72 = arith.constant 0 : index
    %get3A_73 = arith.constant 4 : index
    %get3A_74 = arith.constant 0 : index
    %get3A_75 = vector.load %arg4[%get3A_72, %get3A_73, %get3A_74] : memref<1x8x256xi32, #tpu.memory_space<vmem>>, vector<1x1x256xi32>
    %get3A_76 = vector.shape_cast %get3A_75 : vector<1x1x256xi32> to vector<1x256xi32>
    %eq3A_77 = vector.broadcast %get3A_76 : vector<1x256xi32> to vector<512x256xi32>
    %eq3A_78 = arith.cmpi eq, %iota3A, %eq3A_77 : vector<512x256xi32>
    %jit3A_79 = arith.constant 1.000000e+00 : f32
    %jit3A_80 = arith.constant 0.000000e+00 : f32
    %broadcast_in_dim3A_81 = vector.broadcast %jit3A_79 : f32 to vector<512x256xf32>
    %broadcast_in_dim3A_82 = vector.broadcast %jit3A_80 : f32 to vector<512x256xf32>
    %select_n3A_83 = arith.select %eq3A_78, %broadcast_in_dim3A_81, %broadcast_in_dim3A_82 : vector<512x256xi1>, vector<512x256xf32>
    %slice3A_84 = vector.extract_strided_slice %max3A_11 {offsets = [0, 256], sizes = [256, 64], strides = [1, 1]} : vector<256x512xf32> to vector<256x64xf32>
    %dot_general3A_85 = arith.constant dense<0.000000e+00> : vector<512x64xf32>
    %dot_general3A_86 = tpu.matmul %select_n3A_83, %slice3A_84, %dot_general3A_85 {dimension_numbers = #tpu.dot_dimension_numbers<[1], [0], [0], [1], [0, 0, 1, 1], [], []>, transpose_lhs_hint = false} : vector<512x256xf32>, vector<256x64xf32>, vector<512x64xf32> -> vector<512x64xf32>
    %add3A_87 = arith.addf %add3A_71, %dot_general3A_86 : vector<512x64xf32>
    %get3A_88 = arith.constant 0 : index
    %get3A_89 = arith.constant 5 : index
    %get3A_90 = arith.constant 0 : index
    %get3A_91 = vector.load %arg4[%get3A_88, %get3A_89, %get3A_90] : memref<1x8x256xi32, #tpu.memory_space<vmem>>, vector<1x1x256xi32>
    %get3A_92 = vector.shape_cast %get3A_91 : vector<1x1x256xi32> to vector<1x256xi32>
    %eq3A_93 = vector.broadcast %get3A_92 : vector<1x256xi32> to vector<512x256xi32>
    %eq3A_94 = arith.cmpi eq, %iota3A, %eq3A_93 : vector<512x256xi32>
    %jit3A_95 = arith.constant 1.000000e+00 : f32
    %jit3A_96 = arith.constant 0.000000e+00 : f32
    %broadcast_in_dim3A_97 = vector.broadcast %jit3A_95 : f32 to vector<512x256xf32>
    %broadcast_in_dim3A_98 = vector.broadcast %jit3A_96 : f32 to vector<512x256xf32>
    %select_n3A_99 = arith.select %eq3A_94, %broadcast_in_dim3A_97, %broadcast_in_dim3A_98 : vector<512x256xi1>, vector<512x256xf32>
    %slice3A_100 = vector.extract_strided_slice %max3A_11 {offsets = [0, 320], sizes = [256, 64], strides = [1, 1]} : vector<256x512xf32> to vector<256x64xf32>
    %dot_general3A_101 = arith.constant dense<0.000000e+00> : vector<512x64xf32>
    %dot_general3A_102 = tpu.matmul %select_n3A_99, %slice3A_100, %dot_general3A_101 {dimension_numbers = #tpu.dot_dimension_numbers<[1], [0], [0], [1], [0, 0, 1, 1], [], []>, transpose_lhs_hint = false} : vector<512x256xf32>, vector<256x64xf32>, vector<512x64xf32> -> vector<512x64xf32>
    %add3A_103 = arith.addf %add3A_87, %dot_general3A_102 : vector<512x64xf32>
    %get3A_104 = arith.constant 0 : index
    %get3A_105 = arith.constant 6 : index
    %get3A_106 = arith.constant 0 : index
    %get3A_107 = vector.load %arg4[%get3A_104, %get3A_105, %get3A_106] : memref<1x8x256xi32, #tpu.memory_space<vmem>>, vector<1x1x256xi32>
    %get3A_108 = vector.shape_cast %get3A_107 : vector<1x1x256xi32> to vector<1x256xi32>
    %eq3A_109 = vector.broadcast %get3A_108 : vector<1x256xi32> to vector<512x256xi32>
    %eq3A_110 = arith.cmpi eq, %iota3A, %eq3A_109 : vector<512x256xi32>
    %jit3A_111 = arith.constant 1.000000e+00 : f32
    %jit3A_112 = arith.constant 0.000000e+00 : f32
    %broadcast_in_dim3A_113 = vector.broadcast %jit3A_111 : f32 to vector<512x256xf32>
    %broadcast_in_dim3A_114 = vector.broadcast %jit3A_112 : f32 to vector<512x256xf32>
    %select_n3A_115 = arith.select %eq3A_110, %broadcast_in_dim3A_113, %broadcast_in_dim3A_114 : vector<512x256xi1>, vector<512x256xf32>
    %slice3A_116 = vector.extract_strided_slice %max3A_11 {offsets = [0, 384], sizes = [256, 64], strides = [1, 1]} : vector<256x512xf32> to vector<256x64xf32>
    %dot_general3A_117 = arith.constant dense<0.000000e+00> : vector<512x64xf32>
    %dot_general3A_118 = tpu.matmul %select_n3A_115, %slice3A_116, %dot_general3A_117 {dimension_numbers = #tpu.dot_dimension_numbers<[1], [0], [0], [1], [0, 0, 1, 1], [], []>, transpose_lhs_hint = false} : vector<512x256xf32>, vector<256x64xf32>, vector<512x64xf32> -> vector<512x64xf32>
    %add3A_119 = arith.addf %add3A_103, %dot_general3A_118 : vector<512x64xf32>
    %get3A_120 = arith.constant 0 : index
    %get3A_121 = arith.constant 7 : index
    %get3A_122 = arith.constant 0 : index
    %get3A_123 = vector.load %arg4[%get3A_120, %get3A_121, %get3A_122] : memref<1x8x256xi32, #tpu.memory_space<vmem>>, vector<1x1x256xi32>
    %get3A_124 = vector.shape_cast %get3A_123 : vector<1x1x256xi32> to vector<1x256xi32>
    %eq3A_125 = vector.broadcast %get3A_124 : vector<1x256xi32> to vector<512x256xi32>
    %eq3A_126 = arith.cmpi eq, %iota3A, %eq3A_125 : vector<512x256xi32>
    %jit3A_127 = arith.constant 1.000000e+00 : f32
    %jit3A_128 = arith.constant 0.000000e+00 : f32
    %broadcast_in_dim3A_129 = vector.broadcast %jit3A_127 : f32 to vector<512x256xf32>
    %broadcast_in_dim3A_130 = vector.broadcast %jit3A_128 : f32 to vector<512x256xf32>
    %select_n3A_131 = arith.select %eq3A_126, %broadcast_in_dim3A_129, %broadcast_in_dim3A_130 : vector<512x256xi1>, vector<512x256xf32>
    %slice3A_132 = vector.extract_strided_slice %max3A_11 {offsets = [0, 448], sizes = [256, 64], strides = [1, 1]} : vector<256x512xf32> to vector<256x64xf32>
    %dot_general3A_133 = arith.constant dense<0.000000e+00> : vector<512x64xf32>
    %dot_general3A_134 = tpu.matmul %select_n3A_131, %slice3A_132, %dot_general3A_133 {dimension_numbers = #tpu.dot_dimension_numbers<[1], [0], [0], [1], [0, 0, 1, 1], [], []>, transpose_lhs_hint = false} : vector<512x256xf32>, vector<256x64xf32>, vector<512x64xf32> -> vector<512x64xf32>
    %add3A_135 = arith.addf %add3A_119, %dot_general3A_134 : vector<512x64xf32>
    %eq3A_136 = arith.constant 0 : i32
    %eq3A_137 = arith.cmpi eq, %arg0, %eq3A_136 : i32
    %convert_element_type3A = arith.extui %eq3A_137 : i1 to i32
    %cond3A = arith.constant 0 : i32
    %cond3A_138 = arith.cmpi ne, %convert_element_type3A, %cond3A : i32
    scf.if %cond3A_138 {
      %swap3A = arith.constant 0 : index
      %swap3A_148 = arith.constant 0 : index
      %swap3A_149 = vector.load %arg9[%swap3A, %swap3A_148] : memref<512x64xf32, #tpu.memory_space<vmem>>, vector<512x64xf32>
      tpu.vector_store %arg9[%swap3A, %swap3A_148], %add3A_135 {strides = array<i32>} : memref<512x64xf32, #tpu.memory_space<vmem>>, vector<512x64xf32>,
    } else {
    }
    %gt3A = arith.constant 0 : i32
    %gt3A_139 = arith.cmpi sgt, %arg0, %gt3A : i32
    %convert_element_type3A_140 = arith.extui %gt3A_139 : i1 to i32
    %cond3A_141 = arith.constant 0 : i32
    %cond3A_142 = arith.cmpi ne, %convert_element_type3A_140, %cond3A_141 : i32
    scf.if %cond3A_142 {
      %get3A_148 = arith.constant 0 : index
      %get3A_149 = arith.constant 0 : index
      %get3A_150 = vector.load %arg9[%get3A_148, %get3A_149] : memref<512x64xf32, #tpu.memory_space<vmem>>, vector<512x64xf32>
      %add3A_151 = arith.addf %get3A_150, %add3A_135 : vector<512x64xf32>
      %swap3A = arith.constant 0 : index
      %swap3A_152 = arith.constant 0 : index
      %swap3A_153 = vector.load %arg9[%swap3A, %swap3A_152] : memref<512x64xf32, #tpu.memory_space<vmem>>, vector<512x64xf32>
      tpu.vector_store %arg9[%swap3A, %swap3A_152], %add3A_151 {strides = array<i32>} : memref<512x64xf32, #tpu.memory_space<vmem>>, vector<512x64xf32>,
    } else {
    }
    %eq3A_143 = arith.constant 24 : i32
    %eq3A_144 = arith.cmpi eq, %arg0, %eq3A_143 : i32
    %convert_element_type3A_145 = arith.extui %eq3A_144 : i1 to i32
    %cond3A_146 = arith.constant 0 : i32
    %cond3A_147 = arith.cmpi ne, %convert_element_type3A_145, %cond3A_146 : i32
    scf.if %cond3A_147 {
      %get3A_148 = arith.constant 0 : index
      %get3A_149 = arith.constant 0 : index
      %get3A_150 = vector.load %arg9[%get3A_148, %get3A_149] : memref<512x64xf32, #tpu.memory_space<vmem>>, vector<512x64xf32>
      %get3A_151 = arith.constant 0 : index
      %get3A_152 = arith.constant 0 : index
      %get3A_153 = vector.load %arg5[%get3A_151, %get3A_152] : memref<512x1xf32, #tpu.memory_space<vmem>>, vector<512x1xf32>
      %max3A_154 = arith.constant 1.000000e+00 : f32
      %max3A_155 = vector.broadcast %max3A_154 : f32 to vector<512x1xf32>
      %max3A_156 = arith.maximumf %get3A_153, %max3A_155 : vector<512x1xf32>
      %div3A = vector.broadcast %max3A_156 : vector<512x1xf32> to vector<512x64xf32>
      %div3A_157 = arith.divf %get3A_150, %div3A : vector<512x64xf32>
      %get3A_158 = arith.constant 0 : index
      %get3A_159 = arith.constant 0 : index
      %get3A_160 = vector.load %arg6[%get3A_158, %get3A_159] : memref<64x2xf32, #tpu.memory_space<vmem>>, vector<64x2xf32>
      %dot_general3A_161 = arith.constant dense<0.000000e+00> : vector<512x2xf32>
      %dot_general3A_162 = tpu.matmul %div3A_157, %get3A_160, %dot_general3A_161 {dimension_numbers = #tpu.dot_dimension_numbers<[1], [0], [0], [1], [0, 0, 1, 1], [], []>, transpose_lhs_hint = false} : vector<512x64xf32>, vector<64x2xf32>, vector<512x2xf32> -> vector<512x2xf32>
      %get3A_163 = arith.constant 0 : index
      %get3A_164 = arith.constant 0 : index
      %get3A_165 = vector.load %arg7[%get3A_163, %get3A_164] : memref<1x2xf32, #tpu.memory_space<vmem>>, vector<1x2xf32>
      %add3A_166 = vector.broadcast %get3A_165 : vector<1x2xf32> to vector<512x2xf32>
      %add3A_167 = arith.addf %dot_general3A_162, %add3A_166 : vector<512x2xf32>
      %swap3A = arith.constant 0 : index
      %swap3A_168 = arith.constant 0 : index
      %swap3A_169 = vector.load %arg8[%swap3A, %swap3A_168] : memref<512x2xf32, #tpu.memory_space<vmem>>, vector<512x2xf32>
      tpu.vector_store %arg8[%swap3A, %swap3A_168], %add3A_167 {strides = array<i32>} : memref<512x2xf32, #tpu.memory_space<vmem>>, vector<512x2xf32>,
    } else {
    }
    return
  }
  func.func @transform_0(%arg0: i32) -> (i32, i32) {
    %c0_i32 = arith.constant 0 : i32
    %c0_i32_0 = arith.constant 0 : i32
    return %arg0, %c0_i32 : i32, i32
  }
  func.func @transform_1(%arg0: i32) -> (i32, i32) {
    %c0_i32 = arith.constant 0 : i32
    %c0_i32_0 = arith.constant 0 : i32
    %c0_i32_1 = arith.constant 0 : i32
    return %c0_i32, %c0_i32_0 : i32, i32
  }
  func.func @transform_2(%arg0: i32) -> (i32, i32) {
    %c0_i32 = arith.constant 0 : i32
    %c0_i32_0 = arith.constant 0 : i32
    %c0_i32_1 = arith.constant 0 : i32
    return %c0_i32, %c0_i32_0 : i32, i32
  }
  func.func @transform_3(%arg0: i32) -> (i32, i32, i32) {
    %c0_i32 = arith.constant 0 : i32
    %c0_i32_0 = arith.constant 0 : i32
    %c0_i32_1 = arith.constant 0 : i32
    return %arg0, %c0_i32, %c0_i32_0 : i32, i32, i32
  }
  func.func @transform_4(%arg0: i32) -> (i32, i32) {
    %c0_i32 = arith.constant 0 : i32
    %c0_i32_0 = arith.constant 0 : i32
    %c0_i32_1 = arith.constant 0 : i32
    return %c0_i32, %c0_i32_0 : i32, i32
  }
  func.func @transform_5(%arg0: i32) -> (i32, i32) {
    %c0_i32 = arith.constant 0 : i32
    %c0_i32_0 = arith.constant 0 : i32
    %c0_i32_1 = arith.constant 0 : i32
    return %c0_i32, %c0_i32_0 : i32, i32
  }
  func.func @transform_6(%arg0: i32) -> (i32, i32) {
    %c0_i32 = arith.constant 0 : i32
    %c0_i32_0 = arith.constant 0 : i32
    %c0_i32_1 = arith.constant 0 : i32
    return %c0_i32, %c0_i32_0 : i32, i32
  }
  func.func @transform_7(%arg0: i32) -> (i32, i32) {
    %c0_i32 = arith.constant 0 : i32
    %c0_i32_0 = arith.constant 0 : i32
    %c0_i32_1 = arith.constant 0 : i32
    return %c0_i32, %c0_i32_0 : i32, i32
  }
}

</mosaic_0001>

<sc_bundles>
// kernel: kernel.11.cloned.1.call-start
scs
__scs_entry_jumppad:
0x0: {  	(pc) =	sbr.rel $0x88, $3  }
0x1: {  	(tag) =	ssettag $0x0;
	lr =	simm.s32 $0x1  }
0x2: {  	[smem:$0x3F8D] =	sst lr;
	_ =	strace $0xD0000000  }
0x3: {  	_ = 	snop  }
0x4: {  	_ = 	snop  }
0x5: {  	_ = 	snop  }
0x6: {  	_ = 	snop  }
0x7: {  	_ = 	snop  }
__scs_overlays_trampoline_lowered:
0x8: {  	[smem:$0x3F9C] =	sst s0  }
0x9: {  	[smem:$0x3F9D] =	sst s1  }
0xa: {  	[smem:$0x3F9E] =	sst s2  }
0xb: {  	[smem:$0x3F9F] =	sst s3  }
0xc: {  	[smem:$0x3FA0] =	sst s4  }
0xd: {  	[smem:$0x3FA1] =	sst s5  }
0xe: {  	[smem:$0x3FA2] =	sst s6  }
0xf: {  	[smem:$0x3FA3] =	sst s7  }
0x10: {  	[smem:$0x3FA4] =	sst s8  }
0x11: {  	[smem:$0x3FA5] =	sst s9;
	s0 =	simm.s32 @!p0 $0x0  }
0x12: {  	s1 =	sld [smem:$0x3F8B];
	s0 =	simm.s32 @p0 $0x1  }
0x13: {  	[smem:$0x3FA6] =	sst s0;
	s0 =	simm.s32 @!p1 $0x0  }
0x14: {  	s2 =	sld [smem:$0x3F8A];
	s0 =	simm.s32 @p1 $0x1  }
0x15: {  	[smem:$0x3FA7] =	sst s0;
	s0 =	simm.s32 @!p2 $0x0  }
0x16: {  	s3 =	sld [smem:$0x3FDB];
	s0 =	simm.s32 @p2 $0x1  }
0x17: {  	s4 =	simm.s32 $0x1BF5;
	[smem:$0x3FA9] =	sst s0  }
0x18: {  	s0 =	sld [smem:$0x3F8C];
	_ =	swait.ge [sflag:s4], $0x0  }
0x19: {  	s7 =	sld [smem:$0x3F8D]  }
0x1a: {  	s8 =	sadd.s32 $0xFFFFE003, lr  }
0x1b: {  	s9 =	sadd.s32 $0xFFFFFEF7, lr;
	s5 =	simm.s32 $0xFFFFFFFF;
	p2 =	slt.u32 s8, $0xFFFFF086  }
0x1c: {  	p1 =	slt.u32 s9, $0xF7A;
	s5 =	simm.s32 @!p2 $0x0  }
0x1d: {  	s5 =	simm.s32 @p1 $0x1;
	p0 =	seq.s32 s7, s2  }
0x1e: {  	s7 =	smul.u32 @!p0 $0xF7A, s2;
	p2 =	seq.s32 @!p0 s5, $0x0  }
0x1f: {  	s9 =	smul.u32 $0xF7A, s1;
	s8 =	simm.s32 @!p0 $0x1BF5;
	p2 =	por !p2, p0  }
0x20: {  	[sflag:s8] =	ssyncset.s32 @!p0 $0xFFFFF086;
	s6 =	sadd.s32 @!p0 s3, s7;
	s7 =	simm.s32 @!p0 $0x108  }
0x21: {  	s3 =	sadd.s32 s3, s9;
	s6 =	sadd.s32 @!p0 $0x88, s6;
	s7 =	simm.s32 @p2 $0x1082  }
0x22: {  	[simem:s7], [sflag:s8] =	dma.local @!p0 [hbm:s6], $0xF7A  }
0x23: {  	s9 =	sor.u32 $0xD0000000, s2;
	s6 =	simm.s32 $0x108;
	_ =	swait.ge @!p0 [sflag:s8], $0x0  }
0x24: {  	s3 =	sadd.s32 $0x88, s3;
	s6 =	simm.s32 @!p1 $0x1082;
	[sflag:s4] =	ssyncset.s32 $0xFFFFF086  }
0x25: {  	[simem:s6], [sflag:s4] =	dma.local [hbm:s3], $0xF7A  }
0x26: {  	[smem:$0x3F8D] =	sst s1;
	(tag) =	ssettag s2;
	_ =	strace s9  }
0x27: {  	s1 =	sld [smem:$0x3F9D]  }
0x28: {  	s2 =	sld [smem:$0x3F9E]  }
0x29: {  	s4 =	sld [smem:$0x3FA0]  }
0x2a: {  	p0 =	seq.s32 s5, $0x0;
	s5 =	sld [smem:$0x3FA1]  }
0x2b: {  	s6 =	sld [smem:$0x3FA2]  }
0x2c: {  	s7 =	sld [smem:$0x3FA3]  }
0x2d: {  	s3 =	simm.s32 $0x108;
	s8 =	sld [smem:$0x3FA4]  }
0x2e: {  	s3 =	simm.s32 @!p0 $0x1082;
	s9 =	sld [smem:$0x3FA5]  }
0x2f: {  	lr =	sadd.s32 s0, s3;
	s0 =	sld [smem:$0x3F9C]  }
0x30: {  	s3 =	sld [smem:$0x3F9F]  }
0x31: {  	[smem:$0x3FA8] =	sst s10  }
0x32: {  	s10 =	sld [smem:$0x3FA6];
	_ =	sdelay $0x3  }
0x33: {  	p0 =	seq.s32 s10, $0x1;
	s10 =	sld [smem:$0x3FA8];
	_ =	sdelay $0x3  }
0x34: {  	[smem:$0x3FA8] =	sst s10  }
0x35: {  	s10 =	sld [smem:$0x3FA7];
	_ =	sdelay $0x3  }
0x36: {  	p1 =	seq.s32 s10, $0x1;
	s10 =	sld [smem:$0x3FA8];
	_ =	sdelay $0x3  }
0x37: {  	[smem:$0x3FA8] =	sst s10  }
0x38: {  	s10 =	sld [smem:$0x3FA9]  }
0x39: {  	_ = 	snop;
	(pc) =	sbr.ind lr, $3  }
0x3a: {  	_ = 	snop  }
0x3b: {  	_ = 	snop  }
0x3c: {  	p2 =	seq.s32 s10, $0x1;
	s10 =	sld [smem:$0x3FA8]  }
0x3d: {  	_ =	shalt  }
0x3e: {  	_ =	shalt  }
0x3f: {  	_ =	shalt  }
0x40: {  	_ =	shalt  }
0x41: {  	_ =	shalt  }
0x42: {  	_ =	shalt  }
0x43: {  	_ =	shalt  }
0x44: {  	_ =	shalt  }
0x45: {  	_ =	shalt  }
0x46: {  	_ =	shalt  }
0x47: {  	_ =	shalt  }
0x48: {  	_ =	shalt  }
0x49: {  	_ =	shalt  }
0x4a: {  	_ =	shalt  }
0x4b: {  	_ =	shalt  }
0x4c: {  	_ =	shalt  }
0x4d: {  	_ =	shalt  }
0x4e: {  	_ =	shalt  }
0x4f: {  	_ =	shalt  }
0x50: {  	_ =	shalt  }
0x51: {  	_ =	shalt  }
0x52: {  	_ =	shalt  }
0x53: {  	_ =	shalt  }
0x54: {  	_ =	shalt  }
0x55: {  	_ =	shalt  }
0x56: {  	_ =	shalt  }
0x57: {  	_ =	shalt  }
0x58: {  	_ =	shalt  }
0x59: {  	_ =	shalt  }
0x5a: {  	_ =	shalt  }
0x5b: {  	_ =	shalt  }
0x5c: {  	_ =	shalt  }
0x5d: {  	_ =	shalt  }
0x5e: {  	_ =	shalt  }
0x5f: {  	_ =	shalt  }
0x60: {  	_ =	shalt  }
0x61: {  	_ =	shalt  }
0x62: {  	_ =	shalt  }
0x63: {  	_ =	shalt  }
0x64: {  	_ =	shalt  }
0x65: {  	_ =	shalt  }
0x66: {  	_ =	shalt  }
0x67: {  	_ =	shalt  }
0x68: {  	_ =	shalt  }
0x69: {  	_ =	shalt  }
0x6a: {  	_ =	shalt  }
0x6b: {  	_ =	shalt  }
0x6c: {  	_ =	shalt  }
0x6d: {  	_ =	shalt  }
0x6e: {  	_ =	shalt  }
0x6f: {  	_ =	shalt  }
0x70: {  	_ =	shalt  }
0x71: {  	_ =	shalt  }
0x72: {  	_ =	shalt  }
0x73: {  	_ =	shalt  }
0x74: {  	_ =	shalt  }
0x75: {  	_ =	shalt  }
0x76: {  	_ =	shalt  }
0x77: {  	_ =	shalt  }
0x78: {  	_ =	shalt  }
0x79: {  	_ =	shalt  }
0x7a: {  	_ =	shalt  }
0x7b: {  	_ =	shalt  }
0x7c: {  	_ =	shalt  }
0x7d: {  	_ =	shalt  }
0x7e: {  	_ =	shalt  }
0x7f: {  	_ =	shalt  }
0x80: {  	_ =	shalt  }
0x81: {  	_ =	shalt  }
0x82: {  	_ =	shalt  }
0x83: {  	_ =	shalt  }
0x84: {  	_ =	shalt  }
0x85: {  	_ =	shalt  }
0x86: {  	_ =	shalt  }
0x87: {  	_ =	shalt  }
.Lfunc_end0:
.L_simem_size_0:
called_computation.1_lowered:
.L_overlay_start_0:
0x88: {  	s2 =	sld [smem:$0x3FD9]  }
0x89: {  	s3 =	sld [smem:$0x3FFE];
	_ =	sdelay $0x1  }
0x8a: {  	s1 =	srdreg.scid  }
0x8b: {  	s0 =	sand.u32 $0x1, s1  }
0x8c: {  	s16 =	sshll.u32 s0, $0xA;
	s2 =	sadd.s32 s3, s2  }
0x8d: {  	s2 =	sadd.s32 s2, s16  }
0x8e: {  	[smem:$0x3FB4] =	sst s2  }
0x8f: {  	_ = 	snop  }
0x90: {  	(tm) =	ssettm $0x1  }
0x91: {  	s17 =	sld [smem:$0x3FFB];
	_ =	sdelay $0x3  }
0x92: {  	_ =	strace s17  }
0x93: {  	s2 =	sld [smem:$0x3FFC];
	_ =	sdelay $0x3  }
0x94: {  	_ =	strace s2  }
0x95: {  	s2 =	sld [smem:$0x3FFD];
	_ =	sdelay $0x3  }
0x96: {  	_ =	strace s2  }
0x97: {  	_ =	strace $0x8FFFFFFF  }
0x98: {  	s18 =	sld [smem:$0x3FDB];
	_ =	sdelay $0x1  }
0x99: {  	s19 =	simm.s32 $_scs_section_size  }
0x9a: {  	s4 =	simm.s32 $_size__tile_overlayer_lowered;
	s5 =	simm.s32 $_tile_overlayer_lowered  }
0x9b: {  	s22 =	simm.s32 $0x1BFF;
	s21 =	sshll.u32 s5, $0x1;
	s2 =	sadd.s32 s19, s18  }
0x9c: {  	s6 =	simm.s32 $0x0;
	s20 =	sshll.u32 s4, $0x1;
	s4 =	sadd.s32 s21, s2  }
0x9d: {  	[timem:s6], [sflag:s22] =	dma.local [hbm:s4], s20  }
0x9e: {  	_ =	swait.ge [sflag:s22], s20  }
0x9f: {  	s3 =	ssub.s32 $0x0, s20;
	[sflag:s22] =	ssyncset.done $0x0  }
0xa0: {  	[sflag:s22] =	ssyncadd.s32 s3;
	_ =	sdelay $0x1  }
0xa1: {  	s23 =	simm.s32 $0x1B8B  }
0xa2: {  	_ =	swait.ge [sflag:s23], $0x1  }
0xa3: {  	[sflag:s23] =	ssyncset.done $0x0  }
0xa4: {  	s25 =	simm.s32 $0x1B8E;
	s24 =	sld [smem:$0x3FFE];
	[sflag:s23] =	ssyncadd.s32 $0xFFFFFFFF  }
0xa5: {  	s26 =	simm.s32 $execute0_lowered;
	[smem:$0x3FD2] =	sst s25  }
0xa6: {  	s4 =	sshll.u32 s26, $0x1;
	_ =	strace $0x80000049;
	[dreg:$0x1] =	wrdreg $0xFFFFFFFF  }
0xa7: {  	s28 =	simm.s32 $_size_execute0_lowered;
	s2 =	sadd.s32 s2, s4;
	[dreg:$0x0] =	wrdreg $0x0  }
0xa8: {  	s4 =	sshll.u32 s28, $0x1;
	[dreg:$0x2] =	wrdreg s2  }
0xa9: {  	[dreg:$0x3] =	wrdreg s4  }
0xaa: {  	[dreg:$0x4] =	wrdreg $0xC0  }
0xab: {  	_ =	task [dreg:s6], $0x5FFFF  }
0xac: {  	[dreg:$0x1] =	wrdreg $0xFFFFFFFF  }
0xad: {  	[dreg:$0x0] =	wrdreg $0x60  }
0xae: {  	[dreg:$0x2] =	wrdreg s24  }
0xaf: {  	[dreg:$0x3] =	wrdreg $0x0  }
0xb0: {  	[dreg:$0x4] =	wrdreg $0x9  }
0xb1: {  	_ =	task.clear_ibuf [dreg:s6], $0x5FFFF;
	_ =	strace $0x90000049  }
0xb2: {  	s29 =	simm.s32 $0x9;
	_ =	strace $0x8000004B  }
0xb3: {  	_ =	swait.ge [sflag:s29], $0x1  }
0xb4: {  	[sflag:s29] =	ssyncadd.s32 $0xFFFFFFFF  }
0xb5: {  	_ =	strace $0x9000004B  }
0xb6: {  	_ =	sfence  }
0xb7: {  	s30 =	sld [smem:$0x0];
	_ =	sdelay $0x2  }
0xb8: {  	s31 =	sshll.u32 s1, $0xD;
	s1 =	sshrl.u32 s1, $0x2  }
0xb9: {  	s3 =	sand.u32 $0x4000, s31;
	s1 =	sadd.s32 s1, s30  }
0xba: {  	s0 =	sor.u32 s3, s0;
	s1 =	sshll.u32 s1, $0x11  }
0xbb: {  	s0 =	sor.u32 s1, s0  }
0xbc: {  	s0 =	sadd.s32 $0x8F2B, s0  }
0xbd: {  	[sflag:s0] =	ssyncadd.remote.s32 $0x1  }
0xbe: {  	_ =	sfence.sel $0xFFFF  }
0xbf: {  	[dreg:$0x0] =	wrdreg $0xFFFFFFFF;
	(pc) =	sbr.abs _section_cstart, $3  }
0xc0: {  	[dreg:$0x1] =	wrdreg $0xFFFFFFFF  }
0xc1: {  	_ =	task.clear_ibuf [dreg:s6], $0x2FFFF;
	_ =	strace $0x9FFFFFFF  }
0xc2: {  	(tm) =	ssettm $0x7FFFFFFF  }
0xc3: {  	_ =	shalt  }
tec
execute0_lowered:
.L_overlay_start_1:
0x0: {  	(tag) =	ssettag $0x1  }
0x1: {  	s8 =	rddreg [dreg:$0x0]  }
0x2: {  	s1 =	rddreg [dreg:$0x1];
	s2 =	simm.s32 $0x0;
	s5 =	srdreg.scid  }
0x3: {  	s0 =	stileid.u32;
	s21 =	simm.s32 $0x19200;
	s22 =	simm.s32 $0x100  }
0x4: {  	s23 =	simm.s32 $0x19400;
	s24 =	simm.s32 $0x19100;
	s25 =	simm.s32 $0x19300  }
0x5: {  	s28 =	simm.s32 $0x1;
	s29 =	simm.s32 $0x2;
	s30 =	simm.s32 $0x0  }
0x6: {  	[smem:$0x7FF] =	sst s2;
	s17 =	sadd.s32 $0x1E600, s8;
	s16 =	sadd.s32 $0x3D600, s8  }
0x7: {  	s4 =	sadd.s32 $0x58000, s8;
	s18 =	sand.u32 $0x1, s5;
	s10 =	smul.u32 $0xC800, s0  }
0x8: {  	s5 =	sadd.s32 $0x8A000, s8;
	s6 =	sadd.s32 $0x37600, s8;
	s14 =	smul.u32 $0x19000, s0  }
0x9: {  	s3 =	sadd.s32 $0xD9800, s8;
	s8 =	sadd.s32 $0x10B800, s8;
	s26 =	sshll.u32 s0, $0x6  }
0xa: {  	s20 =	smul.u32 $0x1900, s0;
	_ =	strace $0x8000004A;
	s9 =	ssub.s32 $0x2, s18  }
0xb: {  	[dreg:$0x3] =	wrdreg s3;
	p0 =	sne.s32 s18, $0x0;
	s11 =	sshrl.u32 s9, $0x1  }
0xc: {  	s19 =	sadd.s32 s14, s1;
	s31 =	sshrl.u32 s10, $0x3;
	s14 =	sshrl.u32 s14, $0x3  }
.Ltmp0:
0xd: {  	s15 =	ssub.s32 s9, s11;
	s9 =	sor.u32 $0x1C03, s26;
	(pc) =	sbr.rel .LBB2_1-.Ltmp0, $4  }
0xe: {  	s10 =	sadd.s32 s17, s31;
	s13 =	sor.u32 $0x20, s31;
	s11 =	sadd.s32 s16, s31  }
0xf: {  	s18 =	sshrl.u32 s19, $0x3;
	s19 =	simm.s32 $0x3;
	s26 =	simm.s32 $0x1B400  }
0x10: {  	s12 =	sadd.s32 s17, s13;
	s13 =	sadd.s32 s16, s13;
	s15 =	smax.u32 s15, $0x1  }
0x11: {  	s16 =	sadd.s32 s20, s16;
	s17 =	sadd.s32 s20, s17;
	s20 =	simm.s32 $0x19000  }
.LBB2_7:
0x12: {  	[tilespmem:s26], [sflag:$0x2] =	stream.indirect.gather [hbm4b:s5+s22], $0x20, s24, s22, $0xb8;
	[tilespmem:$0x1D400] =	vst v63  }
0x13: {  	s31 =	smov.u32 s8  }
.LBB2_8:
0x14: {  	_ =	swait.ge [sflag:s28], $0x2000  }
0x15: {  	[sflag:s28] =	ssyncset.done $0x0  }
0x16: {  	[sflag:s28] =	ssyncadd.s32 $0xFFFFE000  }
0x17: {  	[spmem:s1] =	stream.indirect.scatter.add.f32 [tilespmem:s23], [sflag:$0x3], $0x20, s21, s22, $0xb8;
	[tilespmem:$0x1D400] =	vst v63  }
0x18: {  	_ =	swait.ge [sflag:s19], $0x2000  }
0x19: {  	[sflag:s19] =	ssyncset.done $0x0  }
0x1a: {  	[sflag:s19] =	ssyncadd.s32 $0xFFFFE000  }
0x1b: {  	_ =	swait.ge [sflag:s29], $0x2000  }
0x1c: {  	[sflag:s29] =	ssyncset.done $0x0  }
0x1d: {  	[sflag:s29] =	ssyncadd.s32 $0xFFFFE000  }
0x1e: {  	[spmem:s1] =	stream.indirect.scatter.add.f32 [tilespmem:s26], [sflag:$0x3], $0x20, s25, s22, $0xb8;
	[tilespmem:$0x1D400] =	vst v63  }
0x1f: {  	_ =	swait.ge [sflag:s19], $0x2000  }
0x20: {  	s30 =	sadd.s32 $0x1, s30;
	[sflag:s19] =	ssyncset.done $0x0  }
0x21: {  	p1 =	sne.s32 s30, s15;
	[sflag:s19] =	ssyncadd.s32 $0xFFFFE000  }
.Ltmp1:
0x22: {  	s0 =	sadd.s32 s31, s14;
	[bflag:$0x0] =	sbarrier.arrive $0xFFFF;
	(pc) =	sbr.rel @!p1 .LBB2_9-.Ltmp1, $4  }
0x23: {  	[hbm:s0], [sflag:s9] =	dma.local [spmem:s18], $0x3200  }
0x24: {  	_ =	swait.ge [sflag:s19], $0x3200  }
0x25: {  	[sflag:s19] =	ssyncset.done $0x0  }
0x26: {  	[sflag:s19] =	ssyncadd.s32 $0xFFFFCE00  }
.LBB2_1:
0x27: {  	[spmem:s18], [sflag:s9] =	dma.local [hbm:s6], $0x3200  }
0x28: {  	_ =	swait.ge [sflag:s19], $0x3200  }
0x29: {  	[sflag:s19] =	ssyncset.done $0x0  }
0x2a: {  	[sflag:s19] =	ssyncadd.s32 $0xFFFFCE00  }
0x2b: {  	[bflag:$0x0] =	sbarrier.arrive $0xFFFF  }
0x2c: {  	[tilespmem:s20], [sflag:$0x3] =	stream.linear.gather [hbm4b:s10+s2], $0x100, $0x38;
	[tilespmem:$0x1D400] =	vst v63  }
0x2d: {  	_ =	swait.ge [sflag:s19], $0x100  }
0x2e: {  	[sflag:s19] =	ssyncset.done $0x0  }
.Ltmp2:
0x2f: {  	[sflag:s19] =	ssyncadd.s32 $0xFFFFFF00;
	(pc) =	sbr.rel @p0 .LBB2_5-.Ltmp2, $4  }
0x30: {  	[tilespmem:s21], [sflag:$0x3] =	stream.linear.gather [hbm4b:s11+s2], $0x100, $0x38;
	[tilespmem:$0x1D400] =	vst v63  }
0x31: {  	_ =	swait.ge [sflag:s19], $0x100  }
0x32: {  	[sflag:s19] =	ssyncset.done $0x0  }
0x33: {  	[sflag:s19] =	ssyncadd.s32 $0xFFFFFF00  }
0x34: {  	[tilespmem:s23], [sflag:$0x1] =	stream.indirect.gather [hbm4b:s4+s22], $0x20, s20, s22, $0xb8;
	[tilespmem:$0x1D400] =	vst v63  }
0x35: {  	_ = 	snop  }
0x36: {  	[tilespmem:s24], [sflag:$0x3] =	stream.linear.gather [hbm4b:s12+s2], $0x100, $0x38;
	[tilespmem:$0x1D400] =	vst v63  }
0x37: {  	_ =	swait.ge [sflag:s19], $0x100  }
0x38: {  	[sflag:s19] =	ssyncset.done $0x0  }
0x39: {  	[sflag:s19] =	ssyncadd.s32 $0xFFFFFF00  }
0x3a: {  	[tilespmem:s25], [sflag:$0x3] =	stream.linear.gather [hbm4b:s13+s2], $0x100, $0x38;
	[tilespmem:$0x1D400] =	vst v63  }
0x3b: {  	_ =	swait.ge [sflag:s19], $0x100  }
0x3c: {  	[sflag:s19] =	ssyncset.done $0x0  }
0x3d: {  	[sflag:s19] =	ssyncadd.s32 $0xFFFFFF00  }
0x3e: {  	[tilespmem:s26], [sflag:$0x2] =	stream.indirect.gather [hbm4b:s4+s22], $0x20, s24, s22, $0xb8;
	[tilespmem:$0x1D400] =	vst v63  }
0x3f: {  	_ =	swait.ge [sflag:s28], $0x2000  }
0x40: {  	[sflag:s28] =	ssyncset.done $0x0  }
0x41: {  	[sflag:s28] =	ssyncadd.s32 $0xFFFFE000  }
0x42: {  	[spmem:s1] =	stream.indirect.scatter.add.f32 [tilespmem:s23], [sflag:$0x3], $0x20, s21, s22, $0xb8;
	[tilespmem:$0x1D400] =	vst v63  }
0x43: {  	_ =	swait.ge [sflag:s19], $0x2000  }
0x44: {  	s31 =	sadd.s32 $0xFFFFE740, s17;
	[sflag:s19] =	ssyncset.done $0x0  }
0x45: {  	s0 =	sadd.s32 $0x1900, s31;
	[sflag:s19] =	ssyncadd.s32 $0xFFFFE000  }
0x46: {  	[tilespmem:s20], [sflag:$0x3] =	stream.linear.gather [hbm4b:s0+s2], $0x100, $0x38;
	[tilespmem:$0x1D400] =	vst v63  }
0x47: {  	_ =	swait.ge [sflag:s19], $0x100  }
0x48: {  	s0 =	sadd.s32 $0xFFFFE740, s16;
	[sflag:s19] =	ssyncset.done $0x0  }
0x49: {  	s3 =	sadd.s32 $0x1900, s0;
	[sflag:s19] =	ssyncadd.s32 $0xFFFFFF00  }
0x4a: {  	[tilespmem:s21], [sflag:$0x3] =	stream.linear.gather [hbm4b:s3+s2], $0x100, $0x38;
	[tilespmem:$0x1D400] =	vst v63  }
0x4b: {  	_ =	swait.ge [sflag:s19], $0x100  }
0x4c: {  	[sflag:s19] =	ssyncset.done $0x0  }
0x4d: {  	[sflag:s19] =	ssyncadd.s32 $0xFFFFFF00  }
0x4e: {  	[tilespmem:s23], [sflag:$0x1] =	stream.indirect.gather [hbm4b:s4+s22], $0x20, s20, s22, $0xb8;
	[tilespmem:$0x1D400] =	vst v63  }
0x4f: {  	_ =	swait.ge [sflag:s29], $0x2000  }
0x50: {  	[sflag:s29] =	ssyncset.done $0x0  }
0x51: {  	[sflag:s29] =	ssyncadd.s32 $0xFFFFE000  }
0x52: {  	[spmem:s1] =	stream.indirect.scatter.add.f32 [tilespmem:s26], [sflag:$0x3], $0x20, s25, s22, $0xb8;
	[tilespmem:$0x1D400] =	vst v63  }
0x53: {  	_ =	swait.ge [sflag:s19], $0x2000  }
0x54: {  	[sflag:s19] =	ssyncset.done $0x0  }
0x55: {  	s7 =	sadd.s32 $0x1920, s31;
	[sflag:s19] =	ssyncadd.s32 $0xFFFFE000  }
0x56: {  	[tilespmem:s24], [sflag:$0x3] =	stream.linear.gather [hbm4b:s7+s2], $0x100, $0x38;
	[tilespmem:$0x1D400] =	vst v63  }
0x57: {  	_ =	swait.ge [sflag:s19], $0x100  }
0x58: {  	[sflag:s19] =	ssyncset.done $0x0  }
0x59: {  	s0 =	sadd.s32 $0x1920, s0;
	[sflag:s19] =	ssyncadd.s32 $0xFFFFFF00  }
0x5a: {  	[tilespmem:s25], [sflag:$0x3] =	stream.linear.gather [hbm4b:s0+s2], $0x100, $0x38;
	[tilespmem:$0x1D400] =	vst v63  }
0x5b: {  	_ =	swait.ge [sflag:s19], $0x100  }
0x5c: {  	[sflag:s19] =	ssyncset.done $0x0  }
0x5d: {  	s31 =	simm.s32 $0xFFFFE780;
	[sflag:s19] =	ssyncadd.s32 $0xFFFFFF00  }
.LBB2_3:
0x5e: {  	[tilespmem:s26], [sflag:$0x2] =	stream.indirect.gather [hbm4b:s4+s22], $0x20, s24, s22, $0xb8;
	[tilespmem:$0x1D400] =	vst v63  }
0x5f: {  	s0 =	smov.u32 s31  }
0x60: {  	p1 =	seq.s32 s31, $0xFFFFFFC0;
	s31 =	sadd.s32 $0x40, s31;
	_ =	swait.ge [sflag:s28], $0x2000  }
0x61: {  	[sflag:s28] =	ssyncset.done $0x0  }
0x62: {  	[sflag:s28] =	ssyncadd.s32 $0xFFFFE000  }
0x63: {  	[spmem:s1] =	stream.indirect.scatter.add.f32 [tilespmem:s23], [sflag:$0x3], $0x20, s21, s22, $0xb8;
	[tilespmem:$0x1D400] =	vst v63  }
0x64: {  	_ =	swait.ge [sflag:s19], $0x2000  }
0x65: {  	s3 =	sadd.s32 s0, s17;
	[sflag:s19] =	ssyncset.done $0x0  }
0x66: {  	s7 =	sadd.s32 $0x1900, s3;
	[sflag:s19] =	ssyncadd.s32 $0xFFFFE000  }
0x67: {  	[tilespmem:s20], [sflag:$0x3] =	stream.linear.gather [hbm4b:s7+s2], $0x100, $0x38;
	[tilespmem:$0x1D400] =	vst v63  }
0x68: {  	_ =	swait.ge [sflag:s19], $0x100  }
0x69: {  	s0 =	sadd.s32 s0, s16;
	[sflag:s19] =	ssyncset.done $0x0  }
0x6a: {  	s7 =	sadd.s32 $0x1900, s0;
	[sflag:s19] =	ssyncadd.s32 $0xFFFFFF00  }
0x6b: {  	[tilespmem:s21], [sflag:$0x3] =	stream.linear.gather [hbm4b:s7+s2], $0x100, $0x38;
	[tilespmem:$0x1D400] =	vst v63  }
0x6c: {  	_ =	swait.ge [sflag:s19], $0x100  }
0x6d: {  	[sflag:s19] =	ssyncset.done $0x0  }
0x6e: {  	[sflag:s19] =	ssyncadd.s32 $0xFFFFFF00  }
0x6f: {  	[tilespmem:s23], [sflag:$0x1] =	stream.indirect.gather [hbm4b:s4+s22], $0x20, s20, s22, $0xb8;
	[tilespmem:$0x1D400] =	vst v63  }
0x70: {  	_ =	swait.ge [sflag:s29], $0x2000  }
0x71: {  	[sflag:s29] =	ssyncset.done $0x0  }
0x72: {  	[sflag:s29] =	ssyncadd.s32 $0xFFFFE000  }
0x73: {  	[spmem:s1] =	stream.indirect.scatter.add.f32 [tilespmem:s26], [sflag:$0x3], $0x20, s25, s22, $0xb8;
	[tilespmem:$0x1D400] =	vst v63  }
0x74: {  	_ =	swait.ge [sflag:s19], $0x2000  }
0x75: {  	[sflag:s19] =	ssyncset.done $0x0  }
0x76: {  	s3 =	sadd.s32 $0x1920, s3;
	[sflag:s19] =	ssyncadd.s32 $0xFFFFE000  }
0x77: {  	[tilespmem:s24], [sflag:$0x3] =	stream.linear.gather [hbm4b:s3+s2], $0x100, $0x38;
	[tilespmem:$0x1D400] =	vst v63  }
0x78: {  	_ =	swait.ge [sflag:s19], $0x100  }
0x79: {  	[sflag:s19] =	ssyncset.done $0x0  }
.Ltmp3:
0x7a: {  	s0 =	sadd.s32 $0x1920, s0;
	[sflag:s19] =	ssyncadd.s32 $0xFFFFFF00;
	(pc) =	sbr.rel @!p1 .LBB2_3-.Ltmp3, $4  }
0x7b: {  	[tilespmem:s25], [sflag:$0x3] =	stream.linear.gather [hbm4b:s0+s2], $0x100, $0x38;
	[tilespmem:$0x1D400] =	vst v63  }
0x7c: {  	_ =	swait.ge [sflag:s19], $0x100  }
0x7d: {  	[sflag:s19] =	ssyncset.done $0x0  }
0x7e: {  	[sflag:s19] =	ssyncadd.s32 $0xFFFFFF00  }
.Ltmp4:
0x7f: {  	(pc) =	sbr.rel .LBB2_8-.Ltmp4, $3  }
0x80: {  	_ =	sdelay $0x1  }
0x81: {  	[tilespmem:s26], [sflag:$0x2] =	stream.indirect.gather [hbm4b:s4+s22], $0x20, s24, s22, $0xb8;
	[tilespmem:$0x1D400] =	vst v63  }
0x82: {  	s31 =	rddreg [dreg:$0x3]  }
.LBB2_5:
0x83: {  	[tilespmem:s23], [sflag:$0x1] =	stream.indirect.gather [hbm4b:s5+s22], $0x20, s20, s22, $0xb8;
	[tilespmem:$0x1D400] =	vst v63  }
0x84: {  	_ = 	snop  }
0x85: {  	[tilespmem:s24], [sflag:$0x3] =	stream.linear.gather [hbm4b:s12+s2], $0x100, $0x38;
	[tilespmem:$0x1D400] =	vst v63  }
0x86: {  	_ =	swait.ge [sflag:s19], $0x100  }
0x87: {  	[sflag:s19] =	ssyncset.done $0x0  }
0x88: {  	[sflag:s19] =	ssyncadd.s32 $0xFFFFFF00  }
0x89: {  	[tilespmem:s25], [sflag:$0x3] =	stream.linear.gather [hbm4b:s13+s2], $0x100, $0x38;
	[tilespmem:$0x1D400] =	vst v63  }
0x8a: {  	_ =	swait.ge [sflag:s19], $0x100  }
0x8b: {  	[sflag:s19] =	ssyncset.done $0x0  }
0x8c: {  	[sflag:s19] =	ssyncadd.s32 $0xFFFFFF00  }
0x8d: {  	[tilespmem:s26], [sflag:$0x2] =	stream.indirect.gather [hbm4b:s5+s22], $0x20, s24, s22, $0xb8;
	[tilespmem:$0x1D400] =	vst v63  }
0x8e: {  	_ =	swait.ge [sflag:s28], $0x2000  }
0x8f: {  	[sflag:s28] =	ssyncset.done $0x0  }
0x90: {  	[sflag:s28] =	ssyncadd.s32 $0xFFFFE000  }
0x91: {  	[spmem:s1] =	stream.indirect.scatter.add.f32 [tilespmem:s23], [sflag:$0x3], $0x20, s21, s22, $0xb8;
	[tilespmem:$0x1D400] =	vst v63  }
0x92: {  	_ =	swait.ge [sflag:s19], $0x2000  }
0x93: {  	s0 =	sadd.s32 $0xFFFFE740, s17;
	[sflag:s19] =	ssyncset.done $0x0  }
0x94: {  	s3 =	sadd.s32 $0x1900, s0;
	[sflag:s19] =	ssyncadd.s32 $0xFFFFE000  }
0x95: {  	[tilespmem:s20], [sflag:$0x3] =	stream.linear.gather [hbm4b:s3+s2], $0x100, $0x38;
	[tilespmem:$0x1D400] =	vst v63  }
0x96: {  	_ =	swait.ge [sflag:s19], $0x100  }
0x97: {  	s3 =	sadd.s32 $0xFFFFE740, s16;
	[sflag:s19] =	ssyncset.done $0x0  }
0x98: {  	s7 =	sadd.s32 $0x1900, s3;
	[sflag:s19] =	ssyncadd.s32 $0xFFFFFF00  }
0x99: {  	[tilespmem:s21], [sflag:$0x3] =	stream.linear.gather [hbm4b:s7+s2], $0x100, $0x38;
	[tilespmem:$0x1D400] =	vst v63  }
0x9a: {  	_ =	swait.ge [sflag:s19], $0x100  }
0x9b: {  	[sflag:s19] =	ssyncset.done $0x0  }
0x9c: {  	[sflag:s19] =	ssyncadd.s32 $0xFFFFFF00  }
0x9d: {  	[tilespmem:s23], [sflag:$0x1] =	stream.indirect.gather [hbm4b:s5+s22], $0x20, s20, s22, $0xb8;
	[tilespmem:$0x1D400] =	vst v63  }
0x9e: {  	_ =	swait.ge [sflag:s29], $0x2000  }
0x9f: {  	[sflag:s29] =	ssyncset.done $0x0  }
0xa0: {  	[sflag:s29] =	ssyncadd.s32 $0xFFFFE000  }
0xa1: {  	[spmem:s1] =	stream.indirect.scatter.add.f32 [tilespmem:s26], [sflag:$0x3], $0x20, s25, s22, $0xb8;
	[tilespmem:$0x1D400] =	vst v63  }
0xa2: {  	_ =	swait.ge [sflag:s19], $0x2000  }
0xa3: {  	[sflag:s19] =	ssyncset.done $0x0  }
0xa4: {  	s0 =	sadd.s32 $0x1920, s0;
	[sflag:s19] =	ssyncadd.s32 $0xFFFFE000  }
0xa5: {  	[tilespmem:s24], [sflag:$0x3] =	stream.linear.gather [hbm4b:s0+s2], $0x100, $0x38;
	[tilespmem:$0x1D400] =	vst v63  }
0xa6: {  	_ =	swait.ge [sflag:s19], $0x100  }
0xa7: {  	[sflag:s19] =	ssyncset.done $0x0  }
0xa8: {  	s7 =	sadd.s32 $0x1920, s3;
	[sflag:s19] =	ssyncadd.s32 $0xFFFFFF00  }
0xa9: {  	[tilespmem:s25], [sflag:$0x3] =	stream.linear.gather [hbm4b:s7+s2], $0x100, $0x38;
	[tilespmem:$0x1D400] =	vst v63  }
0xaa: {  	_ =	swait.ge [sflag:s19], $0x100  }
0xab: {  	[sflag:s19] =	ssyncset.done $0x0  }
0xac: {  	s31 =	simm.s32 $0xFFFFE780;
	[sflag:s19] =	ssyncadd.s32 $0xFFFFFF00  }
.LBB2_6:
0xad: {  	[tilespmem:s26], [sflag:$0x2] =	stream.indirect.gather [hbm4b:s5+s22], $0x20, s24, s22, $0xb8;
	[tilespmem:$0x1D400] =	vst v63  }
0xae: {  	s0 =	smov.u32 s31  }
0xaf: {  	p1 =	sne.s32 s31, $0xFFFFFFC0;
	s31 =	sadd.s32 $0x40, s31;
	_ =	swait.ge [sflag:s28], $0x2000  }
0xb0: {  	[sflag:s28] =	ssyncset.done $0x0  }
0xb1: {  	[sflag:s28] =	ssyncadd.s32 $0xFFFFE000  }
0xb2: {  	[spmem:s1] =	stream.indirect.scatter.add.f32 [tilespmem:s23], [sflag:$0x3], $0x20, s21, s22, $0xb8;
	[tilespmem:$0x1D400] =	vst v63  }
0xb3: {  	_ =	swait.ge [sflag:s19], $0x2000  }
0xb4: {  	s3 =	sadd.s32 s0, s17;
	[sflag:s19] =	ssyncset.done $0x0  }
0xb5: {  	s7 =	sadd.s32 $0x1900, s3;
	[sflag:s19] =	ssyncadd.s32 $0xFFFFE000  }
0xb6: {  	[tilespmem:s20], [sflag:$0x3] =	stream.linear.gather [hbm4b:s7+s2], $0x100, $0x38;
	[tilespmem:$0x1D400] =	vst v63  }
0xb7: {  	_ =	swait.ge [sflag:s19], $0x100  }
0xb8: {  	s0 =	sadd.s32 s0, s16;
	[sflag:s19] =	ssyncset.done $0x0  }
0xb9: {  	s7 =	sadd.s32 $0x1900, s0;
	[sflag:s19] =	ssyncadd.s32 $0xFFFFFF00  }
0xba: {  	[tilespmem:s21], [sflag:$0x3] =	stream.linear.gather [hbm4b:s7+s2], $0x100, $0x38;
	[tilespmem:$0x1D400] =	vst v63  }
0xbb: {  	_ =	swait.ge [sflag:s19], $0x100  }
0xbc: {  	[sflag:s19] =	ssyncset.done $0x0  }
0xbd: {  	[sflag:s19] =	ssyncadd.s32 $0xFFFFFF00  }
0xbe: {  	[tilespmem:s23], [sflag:$0x1] =	stream.indirect.gather [hbm4b:s5+s22], $0x20, s20, s22, $0xb8;
	[tilespmem:$0x1D400] =	vst v63  }
0xbf: {  	_ =	swait.ge [sflag:s29], $0x2000  }
0xc0: {  	[sflag:s29] =	ssyncset.done $0x0  }
0xc1: {  	[sflag:s29] =	ssyncadd.s32 $0xFFFFE000  }
0xc2: {  	[spmem:s1] =	stream.indirect.scatter.add.f32 [tilespmem:s26], [sflag:$0x3], $0x20, s25, s22, $0xb8;
	[tilespmem:$0x1D400] =	vst v63  }
0xc3: {  	_ =	swait.ge [sflag:s19], $0x2000  }
0xc4: {  	[sflag:s19] =	ssyncset.done $0x0  }
0xc5: {  	s3 =	sadd.s32 $0x1920, s3;
	[sflag:s19] =	ssyncadd.s32 $0xFFFFE000  }
0xc6: {  	[tilespmem:s24], [sflag:$0x3] =	stream.linear.gather [hbm4b:s3+s2], $0x100, $0x38;
	[tilespmem:$0x1D400] =	vst v63  }
0xc7: {  	_ =	swait.ge [sflag:s19], $0x100  }
0xc8: {  	[sflag:s19] =	ssyncset.done $0x0  }
.Ltmp5:
0xc9: {  	s0 =	sadd.s32 $0x1920, s0;
	[sflag:s19] =	ssyncadd.s32 $0xFFFFFF00;
	(pc) =	sbr.rel @p1 .LBB2_6-.Ltmp5, $4  }
0xca: {  	[tilespmem:s25], [sflag:$0x3] =	stream.linear.gather [hbm4b:s0+s2], $0x100, $0x38;
	[tilespmem:$0x1D400] =	vst v63  }
0xcb: {  	_ =	swait.ge [sflag:s19], $0x100  }
0xcc: {  	[sflag:s19] =	ssyncset.done $0x0  }
0xcd: {  	[sflag:s19] =	ssyncadd.s32 $0xFFFFFF00  }
.Ltmp6:
0xce: {  	_ = 	snop;
	(pc) =	sbr.rel .LBB2_7-.Ltmp6, $1  }
0xcf: {  	_ =	sdelay $0x3  }
.LBB2_9:
0xd0: {  	_ =	sfence.sel $0x180000  }
0xd1: {  	[bflag:$0x0] =	sbarrier.arrive $0xFFFF  }
0xd2: {  	_ =	strace $0x9000004A  }
0xd3: {  	s0 =	stileid.u32;
	[bflag:$0x2] =	sbarrier.arrive $0xFFFF  }
0xd4: {  	p0 =	sne.s32 s0, $0x0;
	s0 =	rddreg [dreg:$0x2]  }
0xd5: {  	s0 =	sadd.s32 @!p0 $0x100000, s0  }
0xd6: {  	[sflag:s0] =	ssyncadd.tile.s32 @!p0 $0x1;
	_ =	shalt  }
.Lfunc_end2:
_tile_overlayer_lowered:
.L_overlay_start_2:
0xd7: {  	(tag) =	ssettag $0x2  }
0xd8: {  	s0 =	rddreg [dreg:$0x0];
	s2 =	stileid.u32  }
0xd9: {  	s1 =	rddreg [dreg:$0x1];
	p0 =	sne.s32 s2, $0x0  }
0xda: {  	s3 =	rddreg [dreg:$0x2];
	[bflag:$0x3] =	sbarrier.arrive $0xFFFF;
	s2 =	simm.s32 @!p0 $0x1C03  }
0xdb: {  	[timem:s3], [sflag:s2] =	dma.local @!p0 [hbm:s0], s1  }
0xdc: {  	s0 =	simm.s32 @!p0 $0x3  }
0xdd: {  	_ =	swait.ge @!p0 [sflag:s0], s1  }
0xde: {  	s1 =	ssub.s32 @!p0 $0x0, s1;
	[sflag:s0] =	ssyncset.done @!p0 $0x0  }
0xdf: {  	[sflag:s0] =	ssyncadd.s32 @!p0 s1  }
0xe0: {  	[bflag:$0x3] =	sbarrier.arrive $0xFFFF  }
0xe1: {  	_ =	shalt  }

// kernel: kernel.8.cloned.1.call-start
scs
__scs_entry_jumppad:
0x0: {  	(pc) =	sbr.rel $0x88, $3  }
0x1: {  	(tag) =	ssettag $0x0;
	lr =	simm.s32 $0x1  }
0x2: {  	[smem:$0x3F8D] =	sst lr;
	_ =	strace $0xD0000000  }
0x3: {  	_ = 	snop  }
0x4: {  	_ = 	snop  }
0x5: {  	_ = 	snop  }
0x6: {  	_ = 	snop  }
0x7: {  	_ = 	snop  }
__scs_overlays_trampoline_lowered:
0x8: {  	[smem:$0x3F9C] =	sst s0  }
0x9: {  	[smem:$0x3F9D] =	sst s1  }
0xa: {  	[smem:$0x3F9E] =	sst s2  }
0xb: {  	[smem:$0x3F9F] =	sst s3  }
0xc: {  	[smem:$0x3FA0] =	sst s4  }
0xd: {  	[smem:$0x3FA1] =	sst s5  }
0xe: {  	[smem:$0x3FA2] =	sst s6  }
0xf: {  	[smem:$0x3FA3] =	sst s7  }
0x10: {  	[smem:$0x3FA4] =	sst s8  }
0x11: {  	[smem:$0x3FA5] =	sst s9;
	s0 =	simm.s32 @!p0 $0x0  }
0x12: {  	s1 =	sld [smem:$0x3F8B];
	s0 =	simm.s32 @p0 $0x1  }
0x13: {  	[smem:$0x3FA6] =	sst s0;
	s0 =	simm.s32 @!p1 $0x0  }
0x14: {  	s2 =	sld [smem:$0x3F8A];
	s0 =	simm.s32 @p1 $0x1  }
0x15: {  	[smem:$0x3FA7] =	sst s0;
	s0 =	simm.s32 @!p2 $0x0  }
0x16: {  	s3 =	sld [smem:$0x3FDB];
	s0 =	simm.s32 @p2 $0x1  }
0x17: {  	s4 =	simm.s32 $0x1BF5;
	[smem:$0x3FA9] =	sst s0  }
0x18: {  	s0 =	sld [smem:$0x3F8C];
	_ =	swait.ge [sflag:s4], $0x0  }
0x19: {  	s7 =	sld [smem:$0x3F8D]  }
0x1a: {  	s8 =	sadd.s32 $0xFFFFE003, lr  }
0x1b: {  	s9 =	sadd.s32 $0xFFFFFEF7, lr;
	s5 =	simm.s32 $0xFFFFFFFF;
	p2 =	slt.u32 s8, $0xFFFFF086  }
0x1c: {  	p1 =	slt.u32 s9, $0xF7A;
	s5 =	simm.s32 @!p2 $0x0  }
0x1d: {  	s5 =	simm.s32 @p1 $0x1;
	p0 =	seq.s32 s7, s2  }
0x1e: {  	s7 =	smul.u32 @!p0 $0xF7A, s2;
	p2 =	seq.s32 @!p0 s5, $0x0  }
0x1f: {  	s9 =	smul.u32 $0xF7A, s1;
	s8 =	simm.s32 @!p0 $0x1BF5;
	p2 =	por !p2, p0  }
0x20: {  	[sflag:s8] =	ssyncset.s32 @!p0 $0xFFFFF086;
	s6 =	sadd.s32 @!p0 s3, s7;
	s7 =	simm.s32 @!p0 $0x108  }
0x21: {  	s3 =	sadd.s32 s3, s9;
	s6 =	sadd.s32 @!p0 $0x88, s6;
	s7 =	simm.s32 @p2 $0x1082  }
0x22: {  	[simem:s7], [sflag:s8] =	dma.local @!p0 [hbm:s6], $0xF7A  }
0x23: {  	s9 =	sor.u32 $0xD0000000, s2;
	s6 =	simm.s32 $0x108;
	_ =	swait.ge @!p0 [sflag:s8], $0x0  }
0x24: {  	s3 =	sadd.s32 $0x88, s3;
	s6 =	simm.s32 @!p1 $0x1082;
	[sflag:s4] =	ssyncset.s32 $0xFFFFF086  }
0x25: {  	[simem:s6], [sflag:s4] =	dma.local [hbm:s3], $0xF7A  }
0x26: {  	[smem:$0x3F8D] =	sst s1;
	(tag) =	ssettag s2;
	_ =	strace s9  }
0x27: {  	s1 =	sld [smem:$0x3F9D]  }
0x28: {  	s2 =	sld [smem:$0x3F9E]  }
0x29: {  	s4 =	sld [smem:$0x3FA0]  }
0x2a: {  	p0 =	seq.s32 s5, $0x0;
	s5 =	sld [smem:$0x3FA1]  }
0x2b: {  	s6 =	sld [smem:$0x3FA2]  }
0x2c: {  	s7 =	sld [smem:$0x3FA3]  }
0x2d: {  	s3 =	simm.s32 $0x108;
	s8 =	sld [smem:$0x3FA4]  }
0x2e: {  	s3 =	simm.s32 @!p0 $0x1082;
	s9 =	sld [smem:$0x3FA5]  }
0x2f: {  	lr =	sadd.s32 s0, s3;
	s0 =	sld [smem:$0x3F9C]  }
0x30: {  	s3 =	sld [smem:$0x3F9F]  }
0x31: {  	[smem:$0x3FA8] =	sst s10  }
0x32: {  	s10 =	sld [smem:$0x3FA6];
	_ =	sdelay $0x3  }
0x33: {  	p0 =	seq.s32 s10, $0x1;
	s10 =	sld [smem:$0x3FA8];
	_ =	sdelay $0x3  }
0x34: {  	[smem:$0x3FA8] =	sst s10  }
0x35: {  	s10 =	sld [smem:$0x3FA7];
	_ =	sdelay $0x3  }
0x36: {  	p1 =	seq.s32 s10, $0x1;
	s10 =	sld [smem:$0x3FA8];
	_ =	sdelay $0x3  }
0x37: {  	[smem:$0x3FA8] =	sst s10  }
0x38: {  	s10 =	sld [smem:$0x3FA9]  }
0x39: {  	_ = 	snop;
	(pc) =	sbr.ind lr, $3  }
0x3a: {  	_ = 	snop  }
0x3b: {  	_ = 	snop  }
0x3c: {  	p2 =	seq.s32 s10, $0x1;
	s10 =	sld [smem:$0x3FA8]  }
0x3d: {  	_ =	shalt  }
0x3e: {  	_ =	shalt  }
0x3f: {  	_ =	shalt  }
0x40: {  	_ =	shalt  }
0x41: {  	_ =	shalt  }
0x42: {  	_ =	shalt  }
0x43: {  	_ =	shalt  }
0x44: {  	_ =	shalt  }
0x45: {  	_ =	shalt  }
0x46: {  	_ =	shalt  }
0x47: {  	_ =	shalt  }
0x48: {  	_ =	shalt  }
0x49: {  	_ =	shalt  }
0x4a: {  	_ =	shalt  }
0x4b: {  	_ =	shalt  }
0x4c: {  	_ =	shalt  }
0x4d: {  	_ =	shalt  }
0x4e: {  	_ =	shalt  }
0x4f: {  	_ =	shalt  }
0x50: {  	_ =	shalt  }
0x51: {  	_ =	shalt  }
0x52: {  	_ =	shalt  }
0x53: {  	_ =	shalt  }
0x54: {  	_ =	shalt  }
0x55: {  	_ =	shalt  }
0x56: {  	_ =	shalt  }
0x57: {  	_ =	shalt  }
0x58: {  	_ =	shalt  }
0x59: {  	_ =	shalt  }
0x5a: {  	_ =	shalt  }
0x5b: {  	_ =	shalt  }
0x5c: {  	_ =	shalt  }
0x5d: {  	_ =	shalt  }
0x5e: {  	_ =	shalt  }
0x5f: {  	_ =	shalt  }
0x60: {  	_ =	shalt  }
0x61: {  	_ =	shalt  }
0x62: {  	_ =	shalt  }
0x63: {  	_ =	shalt  }
0x64: {  	_ =	shalt  }
0x65: {  	_ =	shalt  }
0x66: {  	_ =	shalt  }
0x67: {  	_ =	shalt  }
0x68: {  	_ =	shalt  }
0x69: {  	_ =	shalt  }
0x6a: {  	_ =	shalt  }
0x6b: {  	_ =	shalt  }
0x6c: {  	_ =	shalt  }
0x6d: {  	_ =	shalt  }
0x6e: {  	_ =	shalt  }
0x6f: {  	_ =	shalt  }
0x70: {  	_ =	shalt  }
0x71: {  	_ =	shalt  }
0x72: {  	_ =	shalt  }
0x73: {  	_ =	shalt  }
0x74: {  	_ =	shalt  }
0x75: {  	_ =	shalt  }
0x76: {  	_ =	shalt  }
0x77: {  	_ =	shalt  }
0x78: {  	_ =	shalt  }
0x79: {  	_ =	shalt  }
0x7a: {  	_ =	shalt  }
0x7b: {  	_ =	shalt  }
0x7c: {  	_ =	shalt  }
0x7d: {  	_ =	shalt  }
0x7e: {  	_ =	shalt  }
0x7f: {  	_ =	shalt  }
0x80: {  	_ =	shalt  }
0x81: {  	_ =	shalt  }
0x82: {  	_ =	shalt  }
0x83: {  	_ =	shalt  }
0x84: {  	_ =	shalt  }
0x85: {  	_ =	shalt  }
0x86: {  	_ =	shalt  }
0x87: {  	_ =	shalt  }
.Lfunc_end0:
.L_simem_size_0:
called_computation_lowered:
.L_overlay_start_0:
0x88: {  	s2 =	sld [smem:$0x3FD9]  }
0x89: {  	s3 =	sld [smem:$0x3FFE];
	_ =	sdelay $0x1  }
0x8a: {  	s1 =	srdreg.scid  }
0x8b: {  	s0 =	sand.u32 $0x1, s1  }
0x8c: {  	s17 =	sshll.u32 s0, $0xA;
	s2 =	sadd.s32 s3, s2  }
0x8d: {  	s2 =	sadd.s32 s2, s17  }
0x8e: {  	[smem:$0x3FB4] =	sst s2  }
0x8f: {  	_ = 	snop  }
0x90: {  	s2 =	sld [smem:$0x3FD0];
	(tm) =	ssettm $0x1  }
0x91: {  	s18 =	sld [smem:$0x3FFB];
	_ =	sdelay $0x3  }
0x92: {  	_ =	strace s18  }
0x93: {  	s3 =	sld [smem:$0x3FFC];
	_ =	sdelay $0x3  }
0x94: {  	_ =	strace s3  }
0x95: {  	s3 =	sld [smem:$0x3FFD];
	_ =	sdelay $0x3  }
0x96: {  	_ =	strace s3  }
0x97: {  	_ =	strace $0x8FFFFFFF  }
0x98: {  	s19 =	sld [smem:$0x3FDB];
	_ =	sdelay $0x1  }
0x99: {  	s4 =	simm.s32 $_scs_section_size  }
0x9a: {  	s5 =	simm.s32 $_size__tile_overlayer_lowered;
	s6 =	simm.s32 $_tile_overlayer_lowered  }
0x9b: {  	s22 =	simm.s32 $0x1BFF;
	s21 =	sshll.u32 s6, $0x1;
	s3 =	sadd.s32 s4, s19  }
0x9c: {  	s7 =	simm.s32 $0x0;
	s20 =	sshll.u32 s5, $0x1;
	s5 =	sadd.s32 s21, s3  }
0x9d: {  	[timem:s7], [sflag:s22] =	dma.local [hbm:s5], s20  }
0x9e: {  	_ =	swait.ge [sflag:s22], s20  }
0x9f: {  	s4 =	ssub.s32 $0x0, s20;
	[sflag:s22] =	ssyncset.done $0x0  }
0xa0: {  	[sflag:s22] =	ssyncadd.s32 s4;
	_ =	sdelay $0x1  }
0xa1: {  	s23 =	simm.s32 $0x1B8B  }
0xa2: {  	_ =	swait.ge [sflag:s23], $0x1  }
0xa3: {  	[sflag:s23] =	ssyncset.done $0x0  }
0xa4: {  	s25 =	simm.s32 $0x1B8E;
	s24 =	sld [smem:$0x3FFE];
	[sflag:s23] =	ssyncadd.s32 $0xFFFFFFFF  }
0xa5: {  	s26 =	simm.s32 $execute0_lowered;
	[smem:$0x3FD2] =	sst s25  }
0xa6: {  	s5 =	sshll.u32 s26, $0x1;
	_ =	strace $0x80000046;
	[dreg:$0x1] =	wrdreg $0xFFFFFFFF  }
0xa7: {  	s28 =	simm.s32 $_size_execute0_lowered;
	s3 =	sadd.s32 s3, s5;
	[dreg:$0x0] =	wrdreg $0x0  }
0xa8: {  	s5 =	sshll.u32 s28, $0x1;
	[dreg:$0x2] =	wrdreg s3  }
0xa9: {  	[dreg:$0x3] =	wrdreg s5  }
0xaa: {  	[dreg:$0x4] =	wrdreg $0xC0  }
0xab: {  	_ =	task [dreg:s7], $0x5FFFF  }
0xac: {  	[dreg:$0x1] =	wrdreg $0xFFFFFFFF  }
0xad: {  	[dreg:$0x0] =	wrdreg $0x60  }
0xae: {  	[dreg:$0x2] =	wrdreg s24  }
0xaf: {  	[dreg:$0x3] =	wrdreg s2  }
0xb0: {  	[dreg:$0x4] =	wrdreg $0x0  }
0xb1: {  	[dreg:$0x5] =	wrdreg $0xC8000  }
0xb2: {  	[dreg:$0x6] =	wrdreg $0x12C000  }
0xb3: {  	[dreg:$0x7] =	wrdreg $0x138800  }
0xb4: {  	[dreg:$0x8] =	wrdreg $0x9  }
0xb5: {  	_ =	task.clear_ibuf [dreg:s7], $0x9FFFF;
	_ =	strace $0x90000046  }
0xb6: {  	s29 =	simm.s32 $0x9;
	_ =	strace $0x80000048  }
0xb7: {  	_ =	swait.ge [sflag:s29], $0x1  }
0xb8: {  	[sflag:s29] =	ssyncadd.s32 $0xFFFFFFFF  }
0xb9: {  	_ =	strace $0x90000048  }
0xba: {  	_ =	sfence  }
0xbb: {  	s30 =	sld [smem:$0x0];
	_ =	sdelay $0x2  }
0xbc: {  	s31 =	sshll.u32 s1, $0xD;
	s1 =	sshrl.u32 s1, $0x2  }
0xbd: {  	s3 =	sand.u32 $0x4000, s31;
	s1 =	sadd.s32 s1, s30  }
0xbe: {  	s0 =	sor.u32 s3, s0;
	s1 =	sshll.u32 s1, $0x11  }
0xbf: {  	s0 =	sor.u32 s1, s0  }
0xc0: {  	s0 =	sadd.s32 $0x8F2B, s0  }
0xc1: {  	[sflag:s0] =	ssyncadd.remote.s32 $0x1  }
0xc2: {  	_ =	sfence.sel $0xFFFF  }
0xc3: {  	[dreg:$0x0] =	wrdreg $0xFFFFFFFF;
	(pc) =	sbr.abs _section_cstart, $3  }
0xc4: {  	[dreg:$0x1] =	wrdreg $0xFFFFFFFF  }
0xc5: {  	_ =	task.clear_ibuf [dreg:s7], $0x2FFFF;
	_ =	strace $0x9FFFFFFF  }
0xc6: {  	(tm) =	ssettm $0x7FFFFFFF  }
0xc7: {  	_ =	shalt  }
tec
execute0_lowered:
.L_overlay_start_1:
0x0: {  	(tag) =	ssettag $0x1  }
0x1: {  	s0 =	rddreg [dreg:$0x0]  }
0x2: {  	s23 =	rddreg [dreg:$0x1]  }
0x3: {  	s2 =	rddreg [dreg:$0x2]  }
0x4: {  	s9 =	rddreg [dreg:$0x3]  }
0x5: {  	s17 =	rddreg [dreg:$0x4];
	s6 =	simm.s32 $0x0  }
0x6: {  	s18 =	stileid.u32;
	s24 =	srdreg.scid;
	s28 =	simm.s32 $0x138A8  }
0x7: {  	s31 =	simm.s32 $0x13CA8;
	[smem:$0x7FF] =	sst s6;
	s1 =	smul.u32 $0x190, s18  }
0x8: {  	s3 =	sadd.s32 $0x5600, s0;
	s4 =	sadd.s32 $0x3D600, s0;
	s5 =	sadd.s32 $0x3D400, s0  }
0x9: {  	s19 =	sadd.s32 $0x37600, s0;
	_ =	strace $0x80000047;
	[dreg:$0x7] =	wrdreg s5  }
0xa: {  	s20 =	sadd.s32 $0x58000, s0;
	s21 =	sadd.s32 $0x59A00, s0;
	[dreg:$0x9] =	wrdreg s19  }
0xb: {  	s22 =	sadd.s32 $0x5A800, s0;
	s8 =	smul.u32 $0xC80, s18;
	[dreg:$0xa] =	wrdreg s20  }
0xc: {  	s7 =	sadd.s32 $0x5AA00, s0;
	s11 =	smul.u32 $0xC800, s18;
	[dreg:$0xb] =	wrdreg s21  }
0xd: {  	s26 =	smul.u32 $0x19000, s18;
	s15 =	sadd.s32 $0x8E600, s0;
	[dreg:$0xc] =	wrdreg s22  }
0xe: {  	p1 =	sne.s32 s18, $0x0;
	[dreg:$0xd] =	wrdreg s7;
	s7 =	smul.u32 $0x6400, s18  }
0xf: {  	s5 =	sand.u32 $0x1, s24;
	s19 =	sadd.s32 $0xC0600, s0;
	s20 =	sadd.s32 $0x5C600, s0  }
0x10: {  	s1 =	sadd.s32 s1, s0;
	s10 =	ssub.s32 $0x2, s5;
	s25 =	sshrl.u32 s8, $0x3  }
0x11: {  	p0 =	seq.s32 s5, $0x0;
	s14 =	sshrl.u32 s11, $0x3;
	s21 =	sshrl.u32 s26, $0x2  }
0x12: {  	s2 =	sadd.s32 s11, s2;
	[dreg:$0xe] =	wrdreg s19;
	s5 =	smov.u32 s20  }
0x13: {  	s12 =	sshrl.u32 s7, $0x3;
	s13 =	sshrl.u32 s10, $0x1;
	s16 =	sadd.s32 s14, s0  }
0x14: {  	[dreg:$0x11] =	wrdreg s2;
	s22 =	sor.u32 $0x40, s14;
	s24 =	sadd.s32 s3, s14  }
0x15: {  	[dreg:$0xf] =	wrdreg s5;
	s12 =	sadd.s32 s12, s0;
	s10 =	ssub.s32 s10, s13  }
0x16: {  	s13 =	sadd.s32 s25, s0;
	s0 =	sadd.s32 $0xD9600, s0;
	[dreg:$0x12] =	wrdreg s24  }
0x17: {  	s7 =	sadd.s32 s7, s9;
	s25 =	sadd.s32 s4, s14;
	[dreg:$0x10] =	wrdreg s0  }
0x18: {  	s26 =	sadd.s32 s3, s22;
	s11 =	sadd.s32 s4, s22;
	[dreg:$0x13] =	wrdreg s25  }
0x19: {  	s22 =	sadd.s32 $0x75600, s16;
	s24 =	sadd.s32 $0xA7600, s16;
	[dreg:$0x14] =	wrdreg s26  }
0x1a: {  	s16 =	simm.s32 $0x1;
	s0 =	sadd.s32 s21, s9;
	[dreg:$0x15] =	wrdreg s11  }
0x1b: {  	s14 =	sadd.s32 $0x5AC00, s13;
	s21 =	smul.u32 $0x1900, s18;
	[dreg:$0x17] =	wrdreg s22  }
0x1c: {  	[dreg:$0x18] =	wrdreg s24;
	s25 =	sadd.s32 $0x68E00, s12;
	s26 =	smax.u32 s10, $0x1  }
0x1d: {  	s24 =	sadd.s32 s8, s17;
	s10 =	sadd.s32 $0x3A000, s1;
	[dreg:$0x16] =	wrdreg s14  }
0x1e: {  	s9 =	sadd.s32 $0x38600, s1;
	s12 =	simm.s32 $0x1A0A8;
	[dreg:$0x19] =	wrdreg s25  }
0x1f: {  	s18 =	simm.s32 $0x1A328;
	s22 =	simm.s32 $0x3;
	[dreg:$0x1a] =	wrdreg s26  }
0x20: {  	s17 =	simm.s32 $0x140A8;
	s13 =	simm.s32 $0x13AA8;
	[dreg:$0x1d] =	wrdreg s24  }
0x21: {  	s25 =	sadd.s32 s8, s20;
	s8 =	sadd.s32 $0x56600, s1;
	s1 =	sadd.s32 $0x3BA00, s1  }
0x22: {  	s0 =	sshrl.u32 s0, $0x3;
	s26 =	sshrl.u32 s7, $0x3;
	s7 =	simm.s32 $0x4  }
0x23: {  	s24 =	simm.s32 $0x1E3A8;
	s20 =	simm.s32 $0x1A5A8;
	[smem:$0x7FD] =	sst s9  }
0x24: {  	s14 =	simm.s32 $0x160A8;
	s29 =	sadd.s32 s21, s4;
	[dreg:$0x1e] =	wrdreg s25  }
0x25: {  	s30 =	sadd.s32 s21, s3;
	s3 =	sadd.s32 s21, s15;
	[dreg:$0x8] =	wrdreg s1  }
.Ltmp0:
0x26: {  	s4 =	sadd.s32 s21, s19;
	[smem:$0x7FB] =	sst s0;
	(pc) =	sbr.rel .LBB2_1-.Ltmp0, $4  }
0x27: {  	[smem:$0x7FC] =	sst s26;
	s26 =	simm.s32 $0x1E1A8;
	s19 =	simm.s32 $0x280  }
0x28: {  	s21 =	simm.s32 $0x1CDA8;
	s0 =	simm.s32 $0x200;
	[dreg:$0x1f] =	wrdreg s8  }
0x29: {  	s1 =	simm.s32 $0x2;
	s25 =	smov.u32 s10;
	[dreg:$0x1b] =	wrdreg s3  }
0x2a: {  	[dreg:$0x1c] =	wrdreg s4;
	s3 =	simm.s32 $0x13EA8;
	s4 =	simm.s32 $0x0  }
.LBB2_12:
0x2b: {  	[bflag:$0x0] =	sbarrier.arrive $0xFFFF  }
0x2c: {  	s8 =	sld [smem:$0x7FA]  }
0x2d: {  	s4 =	sld [smem:$0x7F9];
	_ =	sdelay $0x1  }
0x2e: {  	s2 =	rddreg [dreg:$0x18]  }
0x2f: {  	[hbm:s2], [sflag:s8] =	dma.local [spmem:s4], $0x1900  }
0x30: {  	_ =	swait.ge [sflag:s7], $0x1900  }
0x31: {  	s24 =	sld [smem:$0x7FC]  }
0x32: {  	[sflag:s7] =	ssyncset.done $0x0  }
0x33: {  	s11 =	rddreg [dreg:$0x19];
	[sflag:s7] =	ssyncadd.s32 $0xFFFFE700  }
0x34: {  	[hbm:s11], [sflag:s8] =	dma.local [spmem:s24], $0xC80  }
0x35: {  	_ =	swait.ge [sflag:s7], $0xC80  }
0x36: {  	[sflag:s7] =	ssyncset.done $0x0;
	s8 =	rddreg [dreg:$0x1f]  }
0x37: {  	s24 =	simm.s32 $0x1E3A8;
	s4 =	sld [smem:$0x7F8];
	[sflag:s7] =	ssyncadd.s32 $0xFFFFF380  }
.LBB2_13:
0x38: {  	_ =	sdelay $0x1  }
0x39: {  	s2 =	rddreg [dreg:$0x1a];
	s4 =	sadd.s32 $0x1, s4  }
0x3a: {  	p2 =	sne.s32 s4, s2  }
.Ltmp1:
0x3b: {  	_ = 	snop;
	(pc) =	sbr.rel @!p2 .LBB2_14-.Ltmp1, $2  }
0x3c: {  	_ =	sdelay $0x2  }
0x3d: {  	s10 =	smov.u32 s25;
	s9 =	sld [smem:$0x7FD]  }
.LBB2_1:
0x3e: {  	[smem:$0x7F8] =	sst s4  }
0x3f: {  	s2 =	rddreg [dreg:$0xd]  }
0x40: {  	[tilespmem:s26], [sflag:$0x4] =	stream.linear.gather [hbm4b:s2+s6], $0x200, $0x38;
	[tilespmem:$0x1E628] =	vst v63  }
0x41: {  	_ =	swait.ge [sflag:s7], $0x200  }
0x42: {  	[sflag:s7] =	ssyncset.done $0x0  }
0x43: {  	s11 =	stileid.u32;
	[sflag:s7] =	ssyncadd.s32 $0xFFFFFE00  }
0x44: {  	[tilespmem:s24], [sflag:$0x4] =	stream.linear.gather [hbm4b:s2+s6], $0x280, $0x38;
	[tilespmem:$0x1E628] =	vst v63  }
0x45: {  	s2 =	sshll.u32 s11, $0x6;
	_ =	swait.ge [sflag:s7], $0x280  }
0x46: {  	s11 =	sor.u32 $0x1C04, s2;
	s5 =	rddreg [dreg:$0x11]  }
0x47: {  	[sflag:s7] =	ssyncset.done $0x0;
	s4 =	sshrl.u32 s5, $0x3;
	s5 =	rddreg [dreg:$0xa]  }
.Ltmp2:
0x48: {  	[sflag:s7] =	ssyncadd.s32 $0xFFFFFD80;
	[smem:$0x7F9] =	sst s4;
	(pc) =	sbr.rel @!p0 .LBB2_2-.Ltmp2, $4  }
0x49: {  	[spmem:s4], [sflag:s11] =	dma.local [hbm:s5], $0x1900  }
0x4a: {  	_ =	swait.ge [sflag:s7], $0x1900  }
0x4b: {  	[sflag:s7] =	ssyncset.done $0x0  }
0x4c: {  	[smem:$0x7FA] =	sst s11;
	[sflag:s7] =	ssyncadd.s32 $0xFFFFE700  }
0x4d: {  	s4 =	sld [smem:$0x7FB];
	_ =	sdelay $0x1  }
0x4e: {  	s2 =	rddreg [dreg:$0xb]  }
0x4f: {  	[spmem:s4], [sflag:s11] =	dma.local [hbm:s2], $0xC80  }
0x50: {  	_ =	swait.ge [sflag:s7], $0xC80  }
0x51: {  	[sflag:s7] =	ssyncset.done $0x0  }
0x52: {  	[sflag:s7] =	ssyncadd.s32 $0xFFFFF380  }
0x53: {  	[bflag:$0x0] =	sbarrier.arrive $0xFFFF  }
0x54: {  	s23 =	rddreg [dreg:$0x8]  }
0x55: {  	s10 =	sadd.s32 $0x0, s23  }
0x56: {  	[tilespmem:s12], [sflag:$0x4] =	stream.linear.gather [hbm4b:s10+s6], $0x280, $0x38;
	[tilespmem:$0x1E628] =	vst v63  }
0x57: {  	_ =	swait.ge [sflag:s7], $0x280  }
0x58: {  	[sflag:s7] =	ssyncset.done $0x0  }
0x59: {  	s11 =	sadd.s32 $0x0, s9;
	[sflag:s7] =	ssyncadd.s32 $0xFFFFFD80  }
0x5a: {  	[tilespmem:s18], [sflag:$0x4] =	stream.linear.gather [hbm4b:s11+s6], $0x280, $0x38;
	[tilespmem:$0x1E628] =	vst v63  }
0x5b: {  	_ =	swait.ge [sflag:s7], $0x280  }
0x5c: {  	[sflag:s7] =	ssyncset.done $0x0  }
0x5d: {  	s24 =	rddreg [dreg:$0x7];
	[sflag:s7] =	ssyncadd.s32 $0xFFFFFD80  }
0x5e: {  	[tilespmem:s20], [sflag:$0x3] =	stream.indirect.gather [hbm4b:s24+s19], $0x10, s12, s19, $0xb8;
	[tilespmem:$0x1E628] =	vst v63  }
0x5f: {  	s24 =	rddreg [dreg:$0x9]  }
0x60: {  	[tilespmem:s21], [sflag:$0x3] =	stream.indirect.gather [hbm4b:s24+s19], $0x8, s18, s19, $0xb8;
	[tilespmem:$0x1E628] =	vst v63  }
0x61: {  	_ =	swait.ge [sflag:s22], $0x2800  }
0x62: {  	[sflag:s22] =	ssyncset.done $0x0  }
0x63: {  	[sflag:s22] =	ssyncadd.s32 $0xFFFFD800  }
0x64: {  	_ =	swait.ge [sflag:s22], $0x1400  }
0x65: {  	[sflag:s22] =	ssyncset.done $0x0  }
0x66: {  	s26 =	rddreg [dreg:$0x1c];
	[sflag:s22] =	ssyncadd.s32 $0xFFFFEC00  }
0x67: {  	[hbm4b:s26+s6] =	stream.linear.scatter [tilespmem:s20], [sflag:$0x4], $0x2800, $0x38;
	[tilespmem:$0x1E628] =	vst v63  }
0x68: {  	_ =	swait.ge [sflag:s7], $0x2800  }
0x69: {  	[sflag:s7] =	ssyncset.done $0x0  }
0x6a: {  	s8 =	simm.s32 $0xA0;
	s5 =	rddreg [dreg:$0x1e];
	[sflag:s7] =	ssyncadd.s32 $0xFFFFD800  }
0x6b: {  	[hbm4b:s5+s6] =	stream.linear.scatter [tilespmem:s21], [sflag:$0x4], $0x1400, $0x38;
	[tilespmem:$0x1E628] =	vst v63  }
0x6c: {  	s4 =	simm.s32 $0x50;
	s10 =	sadd.s32 $0x500, s26;
	_ =	swait.ge [sflag:s7], $0x1400  }
0x6d: {  	s26 =	smov.u32 s9;
	s5 =	sadd.s32 $0x280, s5;
	[sflag:s7] =	ssyncset.done $0x0  }
.LBB2_8:
0x6e: {  	s9 =	sadd.s32 s4, s23;
	[sflag:s7] =	ssyncadd.s32 $0xFFFFEC00  }
0x6f: {  	[tilespmem:s12], [sflag:$0x4] =	stream.linear.gather [hbm4b:s9+s6], $0x280, $0x38;
	[tilespmem:$0x1E628] =	vst v63  }
0x70: {  	s9 =	rddreg [dreg:$0x7];
	_ =	swait.ge [sflag:s7], $0x280  }
0x71: {  	[sflag:s7] =	ssyncset.done $0x0  }
0x72: {  	s11 =	sadd.s32 s4, s26;
	[sflag:s7] =	ssyncadd.s32 $0xFFFFFD80  }
0x73: {  	[tilespmem:s18], [sflag:$0x4] =	stream.linear.gather [hbm4b:s11+s6], $0x280, $0x38;
	[tilespmem:$0x1E628] =	vst v63  }
0x74: {  	_ =	swait.ge [sflag:s7], $0x280  }
0x75: {  	[sflag:s7] =	ssyncset.done $0x0  }
0x76: {  	[sflag:s7] =	ssyncadd.s32 $0xFFFFFD80  }
0x77: {  	[tilespmem:s20], [sflag:$0x3] =	stream.indirect.gather [hbm4b:s9+s19], $0x10, s12, s19, $0xb8;
	[tilespmem:$0x1E628] =	vst v63  }
0x78: {  	_ = 	snop  }
0x79: {  	[tilespmem:s21], [sflag:$0x3] =	stream.indirect.gather [hbm4b:s24+s19], $0x8, s18, s19, $0xb8;
	[tilespmem:$0x1E628] =	vst v63  }
0x7a: {  	_ =	swait.ge [sflag:s22], $0x2800  }
0x7b: {  	[sflag:s22] =	ssyncset.done $0x0  }
0x7c: {  	[sflag:s22] =	ssyncadd.s32 $0xFFFFD800  }
0x7d: {  	_ =	swait.ge [sflag:s22], $0x1400  }
0x7e: {  	[sflag:s22] =	ssyncset.done $0x0  }
0x7f: {  	[sflag:s22] =	ssyncadd.s32 $0xFFFFEC00  }
0x80: {  	[hbm4b:s10+s6] =	stream.linear.scatter [tilespmem:s20], [sflag:$0x4], $0x2800, $0x38;
	[tilespmem:$0x1E628] =	vst v63  }
0x81: {  	p2 =	seq.s32 s8, $0x140;
	_ =	swait.ge [sflag:s7], $0x2800  }
.Ltmp3:
0x82: {  	s2 =	smov.u32 s8;
	[sflag:s7] =	ssyncset.done $0x0;
	(pc) =	sbr.rel @!p2 .LBB2_8-.Ltmp3, $4  }
0x83: {  	s23 =	sadd.s32 $0x50, s8;
	s4 =	smov.u32 s2;
	[sflag:s7] =	ssyncadd.s32 $0xFFFFD800  }
0x84: {  	[hbm4b:s5+s6] =	stream.linear.scatter [tilespmem:s21], [sflag:$0x4], $0x1400, $0x38;
	[tilespmem:$0x1E628] =	vst v63  }
0x85: {  	s8 =	smov.u32 s23;
	s10 =	sadd.s32 $0x500, s10;
	_ =	swait.ge [sflag:s7], $0x1400  }
0x86: {  	s5 =	sadd.s32 $0x280, s5;
	[sflag:s7] =	ssyncset.done $0x0;
	s23 =	rddreg [dreg:$0x8]  }
0x87: {  	s2 =	sadd.s32 s4, s23;
	[sflag:s7] =	ssyncadd.s32 $0xFFFFEC00  }
0x88: {  	[tilespmem:s12], [sflag:$0x4] =	stream.linear.gather [hbm4b:s2+s6], $0x280, $0x38;
	[tilespmem:$0x1E628] =	vst v63  }
0x89: {  	_ =	swait.ge [sflag:s7], $0x280  }
0x8a: {  	[sflag:s7] =	ssyncset.done $0x0  }
0x8b: {  	s4 =	sadd.s32 s4, s26;
	[sflag:s7] =	ssyncadd.s32 $0xFFFFFD80  }
0x8c: {  	[tilespmem:s18], [sflag:$0x4] =	stream.linear.gather [hbm4b:s4+s6], $0x280, $0x38;
	[tilespmem:$0x1E628] =	vst v63  }
0x8d: {  	_ =	swait.ge [sflag:s7], $0x280  }
0x8e: {  	[sflag:s7] =	ssyncset.done $0x0  }
0x8f: {  	[sflag:s7] =	ssyncadd.s32 $0xFFFFFD80  }
0x90: {  	[tilespmem:s20], [sflag:$0x3] =	stream.indirect.gather [hbm4b:s9+s19], $0x10, s12, s19, $0xb8;
	[tilespmem:$0x1E628] =	vst v63  }
0x91: {  	_ = 	snop  }
0x92: {  	[tilespmem:s21], [sflag:$0x3] =	stream.indirect.gather [hbm4b:s24+s19], $0x8, s18, s19, $0xb8;
	[tilespmem:$0x1E628] =	vst v63  }
0x93: {  	_ =	swait.ge [sflag:s22], $0x2800  }
0x94: {  	[sflag:s22] =	ssyncset.done $0x0  }
0x95: {  	[sflag:s22] =	ssyncadd.s32 $0xFFFFD800  }
0x96: {  	_ =	swait.ge [sflag:s22], $0x1400  }
0x97: {  	[sflag:s22] =	ssyncset.done $0x0  }
0x98: {  	[sflag:s22] =	ssyncadd.s32 $0xFFFFEC00  }
0x99: {  	[hbm4b:s10+s6] =	stream.linear.scatter [tilespmem:s20], [sflag:$0x4], $0x2800, $0x38;
	[tilespmem:$0x1E628] =	vst v63  }
0x9a: {  	_ =	swait.ge [sflag:s7], $0x2800  }
0x9b: {  	[sflag:s7] =	ssyncset.done $0x0  }
0x9c: {  	[sflag:s7] =	ssyncadd.s32 $0xFFFFD800  }
0x9d: {  	[hbm4b:s5+s6] =	stream.linear.scatter [tilespmem:s21], [sflag:$0x4], $0x1400, $0x38;
	[tilespmem:$0x1E628] =	vst v63  }
0x9e: {  	_ =	swait.ge [sflag:s7], $0x1400  }
0x9f: {  	[sflag:s7] =	ssyncset.done $0x0  }
0xa0: {  	[sflag:s7] =	ssyncadd.s32 $0xFFFFEC00  }
0xa1: {  	[bflag:$0x0] =	sbarrier.arrive $0xFFFF  }
0xa2: {  	s5 =	rddreg [dreg:$0x12]  }
0xa3: {  	[tilespmem:s28], [sflag:$0x4] =	stream.linear.gather [hbm4b:s5+s6], $0x200, $0x38;
	[tilespmem:$0x1E628] =	vst v63  }
0xa4: {  	_ =	swait.ge [sflag:s7], $0x200  }
0xa5: {  	[sflag:s7] =	ssyncset.done $0x0  }
0xa6: {  	s8 =	rddreg [dreg:$0x13];
	[sflag:s7] =	ssyncadd.s32 $0xFFFFFE00  }
0xa7: {  	[tilespmem:s31], [sflag:$0x4] =	stream.linear.gather [hbm4b:s8+s6], $0x200, $0x38;
	[tilespmem:$0x1E628] =	vst v63  }
0xa8: {  	_ =	swait.ge [sflag:s7], $0x200  }
0xa9: {  	[sflag:s7] =	ssyncset.done $0x0  }
0xaa: {  	s24 =	rddreg [dreg:$0xe];
	[sflag:s7] =	ssyncadd.s32 $0xFFFFFE00  }
0xab: {  	[tilespmem:s17], [sflag:$0x1] =	stream.indirect.gather [hbm4b:s24+s0], $0x10, s28, s0, $0xb8;
	[tilespmem:$0x1E628] =	vst v63  }
0xac: {  	s10 =	simm.s32 $0x180A8;
	s9 =	rddreg [dreg:$0xf]  }
0xad: {  	[tilespmem:s10], [sflag:$0x1] =	stream.indirect.gather [hbm4b:s9+s0], $0x8, s28, s0, $0xb8;
	[tilespmem:$0x1E628] =	vst v63  }
0xae: {  	s11 =	rddreg [dreg:$0x14]  }
0xaf: {  	[tilespmem:s13], [sflag:$0x4] =	stream.linear.gather [hbm4b:s11+s6], $0x200, $0x38;
	[tilespmem:$0x1E628] =	vst v63  }
0xb0: {  	_ =	swait.ge [sflag:s7], $0x200  }
0xb1: {  	[sflag:s7] =	ssyncset.done $0x0  }
0xb2: {  	s23 =	rddreg [dreg:$0x15];
	[sflag:s7] =	ssyncadd.s32 $0xFFFFFE00  }
0xb3: {  	[tilespmem:s3], [sflag:$0x4] =	stream.linear.gather [hbm4b:s23+s6], $0x200, $0x38;
	[tilespmem:$0x1E628] =	vst v63  }
0xb4: {  	_ =	swait.ge [sflag:s7], $0x200  }
0xb5: {  	[sflag:s7] =	ssyncset.done $0x0  }
0xb6: {  	[sflag:s7] =	ssyncadd.s32 $0xFFFFFE00  }
0xb7: {  	[tilespmem:s14], [sflag:$0x2] =	stream.indirect.gather [hbm4b:s24+s0], $0x10, s13, s0, $0xb8;
	[tilespmem:$0x1E628] =	vst v63  }
0xb8: {  	s26 =	simm.s32 $0x190A8;
	s4 =	simm.s32 $0xFFFFE780;
	s23 =	rddreg [dreg:$0x1]  }
0xb9: {  	[tilespmem:s26], [sflag:$0x2] =	stream.indirect.gather [hbm4b:s9+s0], $0x8, s13, s0, $0xb8;
	[tilespmem:$0x1E628] =	vst v63  }
0xba: {  	s11 =	smov.u32 s9;
	s9 =	rddreg [dreg:$0x2];
	s26 =	simm.s32 $0x1E1A8  }
.LBB2_10:
0xbb: {  	_ =	swait.ge [sflag:s16], $0x2000  }
0xbc: {  	[sflag:s16] =	ssyncset.done $0x0  }
0xbd: {  	[sflag:s16] =	ssyncadd.s32 $0xFFFFE000  }
0xbe: {  	_ =	swait.ge [sflag:s16], $0x1000  }
0xbf: {  	[sflag:s16] =	ssyncset.done $0x0  }
0xc0: {  	[sflag:s16] =	ssyncadd.s32 $0xFFFFF000  }
0xc1: {  	[spmem:s9] =	stream.indirect.scatter.add.f32 [tilespmem:s17], [sflag:$0x4], $0x10, s31, s0, $0xb8;
	[tilespmem:$0x1E628] =	vst v63  }
0xc2: {  	_ =	swait.ge [sflag:s7], $0x2000  }
0xc3: {  	[sflag:s7] =	ssyncset.done $0x0  }
0xc4: {  	[sflag:s7] =	ssyncadd.s32 $0xFFFFE000  }
0xc5: {  	s2 =	simm.s32 $0x180A8;
	s5 =	rddreg [dreg:$0x3]  }
0xc6: {  	[spmem:s5] =	stream.indirect.scatter.add.f32 [tilespmem:s2], [sflag:$0x4], $0x8, s31, s0, $0xb8;
	[tilespmem:$0x1E628] =	vst v63  }
0xc7: {  	p2 =	seq.s32 s4, $0x0;
	_ =	swait.ge [sflag:s7], $0x1000  }
0xc8: {  	s8 =	simm.s32 @!p2 $0x138A8;
	s2 =	sadd.s32 @!p2 s4, s30;
	[sflag:s7] =	ssyncset.done $0x0  }
0xc9: {  	s5 =	simm.s32 @!p2 $0x0;
	s2 =	sadd.s32 @!p2 $0x1900, s2;
	[sflag:s7] =	ssyncadd.s32 $0xFFFFF000  }
0xca: {  	[tilespmem:s8], [sflag:$0x4] =	stream.linear.gather @!p2 [hbm4b:s2+s5], $0x200, $0x38;
	[tilespmem:$0x1E628] =	vst v63  }
0xcb: {  	s2 =	simm.s32 @!p2 $0x4  }
0xcc: {  	_ =	swait.ge @!p2 [sflag:s2], $0x200  }
0xcd: {  	s9 =	sadd.s32 @!p2 s4, s29;
	[sflag:s2] =	ssyncset.done @!p2 $0x0  }
0xce: {  	s10 =	simm.s32 @!p2 $0x13CA8;
	s9 =	sadd.s32 @!p2 $0x1900, s9;
	[sflag:s2] =	ssyncadd.s32 @!p2 $0xFFFFFE00  }
0xcf: {  	[tilespmem:s10], [sflag:$0x4] =	stream.linear.gather @!p2 [hbm4b:s9+s5], $0x200, $0x38;
	[tilespmem:$0x1E628] =	vst v63  }
0xd0: {  	s9 =	rddreg [dreg:$0x2];
	_ =	swait.ge @!p2 [sflag:s2], $0x200  }
0xd1: {  	[sflag:s2] =	ssyncset.done @!p2 $0x0  }
0xd2: {  	s5 =	simm.s32 @!p2 $0x140A8;
	[sflag:s2] =	ssyncadd.s32 @!p2 $0xFFFFFE00;
	s2 =	simm.s32 @!p2 $0x200  }
0xd3: {  	[tilespmem:s5], [sflag:$0x1] =	stream.indirect.gather @!p2 [hbm4b:s24+s2], $0x10, s8, s2, $0xb8;
	[tilespmem:$0x1E628] =	vst v63  }
0xd4: {  	s5 =	simm.s32 @!p2 $0x180A8  }
0xd5: {  	[tilespmem:s5], [sflag:$0x1] =	stream.indirect.gather @!p2 [hbm4b:s11+s2], $0x8, s8, s2, $0xb8;
	[tilespmem:$0x1E628] =	vst v63  }
0xd6: {  	_ =	swait.ge [sflag:s1], $0x2000  }
0xd7: {  	[sflag:s1] =	ssyncset.done $0x0  }
0xd8: {  	[sflag:s1] =	ssyncadd.s32 $0xFFFFE000  }
0xd9: {  	_ =	swait.ge [sflag:s1], $0x1000  }
0xda: {  	[sflag:s1] =	ssyncset.done $0x0  }
0xdb: {  	[sflag:s1] =	ssyncadd.s32 $0xFFFFF000  }
0xdc: {  	[spmem:s9] =	stream.indirect.scatter.add.f32 [tilespmem:s14], [sflag:$0x4], $0x10, s3, s0, $0xb8;
	[tilespmem:$0x1E628] =	vst v63  }
0xdd: {  	_ =	swait.ge [sflag:s7], $0x2000  }
0xde: {  	[sflag:s7] =	ssyncset.done $0x0  }
0xdf: {  	[sflag:s7] =	ssyncadd.s32 $0xFFFFE000  }
.Ltmp4:
0xe0: {  	s8 =	simm.s32 $0x190A8;
	s10 =	rddreg [dreg:$0x3];
	(pc) =	sbr.rel @p2 .LBB2_12-.Ltmp4, $4  }
0xe1: {  	[spmem:s10] =	stream.indirect.scatter.add.f32 [tilespmem:s8], [sflag:$0x4], $0x8, s3, s0, $0xb8;
	[tilespmem:$0x1E628] =	vst v63  }
0xe2: {  	_ =	swait.ge [sflag:s7], $0x1000  }
0xe3: {  	[sflag:s7] =	ssyncset.done $0x0  }
0xe4: {  	s8 =	simm.s32 $0x190A8;
	[sflag:s7] =	ssyncadd.s32 $0xFFFFF000  }
0xe5: {  	s2 =	sadd.s32 s4, s30  }
0xe6: {  	s2 =	sadd.s32 $0x1940, s2  }
0xe7: {  	[tilespmem:s13], [sflag:$0x4] =	stream.linear.gather [hbm4b:s2+s6], $0x200, $0x38;
	[tilespmem:$0x1E628] =	vst v63  }
0xe8: {  	_ =	swait.ge [sflag:s7], $0x200  }
0xe9: {  	s10 =	sadd.s32 s4, s29;
	[sflag:s7] =	ssyncset.done $0x0  }
0xea: {  	s2 =	sadd.s32 $0x1940, s10;
	[sflag:s7] =	ssyncadd.s32 $0xFFFFFE00  }
0xeb: {  	[tilespmem:s3], [sflag:$0x4] =	stream.linear.gather [hbm4b:s2+s6], $0x200, $0x38;
	[tilespmem:$0x1E628] =	vst v63  }
0xec: {  	_ =	swait.ge [sflag:s7], $0x200  }
.Ltmp5:
0xed: {  	[sflag:s7] =	ssyncset.done $0x0;
	(pc) =	sbr.rel .LBB2_10-.Ltmp5, $4  }
0xee: {  	[sflag:s7] =	ssyncadd.s32 $0xFFFFFE00  }
0xef: {  	[tilespmem:s14], [sflag:$0x2] =	stream.indirect.gather [hbm4b:s24+s0], $0x10, s13, s0, $0xb8;
	[tilespmem:$0x1E628] =	vst v63  }
0xf0: {  	s4 =	sadd.s32 $0x80, s4  }
0xf1: {  	[tilespmem:s8], [sflag:$0x2] =	stream.indirect.gather [hbm4b:s11+s0], $0x8, s13, s0, $0xb8;
	[tilespmem:$0x1E628] =	vst v63  }
.LBB2_2:
0xf2: {  	s2 =	rddreg [dreg:$0x1d]  }
0xf3: {  	s4 =	sshrl.u32 s2, $0x3;
	s2 =	rddreg [dreg:$0xc]  }
0xf4: {  	[smem:$0x7F6] =	sst s4  }
0xf5: {  	[spmem:s4], [sflag:s11] =	dma.local [hbm:s2], $0x190  }
0xf6: {  	_ =	swait.ge [sflag:s7], $0x190  }
0xf7: {  	[sflag:s7] =	ssyncset.done $0x0  }
0xf8: {  	[sflag:s7] =	ssyncadd.s32 $0xFFFFFE70  }
0xf9: {  	s5 =	rddreg [dreg:$0x5]  }
0xfa: {  	s4 =	sshrl.u32 @!p1 s5, $0x3  }
0xfb: {  	[smem:$0x7F7] =	sst s4  }
0xfc: {  	[spmem:s4], [sflag:s11] =	dma.local @!p1 [hbm:s2], $0x50  }
0xfd: {  	s4 =	simm.s32 @!p1 $0x4  }
0xfe: {  	_ =	swait.ge @!p1 [sflag:s4], $0x50  }
0xff: {  	[sflag:s4] =	ssyncset.done @!p1 $0x0  }
0x100: {  	[sflag:s4] =	ssyncadd.s32 @!p1 $0xFFFFFFB0  }
0x101: {  	s11 =	sadd.s32 $0x0, s10;
	[bflag:$0x0] =	sbarrier.arrive $0xFFFF  }
0x102: {  	[tilespmem:s12], [sflag:$0x4] =	stream.linear.gather [hbm4b:s11+s6], $0x280, $0x38;
	[tilespmem:$0x1E628] =	vst v63  }
0x103: {  	_ =	swait.ge [sflag:s7], $0x280  }
0x104: {  	[sflag:s7] =	ssyncset.done $0x0  }
0x105: {  	s4 =	sadd.s32 $0x0, s8;
	[sflag:s7] =	ssyncadd.s32 $0xFFFFFD80  }
0x106: {  	[tilespmem:s18], [sflag:$0x4] =	stream.linear.gather [hbm4b:s4+s6], $0x280, $0x38;
	[tilespmem:$0x1E628] =	vst v63  }
0x107: {  	_ =	swait.ge [sflag:s7], $0x280  }
0x108: {  	[sflag:s7] =	ssyncset.done $0x0  }
0x109: {  	[sflag:s7] =	ssyncadd.s32 $0xFFFFFD80  }
0x10a: {  	[tilespmem:s20], [sflag:$0x3] =	stream.indirect.gather [hbm4b:s23+s19], $0x10, s12, s19, $0xb8;
	[tilespmem:$0x1E628] =	vst v63  }
0x10b: {  	_ =	swait.ge [sflag:s22], $0x2800  }
0x10c: {  	[sflag:s22] =	ssyncset.done $0x0  }
0x10d: {  	s9 =	rddreg [dreg:$0x1b];
	[sflag:s22] =	ssyncadd.s32 $0xFFFFD800  }
0x10e: {  	[hbm4b:s9+s6] =	stream.linear.scatter [tilespmem:s20], [sflag:$0x4], $0x2800, $0x38;
	[tilespmem:$0x1E628] =	vst v63  }
0x10f: {  	_ =	swait.ge [sflag:s7], $0x2800  }
0x110: {  	[sflag:s7] =	ssyncset.done $0x0  }
0x111: {  	s11 =	simm.s32 $0x1E3A8;
	[sflag:s7] =	ssyncadd.s32 $0xFFFFD800  }
0x112: {  	[spmem:s5] =	stream.indirect.scatter.add.f32 [tilespmem:s24], [sflag:$0x4], $0x1, s18, s19, $0xb8;
	[tilespmem:$0x1E628] =	vst v63  }
0x113: {  	s4 =	sadd.s32 $0x500, s9;
	s5 =	simm.s32 $0x50;
	_ =	swait.ge [sflag:s7], $0x280  }
0x114: {  	s24 =	smov.u32 s8;
	s8 =	simm.s32 $0xA0;
	[sflag:s7] =	ssyncset.done $0x0  }
.LBB2_3:
0x115: {  	s2 =	sadd.s32 s5, s10;
	[sflag:s7] =	ssyncadd.s32 $0xFFFFFD80  }
0x116: {  	[tilespmem:s12], [sflag:$0x4] =	stream.linear.gather [hbm4b:s2+s6], $0x280, $0x38;
	[tilespmem:$0x1E628] =	vst v63  }
0x117: {  	_ =	swait.ge [sflag:s7], $0x280  }
0x118: {  	s9 =	smov.u32 s8;
	s10 =	sadd.s32 $0x50, s8;
	[sflag:s7] =	ssyncset.done $0x0  }
0x119: {  	p2 =	sne.s32 s8, $0x140;
	s8 =	sadd.s32 s5, s24;
	[sflag:s7] =	ssyncadd.s32 $0xFFFFFD80  }
0x11a: {  	[tilespmem:s18], [sflag:$0x4] =	stream.linear.gather [hbm4b:s8+s6], $0x280, $0x38;
	[tilespmem:$0x1E628] =	vst v63  }
0x11b: {  	s5 =	smov.u32 s9;
	s9 =	rddreg [dreg:$0x5];
	_ =	swait.ge [sflag:s7], $0x280  }
0x11c: {  	[sflag:s7] =	ssyncset.done $0x0  }
0x11d: {  	[sflag:s7] =	ssyncadd.s32 $0xFFFFFD80  }
0x11e: {  	[tilespmem:s20], [sflag:$0x3] =	stream.indirect.gather [hbm4b:s23+s19], $0x10, s12, s19, $0xb8;
	[tilespmem:$0x1E628] =	vst v63  }
0x11f: {  	_ =	swait.ge [sflag:s22], $0x2800  }
0x120: {  	[sflag:s22] =	ssyncset.done $0x0  }
0x121: {  	[sflag:s22] =	ssyncadd.s32 $0xFFFFD800  }
0x122: {  	[hbm4b:s4+s6] =	stream.linear.scatter [tilespmem:s20], [sflag:$0x4], $0x2800, $0x38;
	[tilespmem:$0x1E628] =	vst v63  }
0x123: {  	_ =	swait.ge [sflag:s7], $0x2800  }
.Ltmp6:
0x124: {  	[sflag:s7] =	ssyncset.done $0x0;
	(pc) =	sbr.rel @p2 .LBB2_3-.Ltmp6, $4  }
0x125: {  	[sflag:s7] =	ssyncadd.s32 $0xFFFFD800  }
0x126: {  	[spmem:s9] =	stream.indirect.scatter.add.f32 [tilespmem:s11], [sflag:$0x4], $0x1, s18, s19, $0xb8;
	[tilespmem:$0x1E628] =	vst v63  }
0x127: {  	s8 =	smov.u32 s10;
	_ =	swait.ge [sflag:s7], $0x280  }
0x128: {  	s10 =	smov.u32 s25;
	s4 =	sadd.s32 $0x500, s4;
	[sflag:s7] =	ssyncset.done $0x0  }
0x129: {  	s2 =	sadd.s32 s5, s10;
	[sflag:s7] =	ssyncadd.s32 $0xFFFFFD80  }
0x12a: {  	[tilespmem:s12], [sflag:$0x4] =	stream.linear.gather [hbm4b:s2+s6], $0x280, $0x38;
	[tilespmem:$0x1E628] =	vst v63  }
0x12b: {  	_ =	swait.ge [sflag:s7], $0x280  }
0x12c: {  	[sflag:s7] =	ssyncset.done $0x0  }
0x12d: {  	s10 =	sadd.s32 s5, s24;
	[sflag:s7] =	ssyncadd.s32 $0xFFFFFD80  }
0x12e: {  	[tilespmem:s18], [sflag:$0x4] =	stream.linear.gather [hbm4b:s10+s6], $0x280, $0x38;
	[tilespmem:$0x1E628] =	vst v63  }
0x12f: {  	_ =	swait.ge [sflag:s7], $0x280  }
0x130: {  	[sflag:s7] =	ssyncset.done $0x0  }
0x131: {  	[sflag:s7] =	ssyncadd.s32 $0xFFFFFD80  }
0x132: {  	[tilespmem:s20], [sflag:$0x3] =	stream.indirect.gather [hbm4b:s23+s19], $0x10, s12, s19, $0xb8;
	[tilespmem:$0x1E628] =	vst v63  }
0x133: {  	_ =	swait.ge [sflag:s22], $0x2800  }
0x134: {  	[sflag:s22] =	ssyncset.done $0x0  }
0x135: {  	[sflag:s22] =	ssyncadd.s32 $0xFFFFD800  }
0x136: {  	[hbm4b:s4+s6] =	stream.linear.scatter [tilespmem:s20], [sflag:$0x4], $0x2800, $0x38;
	[tilespmem:$0x1E628] =	vst v63  }
0x137: {  	_ =	swait.ge [sflag:s7], $0x2800  }
0x138: {  	[sflag:s7] =	ssyncset.done $0x0  }
0x139: {  	[sflag:s7] =	ssyncadd.s32 $0xFFFFD800  }
0x13a: {  	[spmem:s9] =	stream.indirect.scatter.add.f32 [tilespmem:s11], [sflag:$0x4], $0x1, s18, s19, $0xb8;
	[tilespmem:$0x1E628] =	vst v63  }
0x13b: {  	_ =	swait.ge [sflag:s7], $0x280  }
0x13c: {  	[sflag:s7] =	ssyncset.done $0x0  }
0x13d: {  	[sflag:s7] =	ssyncadd.s32 $0xFFFFFD80  }
0x13e: {  	[bflag:$0x0] =	sbarrier.arrive $0xFFFF  }
0x13f: {  	s11 =	rddreg [dreg:$0x12]  }
0x140: {  	[tilespmem:s28], [sflag:$0x4] =	stream.linear.gather [hbm4b:s11+s6], $0x200, $0x38;
	[tilespmem:$0x1E628] =	vst v63  }
0x141: {  	_ =	swait.ge [sflag:s7], $0x200  }
0x142: {  	[sflag:s7] =	ssyncset.done $0x0  }
0x143: {  	s24 =	rddreg [dreg:$0x13];
	[sflag:s7] =	ssyncadd.s32 $0xFFFFFE00  }
0x144: {  	[tilespmem:s31], [sflag:$0x4] =	stream.linear.gather [hbm4b:s24+s6], $0x200, $0x38;
	[tilespmem:$0x1E628] =	vst v63  }
0x145: {  	_ =	swait.ge [sflag:s7], $0x200  }
0x146: {  	[sflag:s7] =	ssyncset.done $0x0  }
0x147: {  	[sflag:s7] =	ssyncadd.s32 $0xFFFFFE00  }
0x148: {  	[tilespmem:s17], [sflag:$0x1] =	stream.indirect.gather [hbm4b:s15+s0], $0x10, s28, s0, $0xb8;
	[tilespmem:$0x1E628] =	vst v63  }
0x149: {  	s4 =	rddreg [dreg:$0x14]  }
0x14a: {  	[tilespmem:s13], [sflag:$0x4] =	stream.linear.gather [hbm4b:s4+s6], $0x200, $0x38;
	[tilespmem:$0x1E628] =	vst v63  }
0x14b: {  	_ =	swait.ge [sflag:s7], $0x200  }
0x14c: {  	[sflag:s7] =	ssyncset.done $0x0  }
0x14d: {  	s5 =	rddreg [dreg:$0x15];
	[sflag:s7] =	ssyncadd.s32 $0xFFFFFE00  }
0x14e: {  	[tilespmem:s3], [sflag:$0x4] =	stream.linear.gather [hbm4b:s5+s6], $0x200, $0x38;
	[tilespmem:$0x1E628] =	vst v63  }
0x14f: {  	_ =	swait.ge [sflag:s7], $0x200  }
0x150: {  	[sflag:s7] =	ssyncset.done $0x0  }
0x151: {  	[sflag:s7] =	ssyncadd.s32 $0xFFFFFE00  }
0x152: {  	[tilespmem:s14], [sflag:$0x2] =	stream.indirect.gather [hbm4b:s15+s0], $0x10, s13, s0, $0xb8;
	[tilespmem:$0x1E628] =	vst v63  }
0x153: {  	_ =	swait.ge [sflag:s16], $0x2000  }
0x154: {  	[sflag:s16] =	ssyncset.done $0x0  }
0x155: {  	[sflag:s16] =	ssyncadd.s32 $0xFFFFE000  }
0x156: {  	s9 =	rddreg [dreg:$0x2]  }
0x157: {  	[spmem:s9] =	stream.indirect.scatter.add.f32 [tilespmem:s17], [sflag:$0x4], $0x10, s31, s0, $0xb8;
	[tilespmem:$0x1E628] =	vst v63  }
0x158: {  	_ =	swait.ge [sflag:s7], $0x2000  }
0x159: {  	[sflag:s7] =	ssyncset.done $0x0  }
0x15a: {  	[sflag:s7] =	ssyncadd.s32 $0xFFFFE000  }
0x15b: {  	s10 =	rddreg [dreg:$0x4]  }
0x15c: {  	[spmem:s10] =	stream.indirect.scatter.add.f32 [tilespmem:s26], [sflag:$0x4], $0x1, s31, s0, $0xb8;
	[tilespmem:$0x1E628] =	vst v63  }
0x15d: {  	_ =	swait.ge [sflag:s7], $0x200  }
0x15e: {  	s2 =	sadd.s32 $0xFFFFE780, s30;
	[sflag:s7] =	ssyncset.done $0x0  }
0x15f: {  	s8 =	sadd.s32 $0x1900, s2;
	[sflag:s7] =	ssyncadd.s32 $0xFFFFFE00  }
0x160: {  	[tilespmem:s28], [sflag:$0x4] =	stream.linear.gather [hbm4b:s8+s6], $0x200, $0x38;
	[tilespmem:$0x1E628] =	vst v63  }
0x161: {  	_ =	swait.ge [sflag:s7], $0x200  }
0x162: {  	s11 =	sadd.s32 $0xFFFFE780, s29;
	[sflag:s7] =	ssyncset.done $0x0  }
0x163: {  	s8 =	sadd.s32 $0x1900, s11;
	[sflag:s7] =	ssyncadd.s32 $0xFFFFFE00  }
0x164: {  	[tilespmem:s31], [sflag:$0x4] =	stream.linear.gather [hbm4b:s8+s6], $0x200, $0x38;
	[tilespmem:$0x1E628] =	vst v63  }
0x165: {  	_ =	swait.ge [sflag:s7], $0x200  }
0x166: {  	[sflag:s7] =	ssyncset.done $0x0  }
0x167: {  	[sflag:s7] =	ssyncadd.s32 $0xFFFFFE00  }
0x168: {  	[tilespmem:s17], [sflag:$0x1] =	stream.indirect.gather [hbm4b:s15+s0], $0x10, s28, s0, $0xb8;
	[tilespmem:$0x1E628] =	vst v63  }
0x169: {  	_ =	swait.ge [sflag:s1], $0x2000  }
0x16a: {  	[sflag:s1] =	ssyncset.done $0x0  }
0x16b: {  	[sflag:s1] =	ssyncadd.s32 $0xFFFFE000  }
0x16c: {  	[spmem:s9] =	stream.indirect.scatter.add.f32 [tilespmem:s14], [sflag:$0x4], $0x10, s3, s0, $0xb8;
	[tilespmem:$0x1E628] =	vst v63  }
0x16d: {  	_ =	swait.ge [sflag:s7], $0x2000  }
0x16e: {  	[sflag:s7] =	ssyncset.done $0x0  }
0x16f: {  	[sflag:s7] =	ssyncadd.s32 $0xFFFFE000  }
0x170: {  	[spmem:s10] =	stream.indirect.scatter.add.f32 [tilespmem:s26], [sflag:$0x4], $0x1, s3, s0, $0xb8;
	[tilespmem:$0x1E628] =	vst v63  }
0x171: {  	_ =	swait.ge [sflag:s7], $0x200  }
0x172: {  	[sflag:s7] =	ssyncset.done $0x0  }
0x173: {  	s2 =	sadd.s32 $0x1940, s2;
	[sflag:s7] =	ssyncadd.s32 $0xFFFFFE00  }
0x174: {  	[tilespmem:s13], [sflag:$0x4] =	stream.linear.gather [hbm4b:s2+s6], $0x200, $0x38;
	[tilespmem:$0x1E628] =	vst v63  }
0x175: {  	_ =	swait.ge [sflag:s7], $0x200  }
0x176: {  	[sflag:s7] =	ssyncset.done $0x0  }
0x177: {  	s11 =	sadd.s32 $0x1940, s11;
	[sflag:s7] =	ssyncadd.s32 $0xFFFFFE00  }
0x178: {  	[tilespmem:s3], [sflag:$0x4] =	stream.linear.gather [hbm4b:s11+s6], $0x200, $0x38;
	[tilespmem:$0x1E628] =	vst v63  }
0x179: {  	_ =	swait.ge [sflag:s7], $0x200  }
0x17a: {  	s24 =	simm.s32 $0x1E3A8;
	[sflag:s7] =	ssyncset.done $0x0  }
0x17b: {  	s5 =	simm.s32 $0xFFFFE800;
	s11 =	sld [smem:$0x7FA];
	[sflag:s7] =	ssyncadd.s32 $0xFFFFFE00  }
.LBB2_5:
0x17c: {  	[tilespmem:s14], [sflag:$0x2] =	stream.indirect.gather [hbm4b:s15+s0], $0x10, s13, s0, $0xb8;
	[tilespmem:$0x1E628] =	vst v63  }
0x17d: {  	s2 =	smov.u32 s5  }
0x17e: {  	p2 =	seq.s32 s5, $0xFFFFFF80;
	s5 =	sadd.s32 $0x80, s5;
	_ =	swait.ge [sflag:s16], $0x2000  }
0x17f: {  	[sflag:s16] =	ssyncset.done $0x0  }
0x180: {  	[sflag:s16] =	ssyncadd.s32 $0xFFFFE000  }
0x181: {  	[spmem:s9] =	stream.indirect.scatter.add.f32 [tilespmem:s17], [sflag:$0x4], $0x10, s31, s0, $0xb8;
	[tilespmem:$0x1E628] =	vst v63  }
0x182: {  	_ =	swait.ge [sflag:s7], $0x2000  }
0x183: {  	[sflag:s7] =	ssyncset.done $0x0  }
0x184: {  	[sflag:s7] =	ssyncadd.s32 $0xFFFFE000  }
0x185: {  	[spmem:s10] =	stream.indirect.scatter.add.f32 [tilespmem:s26], [sflag:$0x4], $0x1, s31, s0, $0xb8;
	[tilespmem:$0x1E628] =	vst v63  }
0x186: {  	_ =	swait.ge [sflag:s7], $0x200  }
0x187: {  	s4 =	sadd.s32 s2, s30;
	[sflag:s7] =	ssyncset.done $0x0  }
0x188: {  	s8 =	sadd.s32 $0x1900, s4;
	[sflag:s7] =	ssyncadd.s32 $0xFFFFFE00  }
0x189: {  	[tilespmem:s28], [sflag:$0x4] =	stream.linear.gather [hbm4b:s8+s6], $0x200, $0x38;
	[tilespmem:$0x1E628] =	vst v63  }
0x18a: {  	_ =	swait.ge [sflag:s7], $0x200  }
0x18b: {  	s2 =	sadd.s32 s2, s29;
	[sflag:s7] =	ssyncset.done $0x0  }
0x18c: {  	s8 =	sadd.s32 $0x1900, s2;
	[sflag:s7] =	ssyncadd.s32 $0xFFFFFE00  }
0x18d: {  	[tilespmem:s31], [sflag:$0x4] =	stream.linear.gather [hbm4b:s8+s6], $0x200, $0x38;
	[tilespmem:$0x1E628] =	vst v63  }
0x18e: {  	_ =	swait.ge [sflag:s7], $0x200  }
0x18f: {  	[sflag:s7] =	ssyncset.done $0x0  }
0x190: {  	[sflag:s7] =	ssyncadd.s32 $0xFFFFFE00  }
0x191: {  	[tilespmem:s17], [sflag:$0x1] =	stream.indirect.gather [hbm4b:s15+s0], $0x10, s28, s0, $0xb8;
	[tilespmem:$0x1E628] =	vst v63  }
0x192: {  	_ =	swait.ge [sflag:s1], $0x2000  }
0x193: {  	[sflag:s1] =	ssyncset.done $0x0  }
0x194: {  	[sflag:s1] =	ssyncadd.s32 $0xFFFFE000  }
0x195: {  	[spmem:s9] =	stream.indirect.scatter.add.f32 [tilespmem:s14], [sflag:$0x4], $0x10, s3, s0, $0xb8;
	[tilespmem:$0x1E628] =	vst v63  }
0x196: {  	_ =	swait.ge [sflag:s7], $0x2000  }
0x197: {  	[sflag:s7] =	ssyncset.done $0x0  }
0x198: {  	[sflag:s7] =	ssyncadd.s32 $0xFFFFE000  }
0x199: {  	[spmem:s10] =	stream.indirect.scatter.add.f32 [tilespmem:s26], [sflag:$0x4], $0x1, s3, s0, $0xb8;
	[tilespmem:$0x1E628] =	vst v63  }
0x19a: {  	_ =	swait.ge [sflag:s7], $0x200  }
0x19b: {  	[sflag:s7] =	ssyncset.done $0x0  }
0x19c: {  	s4 =	sadd.s32 $0x1940, s4;
	[sflag:s7] =	ssyncadd.s32 $0xFFFFFE00  }
0x19d: {  	[tilespmem:s13], [sflag:$0x4] =	stream.linear.gather [hbm4b:s4+s6], $0x200, $0x38;
	[tilespmem:$0x1E628] =	vst v63  }
0x19e: {  	_ =	swait.ge [sflag:s7], $0x200  }
0x19f: {  	[sflag:s7] =	ssyncset.done $0x0  }
.Ltmp7:
0x1a0: {  	s2 =	sadd.s32 $0x1940, s2;
	[sflag:s7] =	ssyncadd.s32 $0xFFFFFE00;
	(pc) =	sbr.rel @!p2 .LBB2_5-.Ltmp7, $4  }
0x1a1: {  	[tilespmem:s3], [sflag:$0x4] =	stream.linear.gather [hbm4b:s2+s6], $0x200, $0x38;
	[tilespmem:$0x1E628] =	vst v63  }
0x1a2: {  	_ =	swait.ge [sflag:s7], $0x200  }
0x1a3: {  	[sflag:s7] =	ssyncset.done $0x0  }
0x1a4: {  	[sflag:s7] =	ssyncadd.s32 $0xFFFFFE00  }
0x1a5: {  	[tilespmem:s14], [sflag:$0x2] =	stream.indirect.gather [hbm4b:s15+s0], $0x10, s13, s0, $0xb8;
	[tilespmem:$0x1E628] =	vst v63  }
0x1a6: {  	_ =	swait.ge [sflag:s16], $0x2000  }
0x1a7: {  	[sflag:s16] =	ssyncset.done $0x0  }
0x1a8: {  	[sflag:s16] =	ssyncadd.s32 $0xFFFFE000  }
0x1a9: {  	[spmem:s9] =	stream.indirect.scatter.add.f32 [tilespmem:s17], [sflag:$0x4], $0x10, s31, s0, $0xb8;
	[tilespmem:$0x1E628] =	vst v63  }
0x1aa: {  	_ =	swait.ge [sflag:s7], $0x2000  }
0x1ab: {  	[sflag:s7] =	ssyncset.done $0x0  }
0x1ac: {  	[sflag:s7] =	ssyncadd.s32 $0xFFFFE000  }
0x1ad: {  	[spmem:s10] =	stream.indirect.scatter.add.f32 [tilespmem:s26], [sflag:$0x4], $0x1, s31, s0, $0xb8;
	[tilespmem:$0x1E628] =	vst v63  }
0x1ae: {  	_ =	swait.ge [sflag:s7], $0x200  }
0x1af: {  	[sflag:s7] =	ssyncset.done $0x0  }
0x1b0: {  	[sflag:s7] =	ssyncadd.s32 $0xFFFFFE00  }
0x1b1: {  	_ =	swait.ge [sflag:s1], $0x2000  }
0x1b2: {  	[sflag:s1] =	ssyncset.done $0x0  }
0x1b3: {  	[sflag:s1] =	ssyncadd.s32 $0xFFFFE000  }
0x1b4: {  	[spmem:s9] =	stream.indirect.scatter.add.f32 [tilespmem:s14], [sflag:$0x4], $0x10, s3, s0, $0xb8;
	[tilespmem:$0x1E628] =	vst v63  }
0x1b5: {  	_ =	swait.ge [sflag:s7], $0x2000  }
0x1b6: {  	[sflag:s7] =	ssyncset.done $0x0  }
0x1b7: {  	[sflag:s7] =	ssyncadd.s32 $0xFFFFE000  }
0x1b8: {  	[spmem:s10] =	stream.indirect.scatter.add.f32 [tilespmem:s26], [sflag:$0x4], $0x1, s3, s0, $0xb8;
	[tilespmem:$0x1E628] =	vst v63  }
0x1b9: {  	_ =	swait.ge [sflag:s7], $0x200  }
0x1ba: {  	[sflag:s7] =	ssyncset.done $0x0  }
0x1bb: {  	[sflag:s7] =	ssyncadd.s32 $0xFFFFFE00  }
0x1bc: {  	[bflag:$0x0] =	sbarrier.arrive $0xFFFF  }
0x1bd: {  	s4 =	sld [smem:$0x7F9];
	_ =	sdelay $0x1  }
0x1be: {  	s2 =	rddreg [dreg:$0x17]  }
0x1bf: {  	[hbm:s2], [sflag:s11] =	dma.local [spmem:s4], $0x1900  }
0x1c0: {  	_ =	swait.ge [sflag:s7], $0x1900  }
0x1c1: {  	s10 =	sld [smem:$0x7F6]  }
0x1c2: {  	[sflag:s7] =	ssyncset.done $0x0  }
0x1c3: {  	s9 =	rddreg [dreg:$0x16];
	[sflag:s7] =	ssyncadd.s32 $0xFFFFE700  }
0x1c4: {  	[hbm:s9], [sflag:s11] =	dma.local [spmem:s10], $0x190  }
0x1c5: {  	_ =	swait.ge [sflag:s7], $0x190  }
0x1c6: {  	s4 =	sld [smem:$0x7F7]  }
0x1c7: {  	[sflag:s7] =	ssyncset.done $0x0  }
0x1c8: {  	s2 =	rddreg [dreg:$0x10];
	[sflag:s7] =	ssyncadd.s32 $0xFFFFFE70  }
0x1c9: {  	[hbm:s2], [sflag:s11] =	dma.local @!p1 [spmem:s4], $0x50  }
.Ltmp8:
0x1ca: {  	_ = 	snop;
	(pc) =	sbr.rel .LBB2_13-.Ltmp8, $4  }
0x1cb: {  	s2 =	simm.s32 @!p1 $0x4  }
0x1cc: {  	_ =	swait.ge @!p1 [sflag:s2], $0x50  }
0x1cd: {  	[sflag:s2] =	ssyncset.done @!p1 $0x0;
	s8 =	rddreg [dreg:$0x1f]  }
0x1ce: {  	s4 =	sld [smem:$0x7F8];
	[sflag:s2] =	ssyncadd.s32 @!p1 $0xFFFFFFB0  }
.LBB2_14:
0x1cf: {  	_ =	sfence.sel $0x180000  }
0x1d0: {  	[bflag:$0x0] =	sbarrier.arrive $0xFFFF  }
0x1d1: {  	_ =	strace $0x90000047  }
0x1d2: {  	[bflag:$0x2] =	sbarrier.arrive $0xFFFF  }
0x1d3: {  	s0 =	rddreg [dreg:$0x6]  }
0x1d4: {  	s0 =	sadd.s32 @!p1 $0x100000, s0  }
0x1d5: {  	[sflag:s0] =	ssyncadd.tile.s32 @!p1 $0x1;
	_ =	shalt  }
.Lfunc_end2:
_tile_overlayer_lowered:
.L_overlay_start_2:
0x1d6: {  	(tag) =	ssettag $0x2  }
0x1d7: {  	s0 =	rddreg [dreg:$0x0];
	s2 =	stileid.u32  }
0x1d8: {  	s1 =	rddreg [dreg:$0x1];
	p0 =	sne.s32 s2, $0x0  }
0x1d9: {  	s3 =	rddreg [dreg:$0x2];
	[bflag:$0x3] =	sbarrier.arrive $0xFFFF;
	s2 =	simm.s32 @!p0 $0x1C04  }
0x1da: {  	[timem:s3], [sflag:s2] =	dma.local @!p0 [hbm:s0], s1  }
0x1db: {  	s0 =	simm.s32 @!p0 $0x4  }
0x1dc: {  	_ =	swait.ge @!p0 [sflag:s0], s1  }
0x1dd: {  	s1 =	ssub.s32 @!p0 $0x0, s1;
	[sflag:s0] =	ssyncset.done @!p0 $0x0  }
0x1de: {  	[sflag:s0] =	ssyncadd.s32 @!p0 s1  }
0x1df: {  	[bflag:$0x3] =	sbarrier.arrive $0xFFFF  }
0x1e0: {  	_ =	shalt  }

</sc_bundles>
